<compile_context>
chip_gen: v7x
topology: tpu7x:2x2x1
jax: 0.10.2.dev20260603
libtpu: 0.0.44.dev20260713+nightly
codegen_flags: <defaults>
</compile_context>

<pallas_src>
import functools

import jax
import jax.numpy as jnp
from jax import lax
from jax.experimental import pallas as pl
from jax.experimental.pallas import tpu as pltpu
from jax.experimental.pallas import tpu_sc as plsc

_LANES = 16
_NUM_WORKERS = 32
_IDX_CHUNK = 128
_SEG = 128
_SUB = 32


def _ahat_body(chunk, num_users, uid_hbm, iid_hbm, ahat_hbm, av_hbm,
               uid_v, iid_v, row0_v, row1_v, avc_v, sem0, sem1):
    wid = lax.axis_index("s") * 2 + lax.axis_index("c")
    base = wid * chunk

    pltpu.sync_copy(uid_hbm.at[pl.ds(base, chunk)], uid_v)
    pltpu.sync_copy(iid_hbm.at[pl.ds(base, chunk)], iid_v)

    iota = lax.iota(jnp.int32, _LANES)
    rows = (row0_v, row1_v)
    sems = (sem0, sem1)
    nrounds = chunk // _SUB

    def fire_round(r, row_v, sem):
        r0 = r * _SUB

        def fire_group(gk, carry2):
            uvec = uid_v[pl.ds(r0 + gk * _LANES, _LANES)]
            ivec = iid_v[pl.ds(r0 + gk * _LANES, _LANES)]
            u0vec = (uvec // _SEG) * _SEG
            i0vec = (ivec // 8) * 8
            for k in range(_LANES):
                u0 = pl.multiple_of(u0vec[k], _SEG)
                i0 = pl.multiple_of(i0vec[k], 8)
                pltpu.async_copy(
                    ahat_hbm.at[pl.ds(i0, 8), pl.ds(u0, _SEG)],
                    row_v.at[pl.ds((gk * _LANES + k) * 8, 8)], sem)
            return carry2

        lax.fori_loop(0, _SUB // _LANES, fire_group, 0)

    def drain_extract(r, row_v, sem):
        r0 = r * _SUB
        pltpu.make_async_copy(ahat_hbm.at[pl.ds(0, _SUB * 8), pl.ds(0, _SEG)],
                              row_v, sem).wait()

        def extract(g, carry2):
            s = pl.ds(r0 + g * _LANES, _LANES)
            ridx = (iota + g * _LANES) * 8 + jnp.bitwise_and(iid_v[s], 7)
            lane = jnp.bitwise_and(uid_v[s], _SEG - 1)
            avc_v[s] = plsc.load_gather(row_v, [ridx, lane])
            return carry2

        lax.fori_loop(0, _SUB // _LANES, extract, 0, unroll=2)

    fire_round(0, rows[0], sems[0])

    def round_loop(r, carry):
        for p in range(2):
            @pl.when(lax.rem(r, 2) == p)
            def _():
                fire_round(r + 1, rows[1 - p], sems[1 - p])
                drain_extract(r, rows[p], sems[p])
        return carry

    lax.fori_loop(0, nrounds - 1, round_loop, 0)
    for p in range(2):
        @pl.when(lax.rem(nrounds - 1, 2) == p)
        def _():
            drain_extract(nrounds - 1, rows[p], sems[p])

    pltpu.sync_copy(avc_v, av_hbm.at[pl.ds(base, chunk)])


def _mf_body(chunk, embed,
             uid_hbm, iid_hbm, uemb_hbm, iemb_hbm, ubias_hbm, ibias_hbm,
             ucoe_hbm, out_hbm, coe_hbm,
             uid_v, iid_v, urows_v, irows_v, ub_v, ib_v, uc_v,
             out_v, sem):
    wid = lax.axis_index("s") * 2 + lax.axis_index("c")
    base = wid * chunk

    pltpu.sync_copy(uid_hbm.at[pl.ds(base, chunk)], uid_v)
    pltpu.sync_copy(iid_hbm.at[pl.ds(base, chunk)], iid_v)

    copies = [
        pltpu.async_copy(uemb_hbm.at[uid_v], urows_v, sem),
        pltpu.async_copy(iemb_hbm.at[iid_v], irows_v, sem),
        pltpu.async_copy(ubias_hbm.at[uid_v], ub_v, sem),
        pltpu.async_copy(ibias_hbm.at[iid_v], ib_v, sem),
        pltpu.async_copy(ucoe_hbm.at[uid_v], uc_v, sem),
    ]
    for c in copies:
        c.wait()

    iota = lax.iota(jnp.int32, _LANES)

    def group_loop(g, carry):
        b0 = g * _LANES
        s = pl.ds(b0, _LANES)
        bvec = iota + b0
        zero = jnp.zeros((_LANES,), jnp.float32)
        parts = [ub_v[s], ib_v[s], zero, zero]
        for e in range(embed):
            evec = jnp.bitwise_and(iota + e, embed - 1)
            ue = plsc.load_gather(urows_v, [bvec, evec])
            ie = plsc.load_gather(irows_v, [bvec, evec])
            parts[e % 4] = parts[e % 4] + ue * ie
        out_v[s] = (parts[0] + parts[1]) + (parts[2] + parts[3])
        return carry

    lax.fori_loop(0, chunk // _LANES, group_loop, 0, unroll=2)

    pltpu.sync_copy(out_v, out_hbm.at[pl.ds(base, chunk)])
    pltpu.sync_copy(uc_v, coe_hbm.at[pl.ds(base, chunk)])


def kernel(uid, iid, user_emb, item_emb, user_bias, item_bias, user_coe,
           a_hat):
    batch = uid.shape[0]
    embed = user_emb.shape[1]
    chunk = batch // _NUM_WORKERS

    uid32 = uid.astype(jnp.int32)
    iid32 = iid.astype(jnp.int32)
    one = (iid32[0] * 0 + 1).astype(jnp.float32)
    uemb_lin = lax.optimization_barrier(user_emb.reshape(-1)).reshape(
        user_emb.shape)
    iemb_lin = (item_emb.reshape(-1) * one).reshape(item_emb.shape)
    ucoe_flat = user_coe.reshape(-1) * one

    mesh = plsc.VectorSubcoreMesh(core_axis_name="c", subcore_axis_name="s")

    num_users = user_emb.shape[0]
    ahat_run = pl.kernel(
        functools.partial(_ahat_body, chunk, num_users),
        out_type=jax.ShapeDtypeStruct((batch,), jnp.float32),
        mesh=mesh,
        scratch_types=[
            pltpu.VMEM((chunk,), jnp.int32),
            pltpu.VMEM((chunk,), jnp.int32),
            pltpu.VMEM((_SUB * 8, _SEG), jnp.float32),
            pltpu.VMEM((_SUB * 8, _SEG), jnp.float32),
            pltpu.VMEM((chunk,), jnp.float32),
            pltpu.SemaphoreType.DMA,
            pltpu.SemaphoreType.DMA,
        ],
        compiler_params=pltpu.CompilerParams(
            needs_layout_passes=False, use_tc_tiling_on_sc=True,
            disable_bounds_checks=True),
    )
    av = ahat_run(uid32, iid32, a_hat.T)

    mf_run = pl.kernel(
        functools.partial(_mf_body, chunk, embed),
        out_type=(jax.ShapeDtypeStruct((batch,), jnp.float32),
                  jax.ShapeDtypeStruct((batch,), jnp.float32)),
        mesh=mesh,
        scratch_types=[
            pltpu.VMEM((chunk,), jnp.int32),
            pltpu.VMEM((chunk,), jnp.int32),
            pltpu.VMEM((chunk, embed), jnp.float32),
            pltpu.VMEM((chunk, embed), jnp.float32),
            pltpu.VMEM((chunk,), jnp.float32),
            pltpu.VMEM((chunk,), jnp.float32),
            pltpu.VMEM((chunk,), jnp.float32),
            pltpu.VMEM((chunk,), jnp.float32),
            pltpu.SemaphoreType.DMA,
        ],
        compiler_params=pltpu.CompilerParams(
            needs_layout_passes=False, use_tc_tiling_on_sc=False,
            disable_bounds_checks=True),
    )
    mf_out, coe = mf_run(uid32, iid32, uemb_lin, iemb_lin, user_bias,
                         item_bias, ucoe_flat)
    return mf_out + coe * av

# --- scband reference (transcript-rebuilt; emitter-appended) ---
"""Pipeline reference for scband-dcf-67284957659726 (READ-ONLY COPY).

The authoritative reference and input builder live on the scoring server;
editing this copy changes nothing except your own understanding.
"""

import jax, jax.numpy as jnp
import numpy as np

NUM_USERS = 100000
NUM_ITEMS = 1000
EMBED = 32
BATCH = 16384


def setup_inputs(seed: int = 0) -> dict:
    key = jax.random.key(seed)
    ks = jax.random.split(key, 8)
    uid = jax.random.randint(ks[0], (BATCH,), 0, NUM_USERS, dtype=jnp.int64) if jax.config.jax_enable_x64 else jax.random.randint(ks[0], (BATCH,), 0, NUM_USERS, dtype=jnp.int32)
    iid = jax.random.randint(ks[1], (BATCH,), 0, NUM_ITEMS, dtype=jnp.int32)
    # MF parameters (standard matrix factorization: dot product + user/item biases)
    user_emb = jax.random.normal(ks[2], (NUM_USERS, EMBED), dtype=jnp.float32) * 0.01
    item_emb = jax.random.normal(ks[3], (NUM_ITEMS, EMBED), dtype=jnp.float32) * 0.01
    user_bias = jax.random.normal(ks[4], (NUM_USERS,), dtype=jnp.float32) * 0.01
    item_bias = jax.random.normal(ks[5], (NUM_ITEMS,), dtype=jnp.float32) * 0.01
    # user_coe initialized uniform(-0.01, 0.01) as in the torch module
    user_coe = jax.random.uniform(ks[6], (NUM_USERS, 1), dtype=jnp.float32, minval=-0.01, maxval=0.01)
    # a_hat: dense [num_users, num_items] constant matrix indexed a_hat[uid, iid]
    a_hat = jax.random.normal(ks[7], (NUM_USERS, NUM_ITEMS), dtype=jnp.float32)
    return {
        "uid": uid,
        "iid": iid,
        "user_emb": user_emb,
        "item_emb": item_emb,
        "user_bias": user_bias,
        "item_bias": item_bias,
        "user_coe": user_coe,
        "a_hat": a_hat,
    }


def reference(uid, iid, user_emb, item_emb, user_bias, item_bias, user_coe, a_hat):
    # MF layer: gather user/item embeddings, dot product + biases
    ue = jnp.take(user_emb, uid, axis=0)          # [B, E]
    ie = jnp.take(item_emb, iid, axis=0)          # [B, E]
    mf_output = jnp.sum(ue * ie, axis=-1) + jnp.take(user_bias, uid) + jnp.take(item_bias, iid)  # [B]
    # latent regression: user_coe(uid).view(-1) * a_hat[uid, iid]
    coe = jnp.take(user_coe, uid, axis=0).reshape(-1)  # [B]
    latent_regression = coe * a_hat[uid, iid]          # [B]
    return mf_output + latent_regression

if __name__ == "__main__":
    import jax
    _d = setup_inputs()
    print(jax.jit(kernel)(*tuple(_d.values())))

</pallas_src>

<mosaic_0001>
#map = affine_map<(d0, d1) -> (0)>
#map1 = affine_map<(d0, d1) -> (0, 0)>
module attributes {stable_mosaic.version = 14 : i64} {
  func.func @_mf_body(%arg0: i32, %arg1: i32, %arg2: memref<16384xi32, #tpu.memory_space<hbm>>, %arg3: memref<16384xi32, #tpu.memory_space<hbm>>, %arg4: memref<100000x32xf32, #tpu.memory_space<hbm>>, %arg5: memref<1000x32xf32, #tpu.memory_space<hbm>>, %arg6: memref<100000xf32, #tpu.memory_space<hbm>>, %arg7: memref<1000xf32, #tpu.memory_space<hbm>>, %arg8: memref<100000xf32, #tpu.memory_space<hbm>>, %arg9: memref<16384xf32, #tpu.memory_space<hbm>>, %arg10: memref<16384xf32, #tpu.memory_space<hbm>>, %arg11: memref<512xi32, #tpu.memory_space<vmem>>, %arg12: memref<512xi32, #tpu.memory_space<vmem>>, %arg13: memref<512x32xf32, #tpu.memory_space<vmem>>, %arg14: memref<512x32xf32, #tpu.memory_space<vmem>>, %arg15: memref<512xf32, #tpu.memory_space<vmem>>, %arg16: memref<512xf32, #tpu.memory_space<vmem>>, %arg17: memref<512xf32, #tpu.memory_space<vmem>>, %arg18: memref<512xf32, #tpu.memory_space<vmem>>, %arg19: memref<!tpu.dma_semaphore, #tpu.memory_space<semaphore_mem>>) attributes {dimension_semantics = [#tpu.dimension_semantics<core_parallel>, #tpu.dimension_semantics<subcore_parallel>], iteration_bounds = array<i64: 2, 16>, scalar_prefetch = 0 : i64, scratch_operands = 9 : i64, tpu.core_type = #tpu.core_type<sc_vector_subcore>, window_params = [{transform_indices = #map}, {transform_indices = #map}, {transform_indices = #map1}, {transform_indices = #map1}, {transform_indices = #map}, {transform_indices = #map}, {transform_indices = #map}, {transform_indices = #map}, {transform_indices = #map}]} {
    %mul3A = arith.constant 2 : i32
    %mul3A_0 = arith.muli %arg1, %mul3A : i32
    %add3A = arith.addi %mul3A_0, %arg0 : i32
    %mul3A_1 = arith.constant 512 : i32
    %mul3A_2 = arith.muli %add3A, %mul3A_1 : i32
    "tpu.region"() ({
      %run_scoped3A = tpu.sem_alloc : memref<!tpu.dma_semaphore, #tpu.memory_space<semaphore_mem>>
      %dma_start3A_30 = tpu.memref_slice %arg2[%mul3A_2] : memref<16384xi32, #tpu.memory_space<hbm>> -> memref<512xi32, #tpu.memory_space<hbm>>
      %dma_start3A_31 = tpu.memref_slice %arg2[%mul3A_2] : memref<16384xi32, #tpu.memory_space<hbm>> -> memref<512xi32, #tpu.memory_space<hbm>>
      tpu.enqueue_dma source(%dma_start3A_31 : memref<512xi32, #tpu.memory_space<hbm>>) target(%arg11 : memref<512xi32, #tpu.memory_space<vmem>>) target_semaphore(%run_scoped3A : memref<!tpu.dma_semaphore, #tpu.memory_space<semaphore_mem>>)
      %dma_wait3A_32 = tpu.memref_slice %arg2[%mul3A_2] : memref<16384xi32, #tpu.memory_space<hbm>> -> memref<512xi32, #tpu.memory_space<hbm>>
      %dma_wait3A_33 = tpu.memref_slice %arg2[%mul3A_2] : memref<16384xi32, #tpu.memory_space<hbm>> -> memref<512xi32, #tpu.memory_space<hbm>>
      tpu.wait_dma2 semaphore(%run_scoped3A : memref<!tpu.dma_semaphore, #tpu.memory_space<semaphore_mem>>) src(%dma_wait3A_33 : memref<512xi32, #tpu.memory_space<hbm>>) dst(%arg11 : memref<512xi32, #tpu.memory_space<vmem>>)
      tpu.yield
    }) : () -> ()
    "tpu.region"() ({
      %run_scoped3A = tpu.sem_alloc : memref<!tpu.dma_semaphore, #tpu.memory_space<semaphore_mem>>
      %dma_start3A_30 = tpu.memref_slice %arg3[%mul3A_2] : memref<16384xi32, #tpu.memory_space<hbm>> -> memref<512xi32, #tpu.memory_space<hbm>>
      %dma_start3A_31 = tpu.memref_slice %arg3[%mul3A_2] : memref<16384xi32, #tpu.memory_space<hbm>> -> memref<512xi32, #tpu.memory_space<hbm>>
      tpu.enqueue_dma source(%dma_start3A_31 : memref<512xi32, #tpu.memory_space<hbm>>) target(%arg12 : memref<512xi32, #tpu.memory_space<vmem>>) target_semaphore(%run_scoped3A : memref<!tpu.dma_semaphore, #tpu.memory_space<semaphore_mem>>)
      %dma_wait3A_32 = tpu.memref_slice %arg3[%mul3A_2] : memref<16384xi32, #tpu.memory_space<hbm>> -> memref<512xi32, #tpu.memory_space<hbm>>
      %dma_wait3A_33 = tpu.memref_slice %arg3[%mul3A_2] : memref<16384xi32, #tpu.memory_space<hbm>> -> memref<512xi32, #tpu.memory_space<hbm>>
      tpu.wait_dma2 semaphore(%run_scoped3A : memref<!tpu.dma_semaphore, #tpu.memory_space<semaphore_mem>>) src(%dma_wait3A_33 : memref<512xi32, #tpu.memory_space<hbm>>) dst(%arg12 : memref<512xi32, #tpu.memory_space<vmem>>)
      tpu.yield
    }) : () -> ()
    %dma_start3A = arith.constant 0 : i32
    %dma_start3A_3 = arith.constant 0 : i32
    %dma_start3A_4 = tpu.memref_slice %arg4[%dma_start3A, %dma_start3A_3] : memref<100000x32xf32, #tpu.memory_space<hbm>> -> memref<100000x32xf32, #tpu.memory_space<hbm>>
    tpu.enqueue_indirect_dma source(%dma_start3A_4 : memref<100000x32xf32, #tpu.memory_space<hbm>>) target(%arg13 : memref<512x32xf32, #tpu.memory_space<vmem>>) offsets(%arg11 : memref<512xi32, #tpu.memory_space<vmem>>) semaphore(%arg19 : memref<!tpu.dma_semaphore, #tpu.memory_space<semaphore_mem>>)
    %dma_start3A_5 = arith.constant 0 : i32
    %dma_start3A_6 = arith.constant 0 : i32
    %dma_start3A_7 = tpu.memref_slice %arg5[%dma_start3A_5, %dma_start3A_6] : memref<1000x32xf32, #tpu.memory_space<hbm>> -> memref<1000x32xf32, #tpu.memory_space<hbm>>
    tpu.enqueue_indirect_dma source(%dma_start3A_7 : memref<1000x32xf32, #tpu.memory_space<hbm>>) target(%arg14 : memref<512x32xf32, #tpu.memory_space<vmem>>) offsets(%arg12 : memref<512xi32, #tpu.memory_space<vmem>>) semaphore(%arg19 : memref<!tpu.dma_semaphore, #tpu.memory_space<semaphore_mem>>)
    %dma_start3A_8 = arith.constant 0 : i32
    %dma_start3A_9 = tpu.memref_slice %arg6[%dma_start3A_8] : memref<100000xf32, #tpu.memory_space<hbm>> -> memref<100000xf32, #tpu.memory_space<hbm>>
    tpu.enqueue_indirect_dma source(%dma_start3A_9 : memref<100000xf32, #tpu.memory_space<hbm>>) target(%arg15 : memref<512xf32, #tpu.memory_space<vmem>>) offsets(%arg11 : memref<512xi32, #tpu.memory_space<vmem>>) semaphore(%arg19 : memref<!tpu.dma_semaphore, #tpu.memory_space<semaphore_mem>>)
    %dma_start3A_10 = arith.constant 0 : i32
    %dma_start3A_11 = tpu.memref_slice %arg7[%dma_start3A_10] : memref<1000xf32, #tpu.memory_space<hbm>> -> memref<1000xf32, #tpu.memory_space<hbm>>
    tpu.enqueue_indirect_dma source(%dma_start3A_11 : memref<1000xf32, #tpu.memory_space<hbm>>) target(%arg16 : memref<512xf32, #tpu.memory_space<vmem>>) offsets(%arg12 : memref<512xi32, #tpu.memory_space<vmem>>) semaphore(%arg19 : memref<!tpu.dma_semaphore, #tpu.memory_space<semaphore_mem>>)
    %dma_start3A_12 = arith.constant 0 : i32
    %dma_start3A_13 = tpu.memref_slice %arg8[%dma_start3A_12] : memref<100000xf32, #tpu.memory_space<hbm>> -> memref<100000xf32, #tpu.memory_space<hbm>>
    tpu.enqueue_indirect_dma source(%dma_start3A_13 : memref<100000xf32, #tpu.memory_space<hbm>>) target(%arg17 : memref<512xf32, #tpu.memory_space<vmem>>) offsets(%arg11 : memref<512xi32, #tpu.memory_space<vmem>>) semaphore(%arg19 : memref<!tpu.dma_semaphore, #tpu.memory_space<semaphore_mem>>)
    %dma_wait3A = arith.constant 0 : i32
    %dma_wait3A_14 = arith.constant 0 : i32
    %dma_wait3A_15 = tpu.memref_slice %arg4[%dma_wait3A, %dma_wait3A_14] : memref<100000x32xf32, #tpu.memory_space<hbm>> -> memref<100000x32xf32, #tpu.memory_space<hbm>>
    tpu.wait_indirect_dma semaphore(%arg19 : memref<!tpu.dma_semaphore, #tpu.memory_space<semaphore_mem>>) src(%dma_wait3A_15 : memref<100000x32xf32, #tpu.memory_space<hbm>>) dst(%arg13 : memref<512x32xf32, #tpu.memory_space<vmem>>)
    %dma_wait3A_16 = arith.constant 0 : i32
    %dma_wait3A_17 = arith.constant 0 : i32
    %dma_wait3A_18 = tpu.memref_slice %arg5[%dma_wait3A_16, %dma_wait3A_17] : memref<1000x32xf32, #tpu.memory_space<hbm>> -> memref<1000x32xf32, #tpu.memory_space<hbm>>
    tpu.wait_indirect_dma semaphore(%arg19 : memref<!tpu.dma_semaphore, #tpu.memory_space<semaphore_mem>>) src(%dma_wait3A_18 : memref<1000x32xf32, #tpu.memory_space<hbm>>) dst(%arg14 : memref<512x32xf32, #tpu.memory_space<vmem>>)
    %dma_wait3A_19 = arith.constant 0 : i32
    %dma_wait3A_20 = tpu.memref_slice %arg6[%dma_wait3A_19] : memref<100000xf32, #tpu.memory_space<hbm>> -> memref<100000xf32, #tpu.memory_space<hbm>>
    tpu.wait_indirect_dma semaphore(%arg19 : memref<!tpu.dma_semaphore, #tpu.memory_space<semaphore_mem>>) src(%dma_wait3A_20 : memref<100000xf32, #tpu.memory_space<hbm>>) dst(%arg15 : memref<512xf32, #tpu.memory_space<vmem>>)
    %dma_wait3A_21 = arith.constant 0 : i32
    %dma_wait3A_22 = tpu.memref_slice %arg7[%dma_wait3A_21] : memref<1000xf32, #tpu.memory_space<hbm>> -> memref<1000xf32, #tpu.memory_space<hbm>>
    tpu.wait_indirect_dma semaphore(%arg19 : memref<!tpu.dma_semaphore, #tpu.memory_space<semaphore_mem>>) src(%dma_wait3A_22 : memref<1000xf32, #tpu.memory_space<hbm>>) dst(%arg16 : memref<512xf32, #tpu.memory_space<vmem>>)
    %dma_wait3A_23 = arith.constant 0 : i32
    %dma_wait3A_24 = tpu.memref_slice %arg8[%dma_wait3A_23] : memref<100000xf32, #tpu.memory_space<hbm>> -> memref<100000xf32, #tpu.memory_space<hbm>>
    tpu.wait_indirect_dma semaphore(%arg19 : memref<!tpu.dma_semaphore, #tpu.memory_space<semaphore_mem>>) src(%dma_wait3A_24 : memref<100000xf32, #tpu.memory_space<hbm>>) dst(%arg17 : memref<512xf32, #tpu.memory_space<vmem>>)
    %iota3A = tpu.iota {dimensions = array<i32: 0>} : vector<16xi32>
    %scan3A = arith.constant 0 : i32
    %scan3A_25 = arith.constant 0 : i32
    %scan3A_26 = arith.constant 32 : i32
    %scan3A_27 = arith.addi %scan3A_25, %scan3A_26 : i32
    %scan3A_28 = arith.constant 2 : i32
    scf.for %scan3A_30 = %scan3A_25 to %scan3A_27 step %scan3A_28  : i32 {
      %mul3A_31 = arith.constant 16 : i32
      %mul3A_32 = arith.muli %scan3A_30, %mul3A_31 : i32
      %add3A_33 = vector.broadcast %mul3A_32 : i32 to vector<16xi32>
      %add3A_34 = arith.addi %iota3A, %add3A_33 : vector<16xi32>
      %broadcast_in_dim3A = arith.constant 0.000000e+00 : f32
      %broadcast_in_dim3A_35 = vector.broadcast %broadcast_in_dim3A : f32 to vector<16xf32>
      %get3A = arith.index_cast %mul3A_32 : i32 to index
      %get3A_36 = tpu.vector_load %arg15[%get3A] {strides = array<i32>} : memref<512xf32, #tpu.memory_space<vmem>>, vector<16xf32>,
      %get3A_37 = arith.index_cast %mul3A_32 : i32 to index
      %get3A_38 = tpu.vector_load %arg16[%get3A_37] {strides = array<i32>} : memref<512xf32, #tpu.memory_space<vmem>>, vector<16xf32>,
      %add3A_39 = arith.constant 0 : i32
      %add3A_40 = vector.broadcast %add3A_39 : i32 to vector<16xi32>
      %add3A_41 = arith.addi %iota3A, %add3A_40 : vector<16xi32>
      %and3A = arith.constant 31 : i32
      %and3A_42 = vector.broadcast %and3A : i32 to vector<16xi32>
      %and3A_43 = arith.andi %add3A_41, %and3A_42 : vector<16xi32>
      %gather3A = tpu.vector_load_idx %arg13[%add3A_34, %and3A_43] : memref<512x32xf32, #tpu.memory_space<vmem>>[vector<16xi32>, vector<16xi32>], vector<16xf32>,
      %gather3A_44 = tpu.vector_load_idx %arg14[%add3A_34, %and3A_43] : memref<512x32xf32, #tpu.memory_space<vmem>>[vector<16xi32>, vector<16xi32>], vector<16xf32>,
      %mul3A_45 = arith.mulf %gather3A, %gather3A_44 : vector<16xf32>
      %add3A_46 = arith.addf %get3A_36, %mul3A_45 : vector<16xf32>
      %add3A_47 = arith.constant 1 : i32
      %add3A_48 = vector.broadcast %add3A_47 : i32 to vector<16xi32>
      %add3A_49 = arith.addi %iota3A, %add3A_48 : vector<16xi32>
      %and3A_50 = arith.constant 31 : i32
      %and3A_51 = vector.broadcast %and3A_50 : i32 to vector<16xi32>
      %and3A_52 = arith.andi %add3A_49, %and3A_51 : vector<16xi32>
      %gather3A_53 = tpu.vector_load_idx %arg13[%add3A_34, %and3A_52] : memref<512x32xf32, #tpu.memory_space<vmem>>[vector<16xi32>, vector<16xi32>], vector<16xf32>,
      %gather3A_54 = tpu.vector_load_idx %arg14[%add3A_34, %and3A_52] : memref<512x32xf32, #tpu.memory_space<vmem>>[vector<16xi32>, vector<16xi32>], vector<16xf32>,
      %mul3A_55 = arith.mulf %gather3A_53, %gather3A_54 : vector<16xf32>
      %add3A_56 = arith.addf %get3A_38, %mul3A_55 : vector<16xf32>
      %add3A_57 = arith.constant 2 : i32
      %add3A_58 = vector.broadcast %add3A_57 : i32 to vector<16xi32>
      %add3A_59 = arith.addi %iota3A, %add3A_58 : vector<16xi32>
      %and3A_60 = arith.constant 31 : i32
      %and3A_61 = vector.broadcast %and3A_60 : i32 to vector<16xi32>
      %and3A_62 = arith.andi %add3A_59, %and3A_61 : vector<16xi32>
      %gather3A_63 = tpu.vector_load_idx %arg13[%add3A_34, %and3A_62] : memref<512x32xf32, #tpu.memory_space<vmem>>[vector<16xi32>, vector<16xi32>], vector<16xf32>,
      %gather3A_64 = tpu.vector_load_idx %arg14[%add3A_34, %and3A_62] : memref<512x32xf32, #tpu.memory_space<vmem>>[vector<16xi32>, vector<16xi32>], vector<16xf32>,
      %mul3A_65 = arith.mulf %gather3A_63, %gather3A_64 : vector<16xf32>
      %add3A_66 = arith.addf %broadcast_in_dim3A_35, %mul3A_65 : vector<16xf32>
      %add3A_67 = arith.constant 3 : i32
      %add3A_68 = vector.broadcast %add3A_67 : i32 to vector<16xi32>
      %add3A_69 = arith.addi %iota3A, %add3A_68 : vector<16xi32>
      %and3A_70 = arith.constant 31 : i32
      %and3A_71 = vector.broadcast %and3A_70 : i32 to vector<16xi32>
      %and3A_72 = arith.andi %add3A_69, %and3A_71 : vector<16xi32>
      %gather3A_73 = tpu.vector_load_idx %arg13[%add3A_34, %and3A_72] : memref<512x32xf32, #tpu.memory_space<vmem>>[vector<16xi32>, vector<16xi32>], vector<16xf32>,
      %gather3A_74 = tpu.vector_load_idx %arg14[%add3A_34, %and3A_72] : memref<512x32xf32, #tpu.memory_space<vmem>>[vector<16xi32>, vector<16xi32>], vector<16xf32>,
      %mul3A_75 = arith.mulf %gather3A_73, %gather3A_74 : vector<16xf32>
      %add3A_76 = arith.addf %broadcast_in_dim3A_35, %mul3A_75 : vector<16xf32>
      %add3A_77 = arith.constant 4 : i32
      %add3A_78 = vector.broadcast %add3A_77 : i32 to vector<16xi32>
      %add3A_79 = arith.addi %iota3A, %add3A_78 : vector<16xi32>
      %and3A_80 = arith.constant 31 : i32
      %and3A_81 = vector.broadcast %and3A_80 : i32 to vector<16xi32>
      %and3A_82 = arith.andi %add3A_79, %and3A_81 : vector<16xi32>
      %gather3A_83 = tpu.vector_load_idx %arg13[%add3A_34, %and3A_82] : memref<512x32xf32, #tpu.memory_space<vmem>>[vector<16xi32>, vector<16xi32>], vector<16xf32>,
      %gather3A_84 = tpu.vector_load_idx %arg14[%add3A_34, %and3A_82] : memref<512x32xf32, #tpu.memory_space<vmem>>[vector<16xi32>, vector<16xi32>], vector<16xf32>,
      %mul3A_85 = arith.mulf %gather3A_83, %gather3A_84 : vector<16xf32>
      %add3A_86 = arith.addf %add3A_46, %mul3A_85 : vector<16xf32>
      %add3A_87 = arith.constant 5 : i32
      %add3A_88 = vector.broadcast %add3A_87 : i32 to vector<16xi32>
      %add3A_89 = arith.addi %iota3A, %add3A_88 : vector<16xi32>
      %and3A_90 = arith.constant 31 : i32
      %and3A_91 = vector.broadcast %and3A_90 : i32 to vector<16xi32>
      %and3A_92 = arith.andi %add3A_89, %and3A_91 : vector<16xi32>
      %gather3A_93 = tpu.vector_load_idx %arg13[%add3A_34, %and3A_92] : memref<512x32xf32, #tpu.memory_space<vmem>>[vector<16xi32>, vector<16xi32>], vector<16xf32>,
      %gather3A_94 = tpu.vector_load_idx %arg14[%add3A_34, %and3A_92] : memref<512x32xf32, #tpu.memory_space<vmem>>[vector<16xi32>, vector<16xi32>], vector<16xf32>,
      %mul3A_95 = arith.mulf %gather3A_93, %gather3A_94 : vector<16xf32>
      %add3A_96 = arith.addf %add3A_56, %mul3A_95 : vector<16xf32>
      %add3A_97 = arith.constant 6 : i32
      %add3A_98 = vector.broadcast %add3A_97 : i32 to vector<16xi32>
      %add3A_99 = arith.addi %iota3A, %add3A_98 : vector<16xi32>
      %and3A_100 = arith.constant 31 : i32
      %and3A_101 = vector.broadcast %and3A_100 : i32 to vector<16xi32>
      %and3A_102 = arith.andi %add3A_99, %and3A_101 : vector<16xi32>
      %gather3A_103 = tpu.vector_load_idx %arg13[%add3A_34, %and3A_102] : memref<512x32xf32, #tpu.memory_space<vmem>>[vector<16xi32>, vector<16xi32>], vector<16xf32>,
      %gather3A_104 = tpu.vector_load_idx %arg14[%add3A_34, %and3A_102] : memref<512x32xf32, #tpu.memory_space<vmem>>[vector<16xi32>, vector<16xi32>], vector<16xf32>,
      %mul3A_105 = arith.mulf %gather3A_103, %gather3A_104 : vector<16xf32>
      %add3A_106 = arith.addf %add3A_66, %mul3A_105 : vector<16xf32>
      %add3A_107 = arith.constant 7 : i32
      %add3A_108 = vector.broadcast %add3A_107 : i32 to vector<16xi32>
      %add3A_109 = arith.addi %iota3A, %add3A_108 : vector<16xi32>
      %and3A_110 = arith.constant 31 : i32
      %and3A_111 = vector.broadcast %and3A_110 : i32 to vector<16xi32>
      %and3A_112 = arith.andi %add3A_109, %and3A_111 : vector<16xi32>
      %gather3A_113 = tpu.vector_load_idx %arg13[%add3A_34, %and3A_112] : memref<512x32xf32, #tpu.memory_space<vmem>>[vector<16xi32>, vector<16xi32>], vector<16xf32>,
      %gather3A_114 = tpu.vector_load_idx %arg14[%add3A_34, %and3A_112] : memref<512x32xf32, #tpu.memory_space<vmem>>[vector<16xi32>, vector<16xi32>], vector<16xf32>,
      %mul3A_115 = arith.mulf %gather3A_113, %gather3A_114 : vector<16xf32>
      %add3A_116 = arith.addf %add3A_76, %mul3A_115 : vector<16xf32>
      %add3A_117 = arith.constant 8 : i32
      %add3A_118 = vector.broadcast %add3A_117 : i32 to vector<16xi32>
      %add3A_119 = arith.addi %iota3A, %add3A_118 : vector<16xi32>
      %and3A_120 = arith.constant 31 : i32
      %and3A_121 = vector.broadcast %and3A_120 : i32 to vector<16xi32>
      %and3A_122 = arith.andi %add3A_119, %and3A_121 : vector<16xi32>
      %gather3A_123 = tpu.vector_load_idx %arg13[%add3A_34, %and3A_122] : memref<512x32xf32, #tpu.memory_space<vmem>>[vector<16xi32>, vector<16xi32>], vector<16xf32>,
      %gather3A_124 = tpu.vector_load_idx %arg14[%add3A_34, %and3A_122] : memref<512x32xf32, #tpu.memory_space<vmem>>[vector<16xi32>, vector<16xi32>], vector<16xf32>,
      %mul3A_125 = arith.mulf %gather3A_123, %gather3A_124 : vector<16xf32>
      %add3A_126 = arith.addf %add3A_86, %mul3A_125 : vector<16xf32>
      %add3A_127 = arith.constant 9 : i32
      %add3A_128 = vector.broadcast %add3A_127 : i32 to vector<16xi32>
      %add3A_129 = arith.addi %iota3A, %add3A_128 : vector<16xi32>
      %and3A_130 = arith.constant 31 : i32
      %and3A_131 = vector.broadcast %and3A_130 : i32 to vector<16xi32>
      %and3A_132 = arith.andi %add3A_129, %and3A_131 : vector<16xi32>
      %gather3A_133 = tpu.vector_load_idx %arg13[%add3A_34, %and3A_132] : memref<512x32xf32, #tpu.memory_space<vmem>>[vector<16xi32>, vector<16xi32>], vector<16xf32>,
      %gather3A_134 = tpu.vector_load_idx %arg14[%add3A_34, %and3A_132] : memref<512x32xf32, #tpu.memory_space<vmem>>[vector<16xi32>, vector<16xi32>], vector<16xf32>,
      %mul3A_135 = arith.mulf %gather3A_133, %gather3A_134 : vector<16xf32>
      %add3A_136 = arith.addf %add3A_96, %mul3A_135 : vector<16xf32>
      %add3A_137 = arith.constant 10 : i32
      %add3A_138 = vector.broadcast %add3A_137 : i32 to vector<16xi32>
      %add3A_139 = arith.addi %iota3A, %add3A_138 : vector<16xi32>
      %and3A_140 = arith.constant 31 : i32
      %and3A_141 = vector.broadcast %and3A_140 : i32 to vector<16xi32>
      %and3A_142 = arith.andi %add3A_139, %and3A_141 : vector<16xi32>
      %gather3A_143 = tpu.vector_load_idx %arg13[%add3A_34, %and3A_142] : memref<512x32xf32, #tpu.memory_space<vmem>>[vector<16xi32>, vector<16xi32>], vector<16xf32>,
      %gather3A_144 = tpu.vector_load_idx %arg14[%add3A_34, %and3A_142] : memref<512x32xf32, #tpu.memory_space<vmem>>[vector<16xi32>, vector<16xi32>], vector<16xf32>,
      %mul3A_145 = arith.mulf %gather3A_143, %gather3A_144 : vector<16xf32>
      %add3A_146 = arith.addf %add3A_106, %mul3A_145 : vector<16xf32>
      %add3A_147 = arith.constant 11 : i32
      %add3A_148 = vector.broadcast %add3A_147 : i32 to vector<16xi32>
      %add3A_149 = arith.addi %iota3A, %add3A_148 : vector<16xi32>
      %and3A_150 = arith.constant 31 : i32
      %and3A_151 = vector.broadcast %and3A_150 : i32 to vector<16xi32>
      %and3A_152 = arith.andi %add3A_149, %and3A_151 : vector<16xi32>
      %gather3A_153 = tpu.vector_load_idx %arg13[%add3A_34, %and3A_152] : memref<512x32xf32, #tpu.memory_space<vmem>>[vector<16xi32>, vector<16xi32>], vector<16xf32>,
      %gather3A_154 = tpu.vector_load_idx %arg14[%add3A_34, %and3A_152] : memref<512x32xf32, #tpu.memory_space<vmem>>[vector<16xi32>, vector<16xi32>], vector<16xf32>,
      %mul3A_155 = arith.mulf %gather3A_153, %gather3A_154 : vector<16xf32>
      %add3A_156 = arith.addf %add3A_116, %mul3A_155 : vector<16xf32>
      %add3A_157 = arith.constant 12 : i32
      %add3A_158 = vector.broadcast %add3A_157 : i32 to vector<16xi32>
      %add3A_159 = arith.addi %iota3A, %add3A_158 : vector<16xi32>
      %and3A_160 = arith.constant 31 : i32
      %and3A_161 = vector.broadcast %and3A_160 : i32 to vector<16xi32>
      %and3A_162 = arith.andi %add3A_159, %and3A_161 : vector<16xi32>
      %gather3A_163 = tpu.vector_load_idx %arg13[%add3A_34, %and3A_162] : memref<512x32xf32, #tpu.memory_space<vmem>>[vector<16xi32>, vector<16xi32>], vector<16xf32>,
      %gather3A_164 = tpu.vector_load_idx %arg14[%add3A_34, %and3A_162] : memref<512x32xf32, #tpu.memory_space<vmem>>[vector<16xi32>, vector<16xi32>], vector<16xf32>,
      %mul3A_165 = arith.mulf %gather3A_163, %gather3A_164 : vector<16xf32>
      %add3A_166 = arith.addf %add3A_126, %mul3A_165 : vector<16xf32>
      %add3A_167 = arith.constant 13 : i32
      %add3A_168 = vector.broadcast %add3A_167 : i32 to vector<16xi32>
      %add3A_169 = arith.addi %iota3A, %add3A_168 : vector<16xi32>
      %and3A_170 = arith.constant 31 : i32
      %and3A_171 = vector.broadcast %and3A_170 : i32 to vector<16xi32>
      %and3A_172 = arith.andi %add3A_169, %and3A_171 : vector<16xi32>
      %gather3A_173 = tpu.vector_load_idx %arg13[%add3A_34, %and3A_172] : memref<512x32xf32, #tpu.memory_space<vmem>>[vector<16xi32>, vector<16xi32>], vector<16xf32>,
      %gather3A_174 = tpu.vector_load_idx %arg14[%add3A_34, %and3A_172] : memref<512x32xf32, #tpu.memory_space<vmem>>[vector<16xi32>, vector<16xi32>], vector<16xf32>,
      %mul3A_175 = arith.mulf %gather3A_173, %gather3A_174 : vector<16xf32>
      %add3A_176 = arith.addf %add3A_136, %mul3A_175 : vector<16xf32>
      %add3A_177 = arith.constant 14 : i32
      %add3A_178 = vector.broadcast %add3A_177 : i32 to vector<16xi32>
      %add3A_179 = arith.addi %iota3A, %add3A_178 : vector<16xi32>
      %and3A_180 = arith.constant 31 : i32
      %and3A_181 = vector.broadcast %and3A_180 : i32 to vector<16xi32>
      %and3A_182 = arith.andi %add3A_179, %and3A_181 : vector<16xi32>
      %gather3A_183 = tpu.vector_load_idx %arg13[%add3A_34, %and3A_182] : memref<512x32xf32, #tpu.memory_space<vmem>>[vector<16xi32>, vector<16xi32>], vector<16xf32>,
      %gather3A_184 = tpu.vector_load_idx %arg14[%add3A_34, %and3A_182] : memref<512x32xf32, #tpu.memory_space<vmem>>[vector<16xi32>, vector<16xi32>], vector<16xf32>,
      %mul3A_185 = arith.mulf %gather3A_183, %gather3A_184 : vector<16xf32>
      %add3A_186 = arith.addf %add3A_146, %mul3A_185 : vector<16xf32>
      %add3A_187 = arith.constant 15 : i32
      %add3A_188 = vector.broadcast %add3A_187 : i32 to vector<16xi32>
      %add3A_189 = arith.addi %iota3A, %add3A_188 : vector<16xi32>
      %and3A_190 = arith.constant 31 : i32
      %and3A_191 = vector.broadcast %and3A_190 : i32 to vector<16xi32>
      %and3A_192 = arith.andi %add3A_189, %and3A_191 : vector<16xi32>
      %gather3A_193 = tpu.vector_load_idx %arg13[%add3A_34, %and3A_192] : memref<512x32xf32, #tpu.memory_space<vmem>>[vector<16xi32>, vector<16xi32>], vector<16xf32>,
      %gather3A_194 = tpu.vector_load_idx %arg14[%add3A_34, %and3A_192] : memref<512x32xf32, #tpu.memory_space<vmem>>[vector<16xi32>, vector<16xi32>], vector<16xf32>,
      %mul3A_195 = arith.mulf %gather3A_193, %gather3A_194 : vector<16xf32>
      %add3A_196 = arith.addf %add3A_156, %mul3A_195 : vector<16xf32>
      %add3A_197 = arith.constant 16 : i32
      %add3A_198 = vector.broadcast %add3A_197 : i32 to vector<16xi32>
      %add3A_199 = arith.addi %iota3A, %add3A_198 : vector<16xi32>
      %and3A_200 = arith.constant 31 : i32
      %and3A_201 = vector.broadcast %and3A_200 : i32 to vector<16xi32>
      %and3A_202 = arith.andi %add3A_199, %and3A_201 : vector<16xi32>
      %gather3A_203 = tpu.vector_load_idx %arg13[%add3A_34, %and3A_202] : memref<512x32xf32, #tpu.memory_space<vmem>>[vector<16xi32>, vector<16xi32>], vector<16xf32>,
      %gather3A_204 = tpu.vector_load_idx %arg14[%add3A_34, %and3A_202] : memref<512x32xf32, #tpu.memory_space<vmem>>[vector<16xi32>, vector<16xi32>], vector<16xf32>,
      %mul3A_205 = arith.mulf %gather3A_203, %gather3A_204 : vector<16xf32>
      %add3A_206 = arith.addf %add3A_166, %mul3A_205 : vector<16xf32>
      %add3A_207 = arith.constant 17 : i32
      %add3A_208 = vector.broadcast %add3A_207 : i32 to vector<16xi32>
      %add3A_209 = arith.addi %iota3A, %add3A_208 : vector<16xi32>
      %and3A_210 = arith.constant 31 : i32
      %and3A_211 = vector.broadcast %and3A_210 : i32 to vector<16xi32>
      %and3A_212 = arith.andi %add3A_209, %and3A_211 : vector<16xi32>
      %gather3A_213 = tpu.vector_load_idx %arg13[%add3A_34, %and3A_212] : memref<512x32xf32, #tpu.memory_space<vmem>>[vector<16xi32>, vector<16xi32>], vector<16xf32>,
      %gather3A_214 = tpu.vector_load_idx %arg14[%add3A_34, %and3A_212] : memref<512x32xf32, #tpu.memory_space<vmem>>[vector<16xi32>, vector<16xi32>], vector<16xf32>,
      %mul3A_215 = arith.mulf %gather3A_213, %gather3A_214 : vector<16xf32>
      %add3A_216 = arith.addf %add3A_176, %mul3A_215 : vector<16xf32>
      %add3A_217 = arith.constant 18 : i32
      %add3A_218 = vector.broadcast %add3A_217 : i32 to vector<16xi32>
      %add3A_219 = arith.addi %iota3A, %add3A_218 : vector<16xi32>
      %and3A_220 = arith.constant 31 : i32
      %and3A_221 = vector.broadcast %and3A_220 : i32 to vector<16xi32>
      %and3A_222 = arith.andi %add3A_219, %and3A_221 : vector<16xi32>
      %gather3A_223 = tpu.vector_load_idx %arg13[%add3A_34, %and3A_222] : memref<512x32xf32, #tpu.memory_space<vmem>>[vector<16xi32>, vector<16xi32>], vector<16xf32>,
      %gather3A_224 = tpu.vector_load_idx %arg14[%add3A_34, %and3A_222] : memref<512x32xf32, #tpu.memory_space<vmem>>[vector<16xi32>, vector<16xi32>], vector<16xf32>,
      %mul3A_225 = arith.mulf %gather3A_223, %gather3A_224 : vector<16xf32>
      %add3A_226 = arith.addf %add3A_186, %mul3A_225 : vector<16xf32>
      %add3A_227 = arith.constant 19 : i32
      %add3A_228 = vector.broadcast %add3A_227 : i32 to vector<16xi32>
      %add3A_229 = arith.addi %iota3A, %add3A_228 : vector<16xi32>
      %and3A_230 = arith.constant 31 : i32
      %and3A_231 = vector.broadcast %and3A_230 : i32 to vector<16xi32>
      %and3A_232 = arith.andi %add3A_229, %and3A_231 : vector<16xi32>
      %gather3A_233 = tpu.vector_load_idx %arg13[%add3A_34, %and3A_232] : memref<512x32xf32, #tpu.memory_space<vmem>>[vector<16xi32>, vector<16xi32>], vector<16xf32>,
      %gather3A_234 = tpu.vector_load_idx %arg14[%add3A_34, %and3A_232] : memref<512x32xf32, #tpu.memory_space<vmem>>[vector<16xi32>, vector<16xi32>], vector<16xf32>,
      %mul3A_235 = arith.mulf %gather3A_233, %gather3A_234 : vector<16xf32>
      %add3A_236 = arith.addf %add3A_196, %mul3A_235 : vector<16xf32>
      %add3A_237 = arith.constant 20 : i32
      %add3A_238 = vector.broadcast %add3A_237 : i32 to vector<16xi32>
      %add3A_239 = arith.addi %iota3A, %add3A_238 : vector<16xi32>
      %and3A_240 = arith.constant 31 : i32
      %and3A_241 = vector.broadcast %and3A_240 : i32 to vector<16xi32>
      %and3A_242 = arith.andi %add3A_239, %and3A_241 : vector<16xi32>
      %gather3A_243 = tpu.vector_load_idx %arg13[%add3A_34, %and3A_242] : memref<512x32xf32, #tpu.memory_space<vmem>>[vector<16xi32>, vector<16xi32>], vector<16xf32>,
      %gather3A_244 = tpu.vector_load_idx %arg14[%add3A_34, %and3A_242] : memref<512x32xf32, #tpu.memory_space<vmem>>[vector<16xi32>, vector<16xi32>], vector<16xf32>,
      %mul3A_245 = arith.mulf %gather3A_243, %gather3A_244 : vector<16xf32>
      %add3A_246 = arith.addf %add3A_206, %mul3A_245 : vector<16xf32>
      %add3A_247 = arith.constant 21 : i32
      %add3A_248 = vector.broadcast %add3A_247 : i32 to vector<16xi32>
      %add3A_249 = arith.addi %iota3A, %add3A_248 : vector<16xi32>
      %and3A_250 = arith.constant 31 : i32
      %and3A_251 = vector.broadcast %and3A_250 : i32 to vector<16xi32>
      %and3A_252 = arith.andi %add3A_249, %and3A_251 : vector<16xi32>
      %gather3A_253 = tpu.vector_load_idx %arg13[%add3A_34, %and3A_252] : memref<512x32xf32, #tpu.memory_space<vmem>>[vector<16xi32>, vector<16xi32>], vector<16xf32>,
      %gather3A_254 = tpu.vector_load_idx %arg14[%add3A_34, %and3A_252] : memref<512x32xf32, #tpu.memory_space<vmem>>[vector<16xi32>, vector<16xi32>], vector<16xf32>,
      %mul3A_255 = arith.mulf %gather3A_253, %gather3A_254 : vector<16xf32>
      %add3A_256 = arith.addf %add3A_216, %mul3A_255 : vector<16xf32>
      %add3A_257 = arith.constant 22 : i32
      %add3A_258 = vector.broadcast %add3A_257 : i32 to vector<16xi32>
      %add3A_259 = arith.addi %iota3A, %add3A_258 : vector<16xi32>
      %and3A_260 = arith.constant 31 : i32
      %and3A_261 = vector.broadcast %and3A_260 : i32 to vector<16xi32>
      %and3A_262 = arith.andi %add3A_259, %and3A_261 : vector<16xi32>
      %gather3A_263 = tpu.vector_load_idx %arg13[%add3A_34, %and3A_262] : memref<512x32xf32, #tpu.memory_space<vmem>>[vector<16xi32>, vector<16xi32>], vector<16xf32>,
      %gather3A_264 = tpu.vector_load_idx %arg14[%add3A_34, %and3A_262] : memref<512x32xf32, #tpu.memory_space<vmem>>[vector<16xi32>, vector<16xi32>], vector<16xf32>,
      %mul3A_265 = arith.mulf %gather3A_263, %gather3A_264 : vector<16xf32>
      %add3A_266 = arith.addf %add3A_226, %mul3A_265 : vector<16xf32>
      %add3A_267 = arith.constant 23 : i32
      %add3A_268 = vector.broadcast %add3A_267 : i32 to vector<16xi32>
      %add3A_269 = arith.addi %iota3A, %add3A_268 : vector<16xi32>
      %and3A_270 = arith.constant 31 : i32
      %and3A_271 = vector.broadcast %and3A_270 : i32 to vector<16xi32>
      %and3A_272 = arith.andi %add3A_269, %and3A_271 : vector<16xi32>
      %gather3A_273 = tpu.vector_load_idx %arg13[%add3A_34, %and3A_272] : memref<512x32xf32, #tpu.memory_space<vmem>>[vector<16xi32>, vector<16xi32>], vector<16xf32>,
      %gather3A_274 = tpu.vector_load_idx %arg14[%add3A_34, %and3A_272] : memref<512x32xf32, #tpu.memory_space<vmem>>[vector<16xi32>, vector<16xi32>], vector<16xf32>,
      %mul3A_275 = arith.mulf %gather3A_273, %gather3A_274 : vector<16xf32>
      %add3A_276 = arith.addf %add3A_236, %mul3A_275 : vector<16xf32>
      %add3A_277 = arith.constant 24 : i32
      %add3A_278 = vector.broadcast %add3A_277 : i32 to vector<16xi32>
      %add3A_279 = arith.addi %iota3A, %add3A_278 : vector<16xi32>
      %and3A_280 = arith.constant 31 : i32
      %and3A_281 = vector.broadcast %and3A_280 : i32 to vector<16xi32>
      %and3A_282 = arith.andi %add3A_279, %and3A_281 : vector<16xi32>
      %gather3A_283 = tpu.vector_load_idx %arg13[%add3A_34, %and3A_282] : memref<512x32xf32, #tpu.memory_space<vmem>>[vector<16xi32>, vector<16xi32>], vector<16xf32>,
      %gather3A_284 = tpu.vector_load_idx %arg14[%add3A_34, %and3A_282] : memref<512x32xf32, #tpu.memory_space<vmem>>[vector<16xi32>, vector<16xi32>], vector<16xf32>,
      %mul3A_285 = arith.mulf %gather3A_283, %gather3A_284 : vector<16xf32>
      %add3A_286 = arith.addf %add3A_246, %mul3A_285 : vector<16xf32>
      %add3A_287 = arith.constant 25 : i32
      %add3A_288 = vector.broadcast %add3A_287 : i32 to vector<16xi32>
      %add3A_289 = arith.addi %iota3A, %add3A_288 : vector<16xi32>
      %and3A_290 = arith.constant 31 : i32
      %and3A_291 = vector.broadcast %and3A_290 : i32 to vector<16xi32>
      %and3A_292 = arith.andi %add3A_289, %and3A_291 : vector<16xi32>
      %gather3A_293 = tpu.vector_load_idx %arg13[%add3A_34, %and3A_292] : memref<512x32xf32, #tpu.memory_space<vmem>>[vector<16xi32>, vector<16xi32>], vector<16xf32>,
      %gather3A_294 = tpu.vector_load_idx %arg14[%add3A_34, %and3A_292] : memref<512x32xf32, #tpu.memory_space<vmem>>[vector<16xi32>, vector<16xi32>], vector<16xf32>,
      %mul3A_295 = arith.mulf %gather3A_293, %gather3A_294 : vector<16xf32>
      %add3A_296 = arith.addf %add3A_256, %mul3A_295 : vector<16xf32>
      %add3A_297 = arith.constant 26 : i32
      %add3A_298 = vector.broadcast %add3A_297 : i32 to vector<16xi32>
      %add3A_299 = arith.addi %iota3A, %add3A_298 : vector<16xi32>
      %and3A_300 = arith.constant 31 : i32
      %and3A_301 = vector.broadcast %and3A_300 : i32 to vector<16xi32>
      %and3A_302 = arith.andi %add3A_299, %and3A_301 : vector<16xi32>
      %gather3A_303 = tpu.vector_load_idx %arg13[%add3A_34, %and3A_302] : memref<512x32xf32, #tpu.memory_space<vmem>>[vector<16xi32>, vector<16xi32>], vector<16xf32>,
      %gather3A_304 = tpu.vector_load_idx %arg14[%add3A_34, %and3A_302] : memref<512x32xf32, #tpu.memory_space<vmem>>[vector<16xi32>, vector<16xi32>], vector<16xf32>,
      %mul3A_305 = arith.mulf %gather3A_303, %gather3A_304 : vector<16xf32>
      %add3A_306 = arith.addf %add3A_266, %mul3A_305 : vector<16xf32>
      %add3A_307 = arith.constant 27 : i32
      %add3A_308 = vector.broadcast %add3A_307 : i32 to vector<16xi32>
      %add3A_309 = arith.addi %iota3A, %add3A_308 : vector<16xi32>
      %and3A_310 = arith.constant 31 : i32
      %and3A_311 = vector.broadcast %and3A_310 : i32 to vector<16xi32>
      %and3A_312 = arith.andi %add3A_309, %and3A_311 : vector<16xi32>
      %gather3A_313 = tpu.vector_load_idx %arg13[%add3A_34, %and3A_312] : memref<512x32xf32, #tpu.memory_space<vmem>>[vector<16xi32>, vector<16xi32>], vector<16xf32>,
      %gather3A_314 = tpu.vector_load_idx %arg14[%add3A_34, %and3A_312] : memref<512x32xf32, #tpu.memory_space<vmem>>[vector<16xi32>, vector<16xi32>], vector<16xf32>,
      %mul3A_315 = arith.mulf %gather3A_313, %gather3A_314 : vector<16xf32>
      %add3A_316 = arith.addf %add3A_276, %mul3A_315 : vector<16xf32>
      %add3A_317 = arith.constant 28 : i32
      %add3A_318 = vector.broadcast %add3A_317 : i32 to vector<16xi32>
      %add3A_319 = arith.addi %iota3A, %add3A_318 : vector<16xi32>
      %and3A_320 = arith.constant 31 : i32
      %and3A_321 = vector.broadcast %and3A_320 : i32 to vector<16xi32>
      %and3A_322 = arith.andi %add3A_319, %and3A_321 : vector<16xi32>
      %gather3A_323 = tpu.vector_load_idx %arg13[%add3A_34, %and3A_322] : memref<512x32xf32, #tpu.memory_space<vmem>>[vector<16xi32>, vector<16xi32>], vector<16xf32>,
      %gather3A_324 = tpu.vector_load_idx %arg14[%add3A_34, %and3A_322] : memref<512x32xf32, #tpu.memory_space<vmem>>[vector<16xi32>, vector<16xi32>], vector<16xf32>,
      %mul3A_325 = arith.mulf %gather3A_323, %gather3A_324 : vector<16xf32>
      %add3A_326 = arith.addf %add3A_286, %mul3A_325 : vector<16xf32>
      %add3A_327 = arith.constant 29 : i32
      %add3A_328 = vector.broadcast %add3A_327 : i32 to vector<16xi32>
      %add3A_329 = arith.addi %iota3A, %add3A_328 : vector<16xi32>
      %and3A_330 = arith.constant 31 : i32
      %and3A_331 = vector.broadcast %and3A_330 : i32 to vector<16xi32>
      %and3A_332 = arith.andi %add3A_329, %and3A_331 : vector<16xi32>
      %gather3A_333 = tpu.vector_load_idx %arg13[%add3A_34, %and3A_332] : memref<512x32xf32, #tpu.memory_space<vmem>>[vector<16xi32>, vector<16xi32>], vector<16xf32>,
      %gather3A_334 = tpu.vector_load_idx %arg14[%add3A_34, %and3A_332] : memref<512x32xf32, #tpu.memory_space<vmem>>[vector<16xi32>, vector<16xi32>], vector<16xf32>,
      %mul3A_335 = arith.mulf %gather3A_333, %gather3A_334 : vector<16xf32>
      %add3A_336 = arith.addf %add3A_296, %mul3A_335 : vector<16xf32>
      %add3A_337 = arith.constant 30 : i32
      %add3A_338 = vector.broadcast %add3A_337 : i32 to vector<16xi32>
      %add3A_339 = arith.addi %iota3A, %add3A_338 : vector<16xi32>
      %and3A_340 = arith.constant 31 : i32
      %and3A_341 = vector.broadcast %and3A_340 : i32 to vector<16xi32>
      %and3A_342 = arith.andi %add3A_339, %and3A_341 : vector<16xi32>
      %gather3A_343 = tpu.vector_load_idx %arg13[%add3A_34, %and3A_342] : memref<512x32xf32, #tpu.memory_space<vmem>>[vector<16xi32>, vector<16xi32>], vector<16xf32>,
      %gather3A_344 = tpu.vector_load_idx %arg14[%add3A_34, %and3A_342] : memref<512x32xf32, #tpu.memory_space<vmem>>[vector<16xi32>, vector<16xi32>], vector<16xf32>,
      %mul3A_345 = arith.mulf %gather3A_343, %gather3A_344 : vector<16xf32>
      %add3A_346 = arith.addf %add3A_306, %mul3A_345 : vector<16xf32>
      %add3A_347 = arith.constant 31 : i32
      %add3A_348 = vector.broadcast %add3A_347 : i32 to vector<16xi32>
      %add3A_349 = arith.addi %iota3A, %add3A_348 : vector<16xi32>
      %and3A_350 = arith.constant 31 : i32
      %and3A_351 = vector.broadcast %and3A_350 : i32 to vector<16xi32>
      %and3A_352 = arith.andi %add3A_349, %and3A_351 : vector<16xi32>
      %gather3A_353 = tpu.vector_load_idx %arg13[%add3A_34, %and3A_352] : memref<512x32xf32, #tpu.memory_space<vmem>>[vector<16xi32>, vector<16xi32>], vector<16xf32>,
      %gather3A_354 = tpu.vector_load_idx %arg14[%add3A_34, %and3A_352] : memref<512x32xf32, #tpu.memory_space<vmem>>[vector<16xi32>, vector<16xi32>], vector<16xf32>,
      %mul3A_355 = arith.mulf %gather3A_353, %gather3A_354 : vector<16xf32>
      %add3A_356 = arith.addf %add3A_316, %mul3A_355 : vector<16xf32>
      %add3A_357 = arith.addf %add3A_326, %add3A_336 : vector<16xf32>
      %add3A_358 = arith.addf %add3A_346, %add3A_356 : vector<16xf32>
      %add3A_359 = arith.addf %add3A_357, %add3A_358 : vector<16xf32>
      %swap3A = arith.index_cast %mul3A_32 : i32 to index
      %swap3A_360 = tpu.vector_load %arg18[%swap3A] {strides = array<i32>} : memref<512xf32, #tpu.memory_space<vmem>>, vector<16xf32>,
      tpu.vector_store %arg18[%swap3A], %add3A_359 {strides = array<i32>} : memref<512xf32, #tpu.memory_space<vmem>>, vector<16xf32>,
      %scan3A_361 = arith.constant 1 : i32
      %scan3A_362 = arith.addi %scan3A_30, %scan3A_361 : i32
      %mul3A_363 = arith.constant 16 : i32
      %mul3A_364 = arith.muli %scan3A_362, %mul3A_363 : i32
      %add3A_365 = vector.broadcast %mul3A_364 : i32 to vector<16xi32>
      %add3A_366 = arith.addi %iota3A, %add3A_365 : vector<16xi32>
      %broadcast_in_dim3A_367 = arith.constant 0.000000e+00 : f32
      %broadcast_in_dim3A_368 = vector.broadcast %broadcast_in_dim3A_367 : f32 to vector<16xf32>
      %get3A_369 = arith.index_cast %mul3A_364 : i32 to index
      %get3A_370 = tpu.vector_load %arg15[%get3A_369] {strides = array<i32>} : memref<512xf32, #tpu.memory_space<vmem>>, vector<16xf32>,
      %get3A_371 = arith.index_cast %mul3A_364 : i32 to index
      %get3A_372 = tpu.vector_load %arg16[%get3A_371] {strides = array<i32>} : memref<512xf32, #tpu.memory_space<vmem>>, vector<16xf32>,
      %add3A_373 = arith.constant 0 : i32
      %add3A_374 = vector.broadcast %add3A_373 : i32 to vector<16xi32>
      %add3A_375 = arith.addi %iota3A, %add3A_374 : vector<16xi32>
      %and3A_376 = arith.constant 31 : i32
      %and3A_377 = vector.broadcast %and3A_376 : i32 to vector<16xi32>
      %and3A_378 = arith.andi %add3A_375, %and3A_377 : vector<16xi32>
      %gather3A_379 = tpu.vector_load_idx %arg13[%add3A_366, %and3A_378] : memref<512x32xf32, #tpu.memory_space<vmem>>[vector<16xi32>, vector<16xi32>], vector<16xf32>,
      %gather3A_380 = tpu.vector_load_idx %arg14[%add3A_366, %and3A_378] : memref<512x32xf32, #tpu.memory_space<vmem>>[vector<16xi32>, vector<16xi32>], vector<16xf32>,
      %mul3A_381 = arith.mulf %gather3A_379, %gather3A_380 : vector<16xf32>
      %add3A_382 = arith.addf %get3A_370, %mul3A_381 : vector<16xf32>
      %add3A_383 = arith.constant 1 : i32
      %add3A_384 = vector.broadcast %add3A_383 : i32 to vector<16xi32>
      %add3A_385 = arith.addi %iota3A, %add3A_384 : vector<16xi32>
      %and3A_386 = arith.constant 31 : i32
      %and3A_387 = vector.broadcast %and3A_386 : i32 to vector<16xi32>
      %and3A_388 = arith.andi %add3A_385, %and3A_387 : vector<16xi32>
      %gather3A_389 = tpu.vector_load_idx %arg13[%add3A_366, %and3A_388] : memref<512x32xf32, #tpu.memory_space<vmem>>[vector<16xi32>, vector<16xi32>], vector<16xf32>,
      %gather3A_390 = tpu.vector_load_idx %arg14[%add3A_366, %and3A_388] : memref<512x32xf32, #tpu.memory_space<vmem>>[vector<16xi32>, vector<16xi32>], vector<16xf32>,
      %mul3A_391 = arith.mulf %gather3A_389, %gather3A_390 : vector<16xf32>
      %add3A_392 = arith.addf %get3A_372, %mul3A_391 : vector<16xf32>
      %add3A_393 = arith.constant 2 : i32
      %add3A_394 = vector.broadcast %add3A_393 : i32 to vector<16xi32>
      %add3A_395 = arith.addi %iota3A, %add3A_394 : vector<16xi32>
      %and3A_396 = arith.constant 31 : i32
      %and3A_397 = vector.broadcast %and3A_396 : i32 to vector<16xi32>
      %and3A_398 = arith.andi %add3A_395, %and3A_397 : vector<16xi32>
      %gather3A_399 = tpu.vector_load_idx %arg13[%add3A_366, %and3A_398] : memref<512x32xf32, #tpu.memory_space<vmem>>[vector<16xi32>, vector<16xi32>], vector<16xf32>,
      %gather3A_400 = tpu.vector_load_idx %arg14[%add3A_366, %and3A_398] : memref<512x32xf32, #tpu.memory_space<vmem>>[vector<16xi32>, vector<16xi32>], vector<16xf32>,
      %mul3A_401 = arith.mulf %gather3A_399, %gather3A_400 : vector<16xf32>
      %add3A_402 = arith.addf %broadcast_in_dim3A_368, %mul3A_401 : vector<16xf32>
      %add3A_403 = arith.constant 3 : i32
      %add3A_404 = vector.broadcast %add3A_403 : i32 to vector<16xi32>
      %add3A_405 = arith.addi %iota3A, %add3A_404 : vector<16xi32>
      %and3A_406 = arith.constant 31 : i32
      %and3A_407 = vector.broadcast %and3A_406 : i32 to vector<16xi32>
      %and3A_408 = arith.andi %add3A_405, %and3A_407 : vector<16xi32>
      %gather3A_409 = tpu.vector_load_idx %arg13[%add3A_366, %and3A_408] : memref<512x32xf32, #tpu.memory_space<vmem>>[vector<16xi32>, vector<16xi32>], vector<16xf32>,
      %gather3A_410 = tpu.vector_load_idx %arg14[%add3A_366, %and3A_408] : memref<512x32xf32, #tpu.memory_space<vmem>>[vector<16xi32>, vector<16xi32>], vector<16xf32>,
      %mul3A_411 = arith.mulf %gather3A_409, %gather3A_410 : vector<16xf32>
      %add3A_412 = arith.addf %broadcast_in_dim3A_368, %mul3A_411 : vector<16xf32>
      %add3A_413 = arith.constant 4 : i32
      %add3A_414 = vector.broadcast %add3A_413 : i32 to vector<16xi32>
      %add3A_415 = arith.addi %iota3A, %add3A_414 : vector<16xi32>
      %and3A_416 = arith.constant 31 : i32
      %and3A_417 = vector.broadcast %and3A_416 : i32 to vector<16xi32>
      %and3A_418 = arith.andi %add3A_415, %and3A_417 : vector<16xi32>
      %gather3A_419 = tpu.vector_load_idx %arg13[%add3A_366, %and3A_418] : memref<512x32xf32, #tpu.memory_space<vmem>>[vector<16xi32>, vector<16xi32>], vector<16xf32>,
      %gather3A_420 = tpu.vector_load_idx %arg14[%add3A_366, %and3A_418] : memref<512x32xf32, #tpu.memory_space<vmem>>[vector<16xi32>, vector<16xi32>], vector<16xf32>,
      %mul3A_421 = arith.mulf %gather3A_419, %gather3A_420 : vector<16xf32>
      %add3A_422 = arith.addf %add3A_382, %mul3A_421 : vector<16xf32>
      %add3A_423 = arith.constant 5 : i32
      %add3A_424 = vector.broadcast %add3A_423 : i32 to vector<16xi32>
      %add3A_425 = arith.addi %iota3A, %add3A_424 : vector<16xi32>
      %and3A_426 = arith.constant 31 : i32
      %and3A_427 = vector.broadcast %and3A_426 : i32 to vector<16xi32>
      %and3A_428 = arith.andi %add3A_425, %and3A_427 : vector<16xi32>
      %gather3A_429 = tpu.vector_load_idx %arg13[%add3A_366, %and3A_428] : memref<512x32xf32, #tpu.memory_space<vmem>>[vector<16xi32>, vector<16xi32>], vector<16xf32>,
      %gather3A_430 = tpu.vector_load_idx %arg14[%add3A_366, %and3A_428] : memref<512x32xf32, #tpu.memory_space<vmem>>[vector<16xi32>, vector<16xi32>], vector<16xf32>,
      %mul3A_431 = arith.mulf %gather3A_429, %gather3A_430 : vector<16xf32>
      %add3A_432 = arith.addf %add3A_392, %mul3A_431 : vector<16xf32>
      %add3A_433 = arith.constant 6 : i32
      %add3A_434 = vector.broadcast %add3A_433 : i32 to vector<16xi32>
      %add3A_435 = arith.addi %iota3A, %add3A_434 : vector<16xi32>
      %and3A_436 = arith.constant 31 : i32
      %and3A_437 = vector.broadcast %and3A_436 : i32 to vector<16xi32>
      %and3A_438 = arith.andi %add3A_435, %and3A_437 : vector<16xi32>
      %gather3A_439 = tpu.vector_load_idx %arg13[%add3A_366, %and3A_438] : memref<512x32xf32, #tpu.memory_space<vmem>>[vector<16xi32>, vector<16xi32>], vector<16xf32>,
      %gather3A_440 = tpu.vector_load_idx %arg14[%add3A_366, %and3A_438] : memref<512x32xf32, #tpu.memory_space<vmem>>[vector<16xi32>, vector<16xi32>], vector<16xf32>,
      %mul3A_441 = arith.mulf %gather3A_439, %gather3A_440 : vector<16xf32>
      %add3A_442 = arith.addf %add3A_402, %mul3A_441 : vector<16xf32>
      %add3A_443 = arith.constant 7 : i32
      %add3A_444 = vector.broadcast %add3A_443 : i32 to vector<16xi32>
      %add3A_445 = arith.addi %iota3A, %add3A_444 : vector<16xi32>
      %and3A_446 = arith.constant 31 : i32
      %and3A_447 = vector.broadcast %and3A_446 : i32 to vector<16xi32>
      %and3A_448 = arith.andi %add3A_445, %and3A_447 : vector<16xi32>
      %gather3A_449 = tpu.vector_load_idx %arg13[%add3A_366, %and3A_448] : memref<512x32xf32, #tpu.memory_space<vmem>>[vector<16xi32>, vector<16xi32>], vector<16xf32>,
      %gather3A_450 = tpu.vector_load_idx %arg14[%add3A_366, %and3A_448] : memref<512x32xf32, #tpu.memory_space<vmem>>[vector<16xi32>, vector<16xi32>], vector<16xf32>,
      %mul3A_451 = arith.mulf %gather3A_449, %gather3A_450 : vector<16xf32>
      %add3A_452 = arith.addf %add3A_412, %mul3A_451 : vector<16xf32>
      %add3A_453 = arith.constant 8 : i32
      %add3A_454 = vector.broadcast %add3A_453 : i32 to vector<16xi32>
      %add3A_455 = arith.addi %iota3A, %add3A_454 : vector<16xi32>
      %and3A_456 = arith.constant 31 : i32
      %and3A_457 = vector.broadcast %and3A_456 : i32 to vector<16xi32>
      %and3A_458 = arith.andi %add3A_455, %and3A_457 : vector<16xi32>
      %gather3A_459 = tpu.vector_load_idx %arg13[%add3A_366, %and3A_458] : memref<512x32xf32, #tpu.memory_space<vmem>>[vector<16xi32>, vector<16xi32>], vector<16xf32>,
      %gather3A_460 = tpu.vector_load_idx %arg14[%add3A_366, %and3A_458] : memref<512x32xf32, #tpu.memory_space<vmem>>[vector<16xi32>, vector<16xi32>], vector<16xf32>,
      %mul3A_461 = arith.mulf %gather3A_459, %gather3A_460 : vector<16xf32>
      %add3A_462 = arith.addf %add3A_422, %mul3A_461 : vector<16xf32>
      %add3A_463 = arith.constant 9 : i32
      %add3A_464 = vector.broadcast %add3A_463 : i32 to vector<16xi32>
      %add3A_465 = arith.addi %iota3A, %add3A_464 : vector<16xi32>
      %and3A_466 = arith.constant 31 : i32
      %and3A_467 = vector.broadcast %and3A_466 : i32 to vector<16xi32>
      %and3A_468 = arith.andi %add3A_465, %and3A_467 : vector<16xi32>
      %gather3A_469 = tpu.vector_load_idx %arg13[%add3A_366, %and3A_468] : memref<512x32xf32, #tpu.memory_space<vmem>>[vector<16xi32>, vector<16xi32>], vector<16xf32>,
      %gather3A_470 = tpu.vector_load_idx %arg14[%add3A_366, %and3A_468] : memref<512x32xf32, #tpu.memory_space<vmem>>[vector<16xi32>, vector<16xi32>], vector<16xf32>,
      %mul3A_471 = arith.mulf %gather3A_469, %gather3A_470 : vector<16xf32>
      %add3A_472 = arith.addf %add3A_432, %mul3A_471 : vector<16xf32>
      %add3A_473 = arith.constant 10 : i32
      %add3A_474 = vector.broadcast %add3A_473 : i32 to vector<16xi32>
      %add3A_475 = arith.addi %iota3A, %add3A_474 : vector<16xi32>
      %and3A_476 = arith.constant 31 : i32
      %and3A_477 = vector.broadcast %and3A_476 : i32 to vector<16xi32>
      %and3A_478 = arith.andi %add3A_475, %and3A_477 : vector<16xi32>
      %gather3A_479 = tpu.vector_load_idx %arg13[%add3A_366, %and3A_478] : memref<512x32xf32, #tpu.memory_space<vmem>>[vector<16xi32>, vector<16xi32>], vector<16xf32>,
      %gather3A_480 = tpu.vector_load_idx %arg14[%add3A_366, %and3A_478] : memref<512x32xf32, #tpu.memory_space<vmem>>[vector<16xi32>, vector<16xi32>], vector<16xf32>,
      %mul3A_481 = arith.mulf %gather3A_479, %gather3A_480 : vector<16xf32>
      %add3A_482 = arith.addf %add3A_442, %mul3A_481 : vector<16xf32>
      %add3A_483 = arith.constant 11 : i32
      %add3A_484 = vector.broadcast %add3A_483 : i32 to vector<16xi32>
      %add3A_485 = arith.addi %iota3A, %add3A_484 : vector<16xi32>
      %and3A_486 = arith.constant 31 : i32
      %and3A_487 = vector.broadcast %and3A_486 : i32 to vector<16xi32>
      %and3A_488 = arith.andi %add3A_485, %and3A_487 : vector<16xi32>
      %gather3A_489 = tpu.vector_load_idx %arg13[%add3A_366, %and3A_488] : memref<512x32xf32, #tpu.memory_space<vmem>>[vector<16xi32>, vector<16xi32>], vector<16xf32>,
      %gather3A_490 = tpu.vector_load_idx %arg14[%add3A_366, %and3A_488] : memref<512x32xf32, #tpu.memory_space<vmem>>[vector<16xi32>, vector<16xi32>], vector<16xf32>,
      %mul3A_491 = arith.mulf %gather3A_489, %gather3A_490 : vector<16xf32>
      %add3A_492 = arith.addf %add3A_452, %mul3A_491 : vector<16xf32>
      %add3A_493 = arith.constant 12 : i32
      %add3A_494 = vector.broadcast %add3A_493 : i32 to vector<16xi32>
      %add3A_495 = arith.addi %iota3A, %add3A_494 : vector<16xi32>
      %and3A_496 = arith.constant 31 : i32
      %and3A_497 = vector.broadcast %and3A_496 : i32 to vector<16xi32>
      %and3A_498 = arith.andi %add3A_495, %and3A_497 : vector<16xi32>
      %gather3A_499 = tpu.vector_load_idx %arg13[%add3A_366, %and3A_498] : memref<512x32xf32, #tpu.memory_space<vmem>>[vector<16xi32>, vector<16xi32>], vector<16xf32>,
      %gather3A_500 = tpu.vector_load_idx %arg14[%add3A_366, %and3A_498] : memref<512x32xf32, #tpu.memory_space<vmem>>[vector<16xi32>, vector<16xi32>], vector<16xf32>,
      %mul3A_501 = arith.mulf %gather3A_499, %gather3A_500 : vector<16xf32>
      %add3A_502 = arith.addf %add3A_462, %mul3A_501 : vector<16xf32>
      %add3A_503 = arith.constant 13 : i32
      %add3A_504 = vector.broadcast %add3A_503 : i32 to vector<16xi32>
      %add3A_505 = arith.addi %iota3A, %add3A_504 : vector<16xi32>
      %and3A_506 = arith.constant 31 : i32
      %and3A_507 = vector.broadcast %and3A_506 : i32 to vector<16xi32>
      %and3A_508 = arith.andi %add3A_505, %and3A_507 : vector<16xi32>
      %gather3A_509 = tpu.vector_load_idx %arg13[%add3A_366, %and3A_508] : memref<512x32xf32, #tpu.memory_space<vmem>>[vector<16xi32>, vector<16xi32>], vector<16xf32>,
      %gather3A_510 = tpu.vector_load_idx %arg14[%add3A_366, %and3A_508] : memref<512x32xf32, #tpu.memory_space<vmem>>[vector<16xi32>, vector<16xi32>], vector<16xf32>,
      %mul3A_511 = arith.mulf %gather3A_509, %gather3A_510 : vector<16xf32>
      %add3A_512 = arith.addf %add3A_472, %mul3A_511 : vector<16xf32>
      %add3A_513 = arith.constant 14 : i32
      %add3A_514 = vector.broadcast %add3A_513 : i32 to vector<16xi32>
      %add3A_515 = arith.addi %iota3A, %add3A_514 : vector<16xi32>
      %and3A_516 = arith.constant 31 : i32
      %and3A_517 = vector.broadcast %and3A_516 : i32 to vector<16xi32>
      %and3A_518 = arith.andi %add3A_515, %and3A_517 : vector<16xi32>
      %gather3A_519 = tpu.vector_load_idx %arg13[%add3A_366, %and3A_518] : memref<512x32xf32, #tpu.memory_space<vmem>>[vector<16xi32>, vector<16xi32>], vector<16xf32>,
      %gather3A_520 = tpu.vector_load_idx %arg14[%add3A_366, %and3A_518] : memref<512x32xf32, #tpu.memory_space<vmem>>[vector<16xi32>, vector<16xi32>], vector<16xf32>,
      %mul3A_521 = arith.mulf %gather3A_519, %gather3A_520 : vector<16xf32>
      %add3A_522 = arith.addf %add3A_482, %mul3A_521 : vector<16xf32>
      %add3A_523 = arith.constant 15 : i32
      %add3A_524 = vector.broadcast %add3A_523 : i32 to vector<16xi32>
      %add3A_525 = arith.addi %iota3A, %add3A_524 : vector<16xi32>
      %and3A_526 = arith.constant 31 : i32
      %and3A_527 = vector.broadcast %and3A_526 : i32 to vector<16xi32>
      %and3A_528 = arith.andi %add3A_525, %and3A_527 : vector<16xi32>
      %gather3A_529 = tpu.vector_load_idx %arg13[%add3A_366, %and3A_528] : memref<512x32xf32, #tpu.memory_space<vmem>>[vector<16xi32>, vector<16xi32>], vector<16xf32>,
      %gather3A_530 = tpu.vector_load_idx %arg14[%add3A_366, %and3A_528] : memref<512x32xf32, #tpu.memory_space<vmem>>[vector<16xi32>, vector<16xi32>], vector<16xf32>,
      %mul3A_531 = arith.mulf %gather3A_529, %gather3A_530 : vector<16xf32>
      %add3A_532 = arith.addf %add3A_492, %mul3A_531 : vector<16xf32>
      %add3A_533 = arith.constant 16 : i32
      %add3A_534 = vector.broadcast %add3A_533 : i32 to vector<16xi32>
      %add3A_535 = arith.addi %iota3A, %add3A_534 : vector<16xi32>
      %and3A_536 = arith.constant 31 : i32
      %and3A_537 = vector.broadcast %and3A_536 : i32 to vector<16xi32>
      %and3A_538 = arith.andi %add3A_535, %and3A_537 : vector<16xi32>
      %gather3A_539 = tpu.vector_load_idx %arg13[%add3A_366, %and3A_538] : memref<512x32xf32, #tpu.memory_space<vmem>>[vector<16xi32>, vector<16xi32>], vector<16xf32>,
      %gather3A_540 = tpu.vector_load_idx %arg14[%add3A_366, %and3A_538] : memref<512x32xf32, #tpu.memory_space<vmem>>[vector<16xi32>, vector<16xi32>], vector<16xf32>,
      %mul3A_541 = arith.mulf %gather3A_539, %gather3A_540 : vector<16xf32>
      %add3A_542 = arith.addf %add3A_502, %mul3A_541 : vector<16xf32>
      %add3A_543 = arith.constant 17 : i32
      %add3A_544 = vector.broadcast %add3A_543 : i32 to vector<16xi32>
      %add3A_545 = arith.addi %iota3A, %add3A_544 : vector<16xi32>
      %and3A_546 = arith.constant 31 : i32
      %and3A_547 = vector.broadcast %and3A_546 : i32 to vector<16xi32>
      %and3A_548 = arith.andi %add3A_545, %and3A_547 : vector<16xi32>
      %gather3A_549 = tpu.vector_load_idx %arg13[%add3A_366, %and3A_548] : memref<512x32xf32, #tpu.memory_space<vmem>>[vector<16xi32>, vector<16xi32>], vector<16xf32>,
      %gather3A_550 = tpu.vector_load_idx %arg14[%add3A_366, %and3A_548] : memref<512x32xf32, #tpu.memory_space<vmem>>[vector<16xi32>, vector<16xi32>], vector<16xf32>,
      %mul3A_551 = arith.mulf %gather3A_549, %gather3A_550 : vector<16xf32>
      %add3A_552 = arith.addf %add3A_512, %mul3A_551 : vector<16xf32>
      %add3A_553 = arith.constant 18 : i32
      %add3A_554 = vector.broadcast %add3A_553 : i32 to vector<16xi32>
      %add3A_555 = arith.addi %iota3A, %add3A_554 : vector<16xi32>
      %and3A_556 = arith.constant 31 : i32
      %and3A_557 = vector.broadcast %and3A_556 : i32 to vector<16xi32>
      %and3A_558 = arith.andi %add3A_555, %and3A_557 : vector<16xi32>
      %gather3A_559 = tpu.vector_load_idx %arg13[%add3A_366, %and3A_558] : memref<512x32xf32, #tpu.memory_space<vmem>>[vector<16xi32>, vector<16xi32>], vector<16xf32>,
      %gather3A_560 = tpu.vector_load_idx %arg14[%add3A_366, %and3A_558] : memref<512x32xf32, #tpu.memory_space<vmem>>[vector<16xi32>, vector<16xi32>], vector<16xf32>,
      %mul3A_561 = arith.mulf %gather3A_559, %gather3A_560 : vector<16xf32>
      %add3A_562 = arith.addf %add3A_522, %mul3A_561 : vector<16xf32>
      %add3A_563 = arith.constant 19 : i32
      %add3A_564 = vector.broadcast %add3A_563 : i32 to vector<16xi32>
      %add3A_565 = arith.addi %iota3A, %add3A_564 : vector<16xi32>
      %and3A_566 = arith.constant 31 : i32
      %and3A_567 = vector.broadcast %and3A_566 : i32 to vector<16xi32>
      %and3A_568 = arith.andi %add3A_565, %and3A_567 : vector<16xi32>
      %gather3A_569 = tpu.vector_load_idx %arg13[%add3A_366, %and3A_568] : memref<512x32xf32, #tpu.memory_space<vmem>>[vector<16xi32>, vector<16xi32>], vector<16xf32>,
      %gather3A_570 = tpu.vector_load_idx %arg14[%add3A_366, %and3A_568] : memref<512x32xf32, #tpu.memory_space<vmem>>[vector<16xi32>, vector<16xi32>], vector<16xf32>,
      %mul3A_571 = arith.mulf %gather3A_569, %gather3A_570 : vector<16xf32>
      %add3A_572 = arith.addf %add3A_532, %mul3A_571 : vector<16xf32>
      %add3A_573 = arith.constant 20 : i32
      %add3A_574 = vector.broadcast %add3A_573 : i32 to vector<16xi32>
      %add3A_575 = arith.addi %iota3A, %add3A_574 : vector<16xi32>
      %and3A_576 = arith.constant 31 : i32
      %and3A_577 = vector.broadcast %and3A_576 : i32 to vector<16xi32>
      %and3A_578 = arith.andi %add3A_575, %and3A_577 : vector<16xi32>
      %gather3A_579 = tpu.vector_load_idx %arg13[%add3A_366, %and3A_578] : memref<512x32xf32, #tpu.memory_space<vmem>>[vector<16xi32>, vector<16xi32>], vector<16xf32>,
      %gather3A_580 = tpu.vector_load_idx %arg14[%add3A_366, %and3A_578] : memref<512x32xf32, #tpu.memory_space<vmem>>[vector<16xi32>, vector<16xi32>], vector<16xf32>,
      %mul3A_581 = arith.mulf %gather3A_579, %gather3A_580 : vector<16xf32>
      %add3A_582 = arith.addf %add3A_542, %mul3A_581 : vector<16xf32>
      %add3A_583 = arith.constant 21 : i32
      %add3A_584 = vector.broadcast %add3A_583 : i32 to vector<16xi32>
      %add3A_585 = arith.addi %iota3A, %add3A_584 : vector<16xi32>
      %and3A_586 = arith.constant 31 : i32
      %and3A_587 = vector.broadcast %and3A_586 : i32 to vector<16xi32>
      %and3A_588 = arith.andi %add3A_585, %and3A_587 : vector<16xi32>
      %gather3A_589 = tpu.vector_load_idx %arg13[%add3A_366, %and3A_588] : memref<512x32xf32, #tpu.memory_space<vmem>>[vector<16xi32>, vector<16xi32>], vector<16xf32>,
      %gather3A_590 = tpu.vector_load_idx %arg14[%add3A_366, %and3A_588] : memref<512x32xf32, #tpu.memory_space<vmem>>[vector<16xi32>, vector<16xi32>], vector<16xf32>,
      %mul3A_591 = arith.mulf %gather3A_589, %gather3A_590 : vector<16xf32>
      %add3A_592 = arith.addf %add3A_552, %mul3A_591 : vector<16xf32>
      %add3A_593 = arith.constant 22 : i32
      %add3A_594 = vector.broadcast %add3A_593 : i32 to vector<16xi32>
      %add3A_595 = arith.addi %iota3A, %add3A_594 : vector<16xi32>
      %and3A_596 = arith.constant 31 : i32
      %and3A_597 = vector.broadcast %and3A_596 : i32 to vector<16xi32>
      %and3A_598 = arith.andi %add3A_595, %and3A_597 : vector<16xi32>
      %gather3A_599 = tpu.vector_load_idx %arg13[%add3A_366, %and3A_598] : memref<512x32xf32, #tpu.memory_space<vmem>>[vector<16xi32>, vector<16xi32>], vector<16xf32>,
      %gather3A_600 = tpu.vector_load_idx %arg14[%add3A_366, %and3A_598] : memref<512x32xf32, #tpu.memory_space<vmem>>[vector<16xi32>, vector<16xi32>], vector<16xf32>,
      %mul3A_601 = arith.mulf %gather3A_599, %gather3A_600 : vector<16xf32>
      %add3A_602 = arith.addf %add3A_562, %mul3A_601 : vector<16xf32>
      %add3A_603 = arith.constant 23 : i32
      %add3A_604 = vector.broadcast %add3A_603 : i32 to vector<16xi32>
      %add3A_605 = arith.addi %iota3A, %add3A_604 : vector<16xi32>
      %and3A_606 = arith.constant 31 : i32
      %and3A_607 = vector.broadcast %and3A_606 : i32 to vector<16xi32>
      %and3A_608 = arith.andi %add3A_605, %and3A_607 : vector<16xi32>
      %gather3A_609 = tpu.vector_load_idx %arg13[%add3A_366, %and3A_608] : memref<512x32xf32, #tpu.memory_space<vmem>>[vector<16xi32>, vector<16xi32>], vector<16xf32>,
      %gather3A_610 = tpu.vector_load_idx %arg14[%add3A_366, %and3A_608] : memref<512x32xf32, #tpu.memory_space<vmem>>[vector<16xi32>, vector<16xi32>], vector<16xf32>,
      %mul3A_611 = arith.mulf %gather3A_609, %gather3A_610 : vector<16xf32>
      %add3A_612 = arith.addf %add3A_572, %mul3A_611 : vector<16xf32>
      %add3A_613 = arith.constant 24 : i32
      %add3A_614 = vector.broadcast %add3A_613 : i32 to vector<16xi32>
      %add3A_615 = arith.addi %iota3A, %add3A_614 : vector<16xi32>
      %and3A_616 = arith.constant 31 : i32
      %and3A_617 = vector.broadcast %and3A_616 : i32 to vector<16xi32>
      %and3A_618 = arith.andi %add3A_615, %and3A_617 : vector<16xi32>
      %gather3A_619 = tpu.vector_load_idx %arg13[%add3A_366, %and3A_618] : memref<512x32xf32, #tpu.memory_space<vmem>>[vector<16xi32>, vector<16xi32>], vector<16xf32>,
      %gather3A_620 = tpu.vector_load_idx %arg14[%add3A_366, %and3A_618] : memref<512x32xf32, #tpu.memory_space<vmem>>[vector<16xi32>, vector<16xi32>], vector<16xf32>,
      %mul3A_621 = arith.mulf %gather3A_619, %gather3A_620 : vector<16xf32>
      %add3A_622 = arith.addf %add3A_582, %mul3A_621 : vector<16xf32>
      %add3A_623 = arith.constant 25 : i32
      %add3A_624 = vector.broadcast %add3A_623 : i32 to vector<16xi32>
      %add3A_625 = arith.addi %iota3A, %add3A_624 : vector<16xi32>
      %and3A_626 = arith.constant 31 : i32
      %and3A_627 = vector.broadcast %and3A_626 : i32 to vector<16xi32>
      %and3A_628 = arith.andi %add3A_625, %and3A_627 : vector<16xi32>
      %gather3A_629 = tpu.vector_load_idx %arg13[%add3A_366, %and3A_628] : memref<512x32xf32, #tpu.memory_space<vmem>>[vector<16xi32>, vector<16xi32>], vector<16xf32>,
      %gather3A_630 = tpu.vector_load_idx %arg14[%add3A_366, %and3A_628] : memref<512x32xf32, #tpu.memory_space<vmem>>[vector<16xi32>, vector<16xi32>], vector<16xf32>,
      %mul3A_631 = arith.mulf %gather3A_629, %gather3A_630 : vector<16xf32>
      %add3A_632 = arith.addf %add3A_592, %mul3A_631 : vector<16xf32>
      %add3A_633 = arith.constant 26 : i32
      %add3A_634 = vector.broadcast %add3A_633 : i32 to vector<16xi32>
      %add3A_635 = arith.addi %iota3A, %add3A_634 : vector<16xi32>
      %and3A_636 = arith.constant 31 : i32
      %and3A_637 = vector.broadcast %and3A_636 : i32 to vector<16xi32>
      %and3A_638 = arith.andi %add3A_635, %and3A_637 : vector<16xi32>
      %gather3A_639 = tpu.vector_load_idx %arg13[%add3A_366, %and3A_638] : memref<512x32xf32, #tpu.memory_space<vmem>>[vector<16xi32>, vector<16xi32>], vector<16xf32>,
      %gather3A_640 = tpu.vector_load_idx %arg14[%add3A_366, %and3A_638] : memref<512x32xf32, #tpu.memory_space<vmem>>[vector<16xi32>, vector<16xi32>], vector<16xf32>,
      %mul3A_641 = arith.mulf %gather3A_639, %gather3A_640 : vector<16xf32>
      %add3A_642 = arith.addf %add3A_602, %mul3A_641 : vector<16xf32>
      %add3A_643 = arith.constant 27 : i32
      %add3A_644 = vector.broadcast %add3A_643 : i32 to vector<16xi32>
      %add3A_645 = arith.addi %iota3A, %add3A_644 : vector<16xi32>
      %and3A_646 = arith.constant 31 : i32
      %and3A_647 = vector.broadcast %and3A_646 : i32 to vector<16xi32>
      %and3A_648 = arith.andi %add3A_645, %and3A_647 : vector<16xi32>
      %gather3A_649 = tpu.vector_load_idx %arg13[%add3A_366, %and3A_648] : memref<512x32xf32, #tpu.memory_space<vmem>>[vector<16xi32>, vector<16xi32>], vector<16xf32>,
      %gather3A_650 = tpu.vector_load_idx %arg14[%add3A_366, %and3A_648] : memref<512x32xf32, #tpu.memory_space<vmem>>[vector<16xi32>, vector<16xi32>], vector<16xf32>,
      %mul3A_651 = arith.mulf %gather3A_649, %gather3A_650 : vector<16xf32>
      %add3A_652 = arith.addf %add3A_612, %mul3A_651 : vector<16xf32>
      %add3A_653 = arith.constant 28 : i32
      %add3A_654 = vector.broadcast %add3A_653 : i32 to vector<16xi32>
      %add3A_655 = arith.addi %iota3A, %add3A_654 : vector<16xi32>
      %and3A_656 = arith.constant 31 : i32
      %and3A_657 = vector.broadcast %and3A_656 : i32 to vector<16xi32>
      %and3A_658 = arith.andi %add3A_655, %and3A_657 : vector<16xi32>
      %gather3A_659 = tpu.vector_load_idx %arg13[%add3A_366, %and3A_658] : memref<512x32xf32, #tpu.memory_space<vmem>>[vector<16xi32>, vector<16xi32>], vector<16xf32>,
      %gather3A_660 = tpu.vector_load_idx %arg14[%add3A_366, %and3A_658] : memref<512x32xf32, #tpu.memory_space<vmem>>[vector<16xi32>, vector<16xi32>], vector<16xf32>,
      %mul3A_661 = arith.mulf %gather3A_659, %gather3A_660 : vector<16xf32>
      %add3A_662 = arith.addf %add3A_622, %mul3A_661 : vector<16xf32>
      %add3A_663 = arith.constant 29 : i32
      %add3A_664 = vector.broadcast %add3A_663 : i32 to vector<16xi32>
      %add3A_665 = arith.addi %iota3A, %add3A_664 : vector<16xi32>
      %and3A_666 = arith.constant 31 : i32
      %and3A_667 = vector.broadcast %and3A_666 : i32 to vector<16xi32>
      %and3A_668 = arith.andi %add3A_665, %and3A_667 : vector<16xi32>
      %gather3A_669 = tpu.vector_load_idx %arg13[%add3A_366, %and3A_668] : memref<512x32xf32, #tpu.memory_space<vmem>>[vector<16xi32>, vector<16xi32>], vector<16xf32>,
      %gather3A_670 = tpu.vector_load_idx %arg14[%add3A_366, %and3A_668] : memref<512x32xf32, #tpu.memory_space<vmem>>[vector<16xi32>, vector<16xi32>], vector<16xf32>,
      %mul3A_671 = arith.mulf %gather3A_669, %gather3A_670 : vector<16xf32>
      %add3A_672 = arith.addf %add3A_632, %mul3A_671 : vector<16xf32>
      %add3A_673 = arith.constant 30 : i32
      %add3A_674 = vector.broadcast %add3A_673 : i32 to vector<16xi32>
      %add3A_675 = arith.addi %iota3A, %add3A_674 : vector<16xi32>
      %and3A_676 = arith.constant 31 : i32
      %and3A_677 = vector.broadcast %and3A_676 : i32 to vector<16xi32>
      %and3A_678 = arith.andi %add3A_675, %and3A_677 : vector<16xi32>
      %gather3A_679 = tpu.vector_load_idx %arg13[%add3A_366, %and3A_678] : memref<512x32xf32, #tpu.memory_space<vmem>>[vector<16xi32>, vector<16xi32>], vector<16xf32>,
      %gather3A_680 = tpu.vector_load_idx %arg14[%add3A_366, %and3A_678] : memref<512x32xf32, #tpu.memory_space<vmem>>[vector<16xi32>, vector<16xi32>], vector<16xf32>,
      %mul3A_681 = arith.mulf %gather3A_679, %gather3A_680 : vector<16xf32>
      %add3A_682 = arith.addf %add3A_642, %mul3A_681 : vector<16xf32>
      %add3A_683 = arith.constant 31 : i32
      %add3A_684 = vector.broadcast %add3A_683 : i32 to vector<16xi32>
      %add3A_685 = arith.addi %iota3A, %add3A_684 : vector<16xi32>
      %and3A_686 = arith.constant 31 : i32
      %and3A_687 = vector.broadcast %and3A_686 : i32 to vector<16xi32>
      %and3A_688 = arith.andi %add3A_685, %and3A_687 : vector<16xi32>
      %gather3A_689 = tpu.vector_load_idx %arg13[%add3A_366, %and3A_688] : memref<512x32xf32, #tpu.memory_space<vmem>>[vector<16xi32>, vector<16xi32>], vector<16xf32>,
      %gather3A_690 = tpu.vector_load_idx %arg14[%add3A_366, %and3A_688] : memref<512x32xf32, #tpu.memory_space<vmem>>[vector<16xi32>, vector<16xi32>], vector<16xf32>,
      %mul3A_691 = arith.mulf %gather3A_689, %gather3A_690 : vector<16xf32>
      %add3A_692 = arith.addf %add3A_652, %mul3A_691 : vector<16xf32>
      %add3A_693 = arith.addf %add3A_662, %add3A_672 : vector<16xf32>
      %add3A_694 = arith.addf %add3A_682, %add3A_692 : vector<16xf32>
      %add3A_695 = arith.addf %add3A_693, %add3A_694 : vector<16xf32>
      %swap3A_696 = arith.index_cast %mul3A_364 : i32 to index
      %swap3A_697 = tpu.vector_load %arg18[%swap3A_696] {strides = array<i32>} : memref<512xf32, #tpu.memory_space<vmem>>, vector<16xf32>,
      tpu.vector_store %arg18[%swap3A_696], %add3A_695 {strides = array<i32>} : memref<512xf32, #tpu.memory_space<vmem>>, vector<16xf32>,
    }
    %scan3A_29 = arith.constant 32 : i32
    "tpu.region"() ({
      %run_scoped3A = tpu.sem_alloc : memref<!tpu.dma_semaphore, #tpu.memory_space<semaphore_mem>>
      %dma_start3A_30 = tpu.memref_slice %arg9[%mul3A_2] : memref<16384xf32, #tpu.memory_space<hbm>> -> memref<512xf32, #tpu.memory_space<hbm>>
      %dma_start3A_31 = tpu.memref_slice %arg9[%mul3A_2] : memref<16384xf32, #tpu.memory_space<hbm>> -> memref<512xf32, #tpu.memory_space<hbm>>
      tpu.enqueue_dma source(%arg18 : memref<512xf32, #tpu.memory_space<vmem>>) target(%dma_start3A_31 : memref<512xf32, #tpu.memory_space<hbm>>) target_semaphore(%run_scoped3A : memref<!tpu.dma_semaphore, #tpu.memory_space<semaphore_mem>>)
      %dma_wait3A_32 = tpu.memref_slice %arg9[%mul3A_2] : memref<16384xf32, #tpu.memory_space<hbm>> -> memref<512xf32, #tpu.memory_space<hbm>>
      %dma_wait3A_33 = tpu.memref_slice %arg9[%mul3A_2] : memref<16384xf32, #tpu.memory_space<hbm>> -> memref<512xf32, #tpu.memory_space<hbm>>
      tpu.wait_dma2 semaphore(%run_scoped3A : memref<!tpu.dma_semaphore, #tpu.memory_space<semaphore_mem>>) src(%arg18 : memref<512xf32, #tpu.memory_space<vmem>>) dst(%dma_wait3A_33 : memref<512xf32, #tpu.memory_space<hbm>>)
      tpu.yield
    }) : () -> ()
    "tpu.region"() ({
      %run_scoped3A = tpu.sem_alloc : memref<!tpu.dma_semaphore, #tpu.memory_space<semaphore_mem>>
      %dma_start3A_30 = tpu.memref_slice %arg10[%mul3A_2] : memref<16384xf32, #tpu.memory_space<hbm>> -> memref<512xf32, #tpu.memory_space<hbm>>
      %dma_start3A_31 = tpu.memref_slice %arg10[%mul3A_2] : memref<16384xf32, #tpu.memory_space<hbm>> -> memref<512xf32, #tpu.memory_space<hbm>>
      tpu.enqueue_dma source(%arg17 : memref<512xf32, #tpu.memory_space<vmem>>) target(%dma_start3A_31 : memref<512xf32, #tpu.memory_space<hbm>>) target_semaphore(%run_scoped3A : memref<!tpu.dma_semaphore, #tpu.memory_space<semaphore_mem>>)
      %dma_wait3A_32 = tpu.memref_slice %arg10[%mul3A_2] : memref<16384xf32, #tpu.memory_space<hbm>> -> memref<512xf32, #tpu.memory_space<hbm>>
      %dma_wait3A_33 = tpu.memref_slice %arg10[%mul3A_2] : memref<16384xf32, #tpu.memory_space<hbm>> -> memref<512xf32, #tpu.memory_space<hbm>>
      tpu.wait_dma2 semaphore(%run_scoped3A : memref<!tpu.dma_semaphore, #tpu.memory_space<semaphore_mem>>) src(%arg17 : memref<512xf32, #tpu.memory_space<vmem>>) dst(%dma_wait3A_33 : memref<512xf32, #tpu.memory_space<hbm>>)
      tpu.yield
    }) : () -> ()
    return
  }
}

#map = affine_map<(d0, d1) -> (0)>
#map1 = affine_map<(d0, d1) -> (0, 0)>
module attributes {stable_mosaic.version = 14 : i64} {
  func.func @_ahat_body(%arg0: i32, %arg1: i32, %arg2: memref<16384xi32, #tpu.memory_space<hbm>>, %arg3: memref<16384xi32, #tpu.memory_space<hbm>>, %arg4: memref<1000x100000xf32, #tpu.memory_space<hbm>>, %arg5: memref<16384xf32, #tpu.memory_space<hbm>>, %arg6: memref<512xi32, #tpu.memory_space<vmem>>, %arg7: memref<512xi32, #tpu.memory_space<vmem>>, %arg8: memref<256x128xf32, #tpu.memory_space<vmem>>, %arg9: memref<256x128xf32, #tpu.memory_space<vmem>>, %arg10: memref<512xf32, #tpu.memory_space<vmem>>, %arg11: memref<!tpu.dma_semaphore, #tpu.memory_space<semaphore_mem>>, %arg12: memref<!tpu.dma_semaphore, #tpu.memory_space<semaphore_mem>>) attributes {dimension_semantics = [#tpu.dimension_semantics<core_parallel>, #tpu.dimension_semantics<subcore_parallel>], iteration_bounds = array<i64: 2, 16>, scalar_prefetch = 0 : i64, scratch_operands = 7 : i64, tpu.core_type = #tpu.core_type<sc_vector_subcore>, window_params = [{transform_indices = #map}, {transform_indices = #map}, {transform_indices = #map1}, {transform_indices = #map}]} {
    %mul3A = arith.constant 2 : i32
    %mul3A_0 = arith.muli %arg1, %mul3A : i32
    %add3A = arith.addi %mul3A_0, %arg0 : i32
    %mul3A_1 = arith.constant 512 : i32
    %mul3A_2 = arith.muli %add3A, %mul3A_1 : i32
    "tpu.region"() ({
      %run_scoped3A = tpu.sem_alloc : memref<!tpu.dma_semaphore, #tpu.memory_space<semaphore_mem>>
      %dma_start3A = tpu.memref_slice %arg2[%mul3A_2] : memref<16384xi32, #tpu.memory_space<hbm>> -> memref<512xi32, #tpu.memory_space<hbm>>
      %dma_start3A_26 = tpu.memref_slice %arg2[%mul3A_2] : memref<16384xi32, #tpu.memory_space<hbm>> -> memref<512xi32, #tpu.memory_space<hbm>>
      tpu.enqueue_dma source(%dma_start3A_26 : memref<512xi32, #tpu.memory_space<hbm>>) target(%arg6 : memref<512xi32, #tpu.memory_space<vmem>>) target_semaphore(%run_scoped3A : memref<!tpu.dma_semaphore, #tpu.memory_space<semaphore_mem>>)
      %dma_wait3A = tpu.memref_slice %arg2[%mul3A_2] : memref<16384xi32, #tpu.memory_space<hbm>> -> memref<512xi32, #tpu.memory_space<hbm>>
      %dma_wait3A_27 = tpu.memref_slice %arg2[%mul3A_2] : memref<16384xi32, #tpu.memory_space<hbm>> -> memref<512xi32, #tpu.memory_space<hbm>>
      tpu.wait_dma2 semaphore(%run_scoped3A : memref<!tpu.dma_semaphore, #tpu.memory_space<semaphore_mem>>) src(%dma_wait3A_27 : memref<512xi32, #tpu.memory_space<hbm>>) dst(%arg6 : memref<512xi32, #tpu.memory_space<vmem>>)
      tpu.yield
    }) : () -> ()
    "tpu.region"() ({
      %run_scoped3A = tpu.sem_alloc : memref<!tpu.dma_semaphore, #tpu.memory_space<semaphore_mem>>
      %dma_start3A = tpu.memref_slice %arg3[%mul3A_2] : memref<16384xi32, #tpu.memory_space<hbm>> -> memref<512xi32, #tpu.memory_space<hbm>>
      %dma_start3A_26 = tpu.memref_slice %arg3[%mul3A_2] : memref<16384xi32, #tpu.memory_space<hbm>> -> memref<512xi32, #tpu.memory_space<hbm>>
      tpu.enqueue_dma source(%dma_start3A_26 : memref<512xi32, #tpu.memory_space<hbm>>) target(%arg7 : memref<512xi32, #tpu.memory_space<vmem>>) target_semaphore(%run_scoped3A : memref<!tpu.dma_semaphore, #tpu.memory_space<semaphore_mem>>)
      %dma_wait3A = tpu.memref_slice %arg3[%mul3A_2] : memref<16384xi32, #tpu.memory_space<hbm>> -> memref<512xi32, #tpu.memory_space<hbm>>
      %dma_wait3A_27 = tpu.memref_slice %arg3[%mul3A_2] : memref<16384xi32, #tpu.memory_space<hbm>> -> memref<512xi32, #tpu.memory_space<hbm>>
      tpu.wait_dma2 semaphore(%run_scoped3A : memref<!tpu.dma_semaphore, #tpu.memory_space<semaphore_mem>>) src(%dma_wait3A_27 : memref<512xi32, #tpu.memory_space<hbm>>) dst(%arg7 : memref<512xi32, #tpu.memory_space<vmem>>)
      tpu.yield
    }) : () -> ()
    %iota3A = tpu.iota {dimensions = array<i32: 0>} : vector<16xi32>
    %scan3A = arith.constant 0 : i32
    %scan3A_3 = arith.constant 0 : i32
    %scan3A_4 = arith.constant 2 : i32
    %scan3A_5 = arith.addi %scan3A_3, %scan3A_4 : i32
    %scan3A_6 = arith.constant 1 : i32
    scf.for %scan3A_26 = %scan3A_3 to %scan3A_5 step %scan3A_6  : i32 {
      %mul3A_27 = arith.constant 16 : i32
      %mul3A_28 = arith.muli %scan3A_26, %mul3A_27 : i32
      %add3A_29 = arith.constant 0 : i32
      %add3A_30 = arith.addi %add3A_29, %mul3A_28 : i32
      %get3A = arith.index_cast %add3A_30 : i32 to index
      %get3A_31 = tpu.vector_load %arg6[%get3A] {strides = array<i32>} : memref<512xi32, #tpu.memory_space<vmem>>, vector<16xi32>,
      %mul3A_32 = arith.constant 16 : i32
      %mul3A_33 = arith.muli %scan3A_26, %mul3A_32 : i32
      %add3A_34 = arith.constant 0 : i32
      %add3A_35 = arith.addi %add3A_34, %mul3A_33 : i32
      %get3A_36 = arith.index_cast %add3A_35 : i32 to index
      %get3A_37 = tpu.vector_load %arg7[%get3A_36] {strides = array<i32>} : memref<512xi32, #tpu.memory_space<vmem>>, vector<16xi32>,
      %jit3A = arith.constant 128 : i32
      %div3A = vector.broadcast %jit3A : i32 to vector<16xi32>
      %div3A_38 = arith.divsi %get3A_31, %div3A : vector<16xi32>
      %sign3A = arith.constant 0 : i32
      %sign3A_39 = vector.broadcast %sign3A : i32 to vector<16xi32>
      %sign3A_40 = arith.cmpi sgt, %get3A_31, %sign3A_39 : vector<16xi32>
      %sign3A_41 = arith.extui %sign3A_40 : vector<16xi1> to vector<16xi32>
      %sign3A_42 = arith.constant 0 : i32
      %sign3A_43 = vector.broadcast %sign3A_42 : i32 to vector<16xi32>
      %sign3A_44 = arith.cmpi slt, %get3A_31, %sign3A_43 : vector<16xi32>
      %sign3A_45 = arith.extui %sign3A_44 : vector<16xi1> to vector<16xi32>
      %sign3A_46 = arith.subi %sign3A_41, %sign3A_45 : vector<16xi32>
      %sign3A_47 = arith.constant 0 : i32
      %sign3A_48 = arith.cmpi sgt, %jit3A, %sign3A_47 : i32
      %sign3A_49 = arith.extui %sign3A_48 : i1 to i32
      %sign3A_50 = arith.constant 0 : i32
      %sign3A_51 = arith.cmpi slt, %jit3A, %sign3A_50 : i32
      %sign3A_52 = arith.extui %sign3A_51 : i1 to i32
      %sign3A_53 = arith.subi %sign3A_49, %sign3A_52 : i32
      %ne3A = vector.broadcast %sign3A_53 : i32 to vector<16xi32>
      %ne3A_54 = arith.cmpi ne, %sign3A_46, %ne3A : vector<16xi32>
      %rem3A_55 = vector.broadcast %jit3A : i32 to vector<16xi32>
      %rem3A_56 = arith.remsi %get3A_31, %rem3A_55 : vector<16xi32>
      %ne3A_57 = arith.constant 0 : i32
      %ne3A_58 = vector.broadcast %ne3A_57 : i32 to vector<16xi32>
      %ne3A_59 = arith.cmpi ne, %rem3A_56, %ne3A_58 : vector<16xi32>
      %and3A = arith.andi %ne3A_54, %ne3A_59 : vector<16xi1>
      %sub3A = arith.constant 1 : i32
      %sub3A_60 = vector.broadcast %sub3A : i32 to vector<16xi32>
      %sub3A_61 = arith.subi %div3A_38, %sub3A_60 : vector<16xi32>
      %select_n3A = arith.select %and3A, %sub3A_61, %div3A_38 : vector<16xi1>, vector<16xi32>
      %mul3A_62 = arith.constant 128 : i32
      %mul3A_63 = vector.broadcast %mul3A_62 : i32 to vector<16xi32>
      %mul3A_64 = arith.muli %select_n3A, %mul3A_63 : vector<16xi32>
      %jit3A_65 = arith.constant 8 : i32
      %div3A_66 = vector.broadcast %jit3A_65 : i32 to vector<16xi32>
      %div3A_67 = arith.divsi %get3A_37, %div3A_66 : vector<16xi32>
      %sign3A_68 = arith.constant 0 : i32
      %sign3A_69 = vector.broadcast %sign3A_68 : i32 to vector<16xi32>
      %sign3A_70 = arith.cmpi sgt, %get3A_37, %sign3A_69 : vector<16xi32>
      %sign3A_71 = arith.extui %sign3A_70 : vector<16xi1> to vector<16xi32>
      %sign3A_72 = arith.constant 0 : i32
      %sign3A_73 = vector.broadcast %sign3A_72 : i32 to vector<16xi32>
      %sign3A_74 = arith.cmpi slt, %get3A_37, %sign3A_73 : vector<16xi32>
      %sign3A_75 = arith.extui %sign3A_74 : vector<16xi1> to vector<16xi32>
      %sign3A_76 = arith.subi %sign3A_71, %sign3A_75 : vector<16xi32>
      %sign3A_77 = arith.constant 0 : i32
      %sign3A_78 = arith.cmpi sgt, %jit3A_65, %sign3A_77 : i32
      %sign3A_79 = arith.extui %sign3A_78 : i1 to i32
      %sign3A_80 = arith.constant 0 : i32
      %sign3A_81 = arith.cmpi slt, %jit3A_65, %sign3A_80 : i32
      %sign3A_82 = arith.extui %sign3A_81 : i1 to i32
      %sign3A_83 = arith.subi %sign3A_79, %sign3A_82 : i32
      %ne3A_84 = vector.broadcast %sign3A_83 : i32 to vector<16xi32>
      %ne3A_85 = arith.cmpi ne, %sign3A_76, %ne3A_84 : vector<16xi32>
      %rem3A_86 = vector.broadcast %jit3A_65 : i32 to vector<16xi32>
      %rem3A_87 = arith.remsi %get3A_37, %rem3A_86 : vector<16xi32>
      %ne3A_88 = arith.constant 0 : i32
      %ne3A_89 = vector.broadcast %ne3A_88 : i32 to vector<16xi32>
      %ne3A_90 = arith.cmpi ne, %rem3A_87, %ne3A_89 : vector<16xi32>
      %and3A_91 = arith.andi %ne3A_85, %ne3A_90 : vector<16xi1>
      %sub3A_92 = arith.constant 1 : i32
      %sub3A_93 = vector.broadcast %sub3A_92 : i32 to vector<16xi32>
      %sub3A_94 = arith.subi %div3A_67, %sub3A_93 : vector<16xi32>
      %select_n3A_95 = arith.select %and3A_91, %sub3A_94, %div3A_67 : vector<16xi1>, vector<16xi32>
      %mul3A_96 = arith.constant 8 : i32
      %mul3A_97 = vector.broadcast %mul3A_96 : i32 to vector<16xi32>
      %mul3A_98 = arith.muli %select_n3A_95, %mul3A_97 : vector<16xi32>
      %slice3A = vector.extract_strided_slice %mul3A_64 {offsets = [0], sizes = [1], strides = [1]} : vector<16xi32> to vector<1xi32>
      %squeeze3A = vector.extract %slice3A[0] : i32 from vector<1xi32>
      %multiple_of3A = tpu.assume_multiple %squeeze3A, 128 : i32
      %slice3A_99 = vector.extract_strided_slice %mul3A_98 {offsets = [0], sizes = [1], strides = [1]} : vector<16xi32> to vector<1xi32>
      %squeeze3A_100 = vector.extract %slice3A_99[0] : i32 from vector<1xi32>
      %multiple_of3A_101 = tpu.assume_multiple %squeeze3A_100, 8 : i32
      %mul3A_102 = arith.constant 16 : i32
      %mul3A_103 = arith.muli %scan3A_26, %mul3A_102 : i32
      %add3A_104 = arith.constant 0 : i32
      %add3A_105 = arith.addi %mul3A_103, %add3A_104 : i32
      %mul3A_106 = arith.constant 8 : i32
      %mul3A_107 = arith.muli %add3A_105, %mul3A_106 : i32
      %dma_start3A = arith.constant 0 : i32
      %dma_start3A_108 = tpu.memref_slice %arg8[%mul3A_107, %dma_start3A] : memref<256x128xf32, #tpu.memory_space<vmem>> -> memref<8x128xf32, #tpu.memory_space<vmem>>
      %dma_start3A_109 = tpu.memref_slice %arg4[%multiple_of3A_101, %multiple_of3A] : memref<1000x100000xf32, #tpu.memory_space<hbm>> -> memref<8x128xf32, #tpu.memory_space<hbm>>
      %dma_start3A_110 = arith.constant 0 : i32
      %dma_start3A_111 = tpu.memref_slice %arg8[%mul3A_107, %dma_start3A_110] : memref<256x128xf32, #tpu.memory_space<vmem>> -> memref<8x128xf32, #tpu.memory_space<vmem>>
      %dma_start3A_112 = tpu.memref_slice %arg4[%multiple_of3A_101, %multiple_of3A] : memref<1000x100000xf32, #tpu.memory_space<hbm>> -> memref<8x128xf32, #tpu.memory_space<hbm>>
      tpu.enqueue_dma source(%dma_start3A_112 : memref<8x128xf32, #tpu.memory_space<hbm>>) target(%dma_start3A_111 : memref<8x128xf32, #tpu.memory_space<vmem>>) target_semaphore(%arg11 : memref<!tpu.dma_semaphore, #tpu.memory_space<semaphore_mem>>)
      %slice3A_113 = vector.extract_strided_slice %mul3A_64 {offsets = [1], sizes = [1], strides = [1]} : vector<16xi32> to vector<1xi32>
      %squeeze3A_114 = vector.extract %slice3A_113[0] : i32 from vector<1xi32>
      %multiple_of3A_115 = tpu.assume_multiple %squeeze3A_114, 128 : i32
      %slice3A_116 = vector.extract_strided_slice %mul3A_98 {offsets = [1], sizes = [1], strides = [1]} : vector<16xi32> to vector<1xi32>
      %squeeze3A_117 = vector.extract %slice3A_116[0] : i32 from vector<1xi32>
      %multiple_of3A_118 = tpu.assume_multiple %squeeze3A_117, 8 : i32
      %mul3A_119 = arith.constant 16 : i32
      %mul3A_120 = arith.muli %scan3A_26, %mul3A_119 : i32
      %add3A_121 = arith.constant 1 : i32
      %add3A_122 = arith.addi %mul3A_120, %add3A_121 : i32
      %mul3A_123 = arith.constant 8 : i32
      %mul3A_124 = arith.muli %add3A_122, %mul3A_123 : i32
      %dma_start3A_125 = arith.constant 0 : i32
      %dma_start3A_126 = tpu.memref_slice %arg8[%mul3A_124, %dma_start3A_125] : memref<256x128xf32, #tpu.memory_space<vmem>> -> memref<8x128xf32, #tpu.memory_space<vmem>>
      %dma_start3A_127 = tpu.memref_slice %arg4[%multiple_of3A_118, %multiple_of3A_115] : memref<1000x100000xf32, #tpu.memory_space<hbm>> -> memref<8x128xf32, #tpu.memory_space<hbm>>
      %dma_start3A_128 = arith.constant 0 : i32
      %dma_start3A_129 = tpu.memref_slice %arg8[%mul3A_124, %dma_start3A_128] : memref<256x128xf32, #tpu.memory_space<vmem>> -> memref<8x128xf32, #tpu.memory_space<vmem>>
      %dma_start3A_130 = tpu.memref_slice %arg4[%multiple_of3A_118, %multiple_of3A_115] : memref<1000x100000xf32, #tpu.memory_space<hbm>> -> memref<8x128xf32, #tpu.memory_space<hbm>>
      tpu.enqueue_dma source(%dma_start3A_130 : memref<8x128xf32, #tpu.memory_space<hbm>>) target(%dma_start3A_129 : memref<8x128xf32, #tpu.memory_space<vmem>>) target_semaphore(%arg11 : memref<!tpu.dma_semaphore, #tpu.memory_space<semaphore_mem>>)
      %slice3A_131 = vector.extract_strided_slice %mul3A_64 {offsets = [2], sizes = [1], strides = [1]} : vector<16xi32> to vector<1xi32>
      %squeeze3A_132 = vector.extract %slice3A_131[0] : i32 from vector<1xi32>
      %multiple_of3A_133 = tpu.assume_multiple %squeeze3A_132, 128 : i32
      %slice3A_134 = vector.extract_strided_slice %mul3A_98 {offsets = [2], sizes = [1], strides = [1]} : vector<16xi32> to vector<1xi32>
      %squeeze3A_135 = vector.extract %slice3A_134[0] : i32 from vector<1xi32>
      %multiple_of3A_136 = tpu.assume_multiple %squeeze3A_135, 8 : i32
      %mul3A_137 = arith.constant 16 : i32
      %mul3A_138 = arith.muli %scan3A_26, %mul3A_137 : i32
      %add3A_139 = arith.constant 2 : i32
      %add3A_140 = arith.addi %mul3A_138, %add3A_139 : i32
      %mul3A_141 = arith.constant 8 : i32
      %mul3A_142 = arith.muli %add3A_140, %mul3A_141 : i32
      %dma_start3A_143 = arith.constant 0 : i32
      %dma_start3A_144 = tpu.memref_slice %arg8[%mul3A_142, %dma_start3A_143] : memref<256x128xf32, #tpu.memory_space<vmem>> -> memref<8x128xf32, #tpu.memory_space<vmem>>
      %dma_start3A_145 = tpu.memref_slice %arg4[%multiple_of3A_136, %multiple_of3A_133] : memref<1000x100000xf32, #tpu.memory_space<hbm>> -> memref<8x128xf32, #tpu.memory_space<hbm>>
      %dma_start3A_146 = arith.constant 0 : i32
      %dma_start3A_147 = tpu.memref_slice %arg8[%mul3A_142, %dma_start3A_146] : memref<256x128xf32, #tpu.memory_space<vmem>> -> memref<8x128xf32, #tpu.memory_space<vmem>>
      %dma_start3A_148 = tpu.memref_slice %arg4[%multiple_of3A_136, %multiple_of3A_133] : memref<1000x100000xf32, #tpu.memory_space<hbm>> -> memref<8x128xf32, #tpu.memory_space<hbm>>
      tpu.enqueue_dma source(%dma_start3A_148 : memref<8x128xf32, #tpu.memory_space<hbm>>) target(%dma_start3A_147 : memref<8x128xf32, #tpu.memory_space<vmem>>) target_semaphore(%arg11 : memref<!tpu.dma_semaphore, #tpu.memory_space<semaphore_mem>>)
      %slice3A_149 = vector.extract_strided_slice %mul3A_64 {offsets = [3], sizes = [1], strides = [1]} : vector<16xi32> to vector<1xi32>
      %squeeze3A_150 = vector.extract %slice3A_149[0] : i32 from vector<1xi32>
      %multiple_of3A_151 = tpu.assume_multiple %squeeze3A_150, 128 : i32
      %slice3A_152 = vector.extract_strided_slice %mul3A_98 {offsets = [3], sizes = [1], strides = [1]} : vector<16xi32> to vector<1xi32>
      %squeeze3A_153 = vector.extract %slice3A_152[0] : i32 from vector<1xi32>
      %multiple_of3A_154 = tpu.assume_multiple %squeeze3A_153, 8 : i32
      %mul3A_155 = arith.constant 16 : i32
      %mul3A_156 = arith.muli %scan3A_26, %mul3A_155 : i32
      %add3A_157 = arith.constant 3 : i32
      %add3A_158 = arith.addi %mul3A_156, %add3A_157 : i32
      %mul3A_159 = arith.constant 8 : i32
      %mul3A_160 = arith.muli %add3A_158, %mul3A_159 : i32
      %dma_start3A_161 = arith.constant 0 : i32
      %dma_start3A_162 = tpu.memref_slice %arg8[%mul3A_160, %dma_start3A_161] : memref<256x128xf32, #tpu.memory_space<vmem>> -> memref<8x128xf32, #tpu.memory_space<vmem>>
      %dma_start3A_163 = tpu.memref_slice %arg4[%multiple_of3A_154, %multiple_of3A_151] : memref<1000x100000xf32, #tpu.memory_space<hbm>> -> memref<8x128xf32, #tpu.memory_space<hbm>>
      %dma_start3A_164 = arith.constant 0 : i32
      %dma_start3A_165 = tpu.memref_slice %arg8[%mul3A_160, %dma_start3A_164] : memref<256x128xf32, #tpu.memory_space<vmem>> -> memref<8x128xf32, #tpu.memory_space<vmem>>
      %dma_start3A_166 = tpu.memref_slice %arg4[%multiple_of3A_154, %multiple_of3A_151] : memref<1000x100000xf32, #tpu.memory_space<hbm>> -> memref<8x128xf32, #tpu.memory_space<hbm>>
      tpu.enqueue_dma source(%dma_start3A_166 : memref<8x128xf32, #tpu.memory_space<hbm>>) target(%dma_start3A_165 : memref<8x128xf32, #tpu.memory_space<vmem>>) target_semaphore(%arg11 : memref<!tpu.dma_semaphore, #tpu.memory_space<semaphore_mem>>)
      %slice3A_167 = vector.extract_strided_slice %mul3A_64 {offsets = [4], sizes = [1], strides = [1]} : vector<16xi32> to vector<1xi32>
      %squeeze3A_168 = vector.extract %slice3A_167[0] : i32 from vector<1xi32>
      %multiple_of3A_169 = tpu.assume_multiple %squeeze3A_168, 128 : i32
      %slice3A_170 = vector.extract_strided_slice %mul3A_98 {offsets = [4], sizes = [1], strides = [1]} : vector<16xi32> to vector<1xi32>
      %squeeze3A_171 = vector.extract %slice3A_170[0] : i32 from vector<1xi32>
      %multiple_of3A_172 = tpu.assume_multiple %squeeze3A_171, 8 : i32
      %mul3A_173 = arith.constant 16 : i32
      %mul3A_174 = arith.muli %scan3A_26, %mul3A_173 : i32
      %add3A_175 = arith.constant 4 : i32
      %add3A_176 = arith.addi %mul3A_174, %add3A_175 : i32
      %mul3A_177 = arith.constant 8 : i32
      %mul3A_178 = arith.muli %add3A_176, %mul3A_177 : i32
      %dma_start3A_179 = arith.constant 0 : i32
      %dma_start3A_180 = tpu.memref_slice %arg8[%mul3A_178, %dma_start3A_179] : memref<256x128xf32, #tpu.memory_space<vmem>> -> memref<8x128xf32, #tpu.memory_space<vmem>>
      %dma_start3A_181 = tpu.memref_slice %arg4[%multiple_of3A_172, %multiple_of3A_169] : memref<1000x100000xf32, #tpu.memory_space<hbm>> -> memref<8x128xf32, #tpu.memory_space<hbm>>
      %dma_start3A_182 = arith.constant 0 : i32
      %dma_start3A_183 = tpu.memref_slice %arg8[%mul3A_178, %dma_start3A_182] : memref<256x128xf32, #tpu.memory_space<vmem>> -> memref<8x128xf32, #tpu.memory_space<vmem>>
      %dma_start3A_184 = tpu.memref_slice %arg4[%multiple_of3A_172, %multiple_of3A_169] : memref<1000x100000xf32, #tpu.memory_space<hbm>> -> memref<8x128xf32, #tpu.memory_space<hbm>>
      tpu.enqueue_dma source(%dma_start3A_184 : memref<8x128xf32, #tpu.memory_space<hbm>>) target(%dma_start3A_183 : memref<8x128xf32, #tpu.memory_space<vmem>>) target_semaphore(%arg11 : memref<!tpu.dma_semaphore, #tpu.memory_space<semaphore_mem>>)
      %slice3A_185 = vector.extract_strided_slice %mul3A_64 {offsets = [5], sizes = [1], strides = [1]} : vector<16xi32> to vector<1xi32>
      %squeeze3A_186 = vector.extract %slice3A_185[0] : i32 from vector<1xi32>
      %multiple_of3A_187 = tpu.assume_multiple %squeeze3A_186, 128 : i32
      %slice3A_188 = vector.extract_strided_slice %mul3A_98 {offsets = [5], sizes = [1], strides = [1]} : vector<16xi32> to vector<1xi32>
      %squeeze3A_189 = vector.extract %slice3A_188[0] : i32 from vector<1xi32>
      %multiple_of3A_190 = tpu.assume_multiple %squeeze3A_189, 8 : i32
      %mul3A_191 = arith.constant 16 : i32
      %mul3A_192 = arith.muli %scan3A_26, %mul3A_191 : i32
      %add3A_193 = arith.constant 5 : i32
      %add3A_194 = arith.addi %mul3A_192, %add3A_193 : i32
      %mul3A_195 = arith.constant 8 : i32
      %mul3A_196 = arith.muli %add3A_194, %mul3A_195 : i32
      %dma_start3A_197 = arith.constant 0 : i32
      %dma_start3A_198 = tpu.memref_slice %arg8[%mul3A_196, %dma_start3A_197] : memref<256x128xf32, #tpu.memory_space<vmem>> -> memref<8x128xf32, #tpu.memory_space<vmem>>
      %dma_start3A_199 = tpu.memref_slice %arg4[%multiple_of3A_190, %multiple_of3A_187] : memref<1000x100000xf32, #tpu.memory_space<hbm>> -> memref<8x128xf32, #tpu.memory_space<hbm>>
      %dma_start3A_200 = arith.constant 0 : i32
      %dma_start3A_201 = tpu.memref_slice %arg8[%mul3A_196, %dma_start3A_200] : memref<256x128xf32, #tpu.memory_space<vmem>> -> memref<8x128xf32, #tpu.memory_space<vmem>>
      %dma_start3A_202 = tpu.memref_slice %arg4[%multiple_of3A_190, %multiple_of3A_187] : memref<1000x100000xf32, #tpu.memory_space<hbm>> -> memref<8x128xf32, #tpu.memory_space<hbm>>
      tpu.enqueue_dma source(%dma_start3A_202 : memref<8x128xf32, #tpu.memory_space<hbm>>) target(%dma_start3A_201 : memref<8x128xf32, #tpu.memory_space<vmem>>) target_semaphore(%arg11 : memref<!tpu.dma_semaphore, #tpu.memory_space<semaphore_mem>>)
      %slice3A_203 = vector.extract_strided_slice %mul3A_64 {offsets = [6], sizes = [1], strides = [1]} : vector<16xi32> to vector<1xi32>
      %squeeze3A_204 = vector.extract %slice3A_203[0] : i32 from vector<1xi32>
      %multiple_of3A_205 = tpu.assume_multiple %squeeze3A_204, 128 : i32
      %slice3A_206 = vector.extract_strided_slice %mul3A_98 {offsets = [6], sizes = [1], strides = [1]} : vector<16xi32> to vector<1xi32>
      %squeeze3A_207 = vector.extract %slice3A_206[0] : i32 from vector<1xi32>
      %multiple_of3A_208 = tpu.assume_multiple %squeeze3A_207, 8 : i32
      %mul3A_209 = arith.constant 16 : i32
      %mul3A_210 = arith.muli %scan3A_26, %mul3A_209 : i32
      %add3A_211 = arith.constant 6 : i32
      %add3A_212 = arith.addi %mul3A_210, %add3A_211 : i32
      %mul3A_213 = arith.constant 8 : i32
      %mul3A_214 = arith.muli %add3A_212, %mul3A_213 : i32
      %dma_start3A_215 = arith.constant 0 : i32
      %dma_start3A_216 = tpu.memref_slice %arg8[%mul3A_214, %dma_start3A_215] : memref<256x128xf32, #tpu.memory_space<vmem>> -> memref<8x128xf32, #tpu.memory_space<vmem>>
      %dma_start3A_217 = tpu.memref_slice %arg4[%multiple_of3A_208, %multiple_of3A_205] : memref<1000x100000xf32, #tpu.memory_space<hbm>> -> memref<8x128xf32, #tpu.memory_space<hbm>>
      %dma_start3A_218 = arith.constant 0 : i32
      %dma_start3A_219 = tpu.memref_slice %arg8[%mul3A_214, %dma_start3A_218] : memref<256x128xf32, #tpu.memory_space<vmem>> -> memref<8x128xf32, #tpu.memory_space<vmem>>
      %dma_start3A_220 = tpu.memref_slice %arg4[%multiple_of3A_208, %multiple_of3A_205] : memref<1000x100000xf32, #tpu.memory_space<hbm>> -> memref<8x128xf32, #tpu.memory_space<hbm>>
      tpu.enqueue_dma source(%dma_start3A_220 : memref<8x128xf32, #tpu.memory_space<hbm>>) target(%dma_start3A_219 : memref<8x128xf32, #tpu.memory_space<vmem>>) target_semaphore(%arg11 : memref<!tpu.dma_semaphore, #tpu.memory_space<semaphore_mem>>)
      %slice3A_221 = vector.extract_strided_slice %mul3A_64 {offsets = [7], sizes = [1], strides = [1]} : vector<16xi32> to vector<1xi32>
      %squeeze3A_222 = vector.extract %slice3A_221[0] : i32 from vector<1xi32>
      %multiple_of3A_223 = tpu.assume_multiple %squeeze3A_222, 128 : i32
      %slice3A_224 = vector.extract_strided_slice %mul3A_98 {offsets = [7], sizes = [1], strides = [1]} : vector<16xi32> to vector<1xi32>
      %squeeze3A_225 = vector.extract %slice3A_224[0] : i32 from vector<1xi32>
      %multiple_of3A_226 = tpu.assume_multiple %squeeze3A_225, 8 : i32
      %mul3A_227 = arith.constant 16 : i32
      %mul3A_228 = arith.muli %scan3A_26, %mul3A_227 : i32
      %add3A_229 = arith.constant 7 : i32
      %add3A_230 = arith.addi %mul3A_228, %add3A_229 : i32
      %mul3A_231 = arith.constant 8 : i32
      %mul3A_232 = arith.muli %add3A_230, %mul3A_231 : i32
      %dma_start3A_233 = arith.constant 0 : i32
      %dma_start3A_234 = tpu.memref_slice %arg8[%mul3A_232, %dma_start3A_233] : memref<256x128xf32, #tpu.memory_space<vmem>> -> memref<8x128xf32, #tpu.memory_space<vmem>>
      %dma_start3A_235 = tpu.memref_slice %arg4[%multiple_of3A_226, %multiple_of3A_223] : memref<1000x100000xf32, #tpu.memory_space<hbm>> -> memref<8x128xf32, #tpu.memory_space<hbm>>
      %dma_start3A_236 = arith.constant 0 : i32
      %dma_start3A_237 = tpu.memref_slice %arg8[%mul3A_232, %dma_start3A_236] : memref<256x128xf32, #tpu.memory_space<vmem>> -> memref<8x128xf32, #tpu.memory_space<vmem>>
      %dma_start3A_238 = tpu.memref_slice %arg4[%multiple_of3A_226, %multiple_of3A_223] : memref<1000x100000xf32, #tpu.memory_space<hbm>> -> memref<8x128xf32, #tpu.memory_space<hbm>>
      tpu.enqueue_dma source(%dma_start3A_238 : memref<8x128xf32, #tpu.memory_space<hbm>>) target(%dma_start3A_237 : memref<8x128xf32, #tpu.memory_space<vmem>>) target_semaphore(%arg11 : memref<!tpu.dma_semaphore, #tpu.memory_space<semaphore_mem>>)
      %slice3A_239 = vector.extract_strided_slice %mul3A_64 {offsets = [8], sizes = [1], strides = [1]} : vector<16xi32> to vector<1xi32>
      %squeeze3A_240 = vector.extract %slice3A_239[0] : i32 from vector<1xi32>
      %multiple_of3A_241 = tpu.assume_multiple %squeeze3A_240, 128 : i32
      %slice3A_242 = vector.extract_strided_slice %mul3A_98 {offsets = [8], sizes = [1], strides = [1]} : vector<16xi32> to vector<1xi32>
      %squeeze3A_243 = vector.extract %slice3A_242[0] : i32 from vector<1xi32>
      %multiple_of3A_244 = tpu.assume_multiple %squeeze3A_243, 8 : i32
      %mul3A_245 = arith.constant 16 : i32
      %mul3A_246 = arith.muli %scan3A_26, %mul3A_245 : i32
      %add3A_247 = arith.constant 8 : i32
      %add3A_248 = arith.addi %mul3A_246, %add3A_247 : i32
      %mul3A_249 = arith.constant 8 : i32
      %mul3A_250 = arith.muli %add3A_248, %mul3A_249 : i32
      %dma_start3A_251 = arith.constant 0 : i32
      %dma_start3A_252 = tpu.memref_slice %arg8[%mul3A_250, %dma_start3A_251] : memref<256x128xf32, #tpu.memory_space<vmem>> -> memref<8x128xf32, #tpu.memory_space<vmem>>
      %dma_start3A_253 = tpu.memref_slice %arg4[%multiple_of3A_244, %multiple_of3A_241] : memref<1000x100000xf32, #tpu.memory_space<hbm>> -> memref<8x128xf32, #tpu.memory_space<hbm>>
      %dma_start3A_254 = arith.constant 0 : i32
      %dma_start3A_255 = tpu.memref_slice %arg8[%mul3A_250, %dma_start3A_254] : memref<256x128xf32, #tpu.memory_space<vmem>> -> memref<8x128xf32, #tpu.memory_space<vmem>>
      %dma_start3A_256 = tpu.memref_slice %arg4[%multiple_of3A_244, %multiple_of3A_241] : memref<1000x100000xf32, #tpu.memory_space<hbm>> -> memref<8x128xf32, #tpu.memory_space<hbm>>
      tpu.enqueue_dma source(%dma_start3A_256 : memref<8x128xf32, #tpu.memory_space<hbm>>) target(%dma_start3A_255 : memref<8x128xf32, #tpu.memory_space<vmem>>) target_semaphore(%arg11 : memref<!tpu.dma_semaphore, #tpu.memory_space<semaphore_mem>>)
      %slice3A_257 = vector.extract_strided_slice %mul3A_64 {offsets = [9], sizes = [1], strides = [1]} : vector<16xi32> to vector<1xi32>
      %squeeze3A_258 = vector.extract %slice3A_257[0] : i32 from vector<1xi32>
      %multiple_of3A_259 = tpu.assume_multiple %squeeze3A_258, 128 : i32
      %slice3A_260 = vector.extract_strided_slice %mul3A_98 {offsets = [9], sizes = [1], strides = [1]} : vector<16xi32> to vector<1xi32>
      %squeeze3A_261 = vector.extract %slice3A_260[0] : i32 from vector<1xi32>
      %multiple_of3A_262 = tpu.assume_multiple %squeeze3A_261, 8 : i32
      %mul3A_263 = arith.constant 16 : i32
      %mul3A_264 = arith.muli %scan3A_26, %mul3A_263 : i32
      %add3A_265 = arith.constant 9 : i32
      %add3A_266 = arith.addi %mul3A_264, %add3A_265 : i32
      %mul3A_267 = arith.constant 8 : i32
      %mul3A_268 = arith.muli %add3A_266, %mul3A_267 : i32
      %dma_start3A_269 = arith.constant 0 : i32
      %dma_start3A_270 = tpu.memref_slice %arg8[%mul3A_268, %dma_start3A_269] : memref<256x128xf32, #tpu.memory_space<vmem>> -> memref<8x128xf32, #tpu.memory_space<vmem>>
      %dma_start3A_271 = tpu.memref_slice %arg4[%multiple_of3A_262, %multiple_of3A_259] : memref<1000x100000xf32, #tpu.memory_space<hbm>> -> memref<8x128xf32, #tpu.memory_space<hbm>>
      %dma_start3A_272 = arith.constant 0 : i32
      %dma_start3A_273 = tpu.memref_slice %arg8[%mul3A_268, %dma_start3A_272] : memref<256x128xf32, #tpu.memory_space<vmem>> -> memref<8x128xf32, #tpu.memory_space<vmem>>
      %dma_start3A_274 = tpu.memref_slice %arg4[%multiple_of3A_262, %multiple_of3A_259] : memref<1000x100000xf32, #tpu.memory_space<hbm>> -> memref<8x128xf32, #tpu.memory_space<hbm>>
      tpu.enqueue_dma source(%dma_start3A_274 : memref<8x128xf32, #tpu.memory_space<hbm>>) target(%dma_start3A_273 : memref<8x128xf32, #tpu.memory_space<vmem>>) target_semaphore(%arg11 : memref<!tpu.dma_semaphore, #tpu.memory_space<semaphore_mem>>)
      %slice3A_275 = vector.extract_strided_slice %mul3A_64 {offsets = [10], sizes = [1], strides = [1]} : vector<16xi32> to vector<1xi32>
      %squeeze3A_276 = vector.extract %slice3A_275[0] : i32 from vector<1xi32>
      %multiple_of3A_277 = tpu.assume_multiple %squeeze3A_276, 128 : i32
      %slice3A_278 = vector.extract_strided_slice %mul3A_98 {offsets = [10], sizes = [1], strides = [1]} : vector<16xi32> to vector<1xi32>
      %squeeze3A_279 = vector.extract %slice3A_278[0] : i32 from vector<1xi32>
      %multiple_of3A_280 = tpu.assume_multiple %squeeze3A_279, 8 : i32
      %mul3A_281 = arith.constant 16 : i32
      %mul3A_282 = arith.muli %scan3A_26, %mul3A_281 : i32
      %add3A_283 = arith.constant 10 : i32
      %add3A_284 = arith.addi %mul3A_282, %add3A_283 : i32
      %mul3A_285 = arith.constant 8 : i32
      %mul3A_286 = arith.muli %add3A_284, %mul3A_285 : i32
      %dma_start3A_287 = arith.constant 0 : i32
      %dma_start3A_288 = tpu.memref_slice %arg8[%mul3A_286, %dma_start3A_287] : memref<256x128xf32, #tpu.memory_space<vmem>> -> memref<8x128xf32, #tpu.memory_space<vmem>>
      %dma_start3A_289 = tpu.memref_slice %arg4[%multiple_of3A_280, %multiple_of3A_277] : memref<1000x100000xf32, #tpu.memory_space<hbm>> -> memref<8x128xf32, #tpu.memory_space<hbm>>
      %dma_start3A_290 = arith.constant 0 : i32
      %dma_start3A_291 = tpu.memref_slice %arg8[%mul3A_286, %dma_start3A_290] : memref<256x128xf32, #tpu.memory_space<vmem>> -> memref<8x128xf32, #tpu.memory_space<vmem>>
      %dma_start3A_292 = tpu.memref_slice %arg4[%multiple_of3A_280, %multiple_of3A_277] : memref<1000x100000xf32, #tpu.memory_space<hbm>> -> memref<8x128xf32, #tpu.memory_space<hbm>>
      tpu.enqueue_dma source(%dma_start3A_292 : memref<8x128xf32, #tpu.memory_space<hbm>>) target(%dma_start3A_291 : memref<8x128xf32, #tpu.memory_space<vmem>>) target_semaphore(%arg11 : memref<!tpu.dma_semaphore, #tpu.memory_space<semaphore_mem>>)
      %slice3A_293 = vector.extract_strided_slice %mul3A_64 {offsets = [11], sizes = [1], strides = [1]} : vector<16xi32> to vector<1xi32>
      %squeeze3A_294 = vector.extract %slice3A_293[0] : i32 from vector<1xi32>
      %multiple_of3A_295 = tpu.assume_multiple %squeeze3A_294, 128 : i32
      %slice3A_296 = vector.extract_strided_slice %mul3A_98 {offsets = [11], sizes = [1], strides = [1]} : vector<16xi32> to vector<1xi32>
      %squeeze3A_297 = vector.extract %slice3A_296[0] : i32 from vector<1xi32>
      %multiple_of3A_298 = tpu.assume_multiple %squeeze3A_297, 8 : i32
      %mul3A_299 = arith.constant 16 : i32
      %mul3A_300 = arith.muli %scan3A_26, %mul3A_299 : i32
      %add3A_301 = arith.constant 11 : i32
      %add3A_302 = arith.addi %mul3A_300, %add3A_301 : i32
      %mul3A_303 = arith.constant 8 : i32
      %mul3A_304 = arith.muli %add3A_302, %mul3A_303 : i32
      %dma_start3A_305 = arith.constant 0 : i32
      %dma_start3A_306 = tpu.memref_slice %arg8[%mul3A_304, %dma_start3A_305] : memref<256x128xf32, #tpu.memory_space<vmem>> -> memref<8x128xf32, #tpu.memory_space<vmem>>
      %dma_start3A_307 = tpu.memref_slice %arg4[%multiple_of3A_298, %multiple_of3A_295] : memref<1000x100000xf32, #tpu.memory_space<hbm>> -> memref<8x128xf32, #tpu.memory_space<hbm>>
      %dma_start3A_308 = arith.constant 0 : i32
      %dma_start3A_309 = tpu.memref_slice %arg8[%mul3A_304, %dma_start3A_308] : memref<256x128xf32, #tpu.memory_space<vmem>> -> memref<8x128xf32, #tpu.memory_space<vmem>>
      %dma_start3A_310 = tpu.memref_slice %arg4[%multiple_of3A_298, %multiple_of3A_295] : memref<1000x100000xf32, #tpu.memory_space<hbm>> -> memref<8x128xf32, #tpu.memory_space<hbm>>
      tpu.enqueue_dma source(%dma_start3A_310 : memref<8x128xf32, #tpu.memory_space<hbm>>) target(%dma_start3A_309 : memref<8x128xf32, #tpu.memory_space<vmem>>) target_semaphore(%arg11 : memref<!tpu.dma_semaphore, #tpu.memory_space<semaphore_mem>>)
      %slice3A_311 = vector.extract_strided_slice %mul3A_64 {offsets = [12], sizes = [1], strides = [1]} : vector<16xi32> to vector<1xi32>
      %squeeze3A_312 = vector.extract %slice3A_311[0] : i32 from vector<1xi32>
      %multiple_of3A_313 = tpu.assume_multiple %squeeze3A_312, 128 : i32
      %slice3A_314 = vector.extract_strided_slice %mul3A_98 {offsets = [12], sizes = [1], strides = [1]} : vector<16xi32> to vector<1xi32>
      %squeeze3A_315 = vector.extract %slice3A_314[0] : i32 from vector<1xi32>
      %multiple_of3A_316 = tpu.assume_multiple %squeeze3A_315, 8 : i32
      %mul3A_317 = arith.constant 16 : i32
      %mul3A_318 = arith.muli %scan3A_26, %mul3A_317 : i32
      %add3A_319 = arith.constant 12 : i32
      %add3A_320 = arith.addi %mul3A_318, %add3A_319 : i32
      %mul3A_321 = arith.constant 8 : i32
      %mul3A_322 = arith.muli %add3A_320, %mul3A_321 : i32
      %dma_start3A_323 = arith.constant 0 : i32
      %dma_start3A_324 = tpu.memref_slice %arg8[%mul3A_322, %dma_start3A_323] : memref<256x128xf32, #tpu.memory_space<vmem>> -> memref<8x128xf32, #tpu.memory_space<vmem>>
      %dma_start3A_325 = tpu.memref_slice %arg4[%multiple_of3A_316, %multiple_of3A_313] : memref<1000x100000xf32, #tpu.memory_space<hbm>> -> memref<8x128xf32, #tpu.memory_space<hbm>>
      %dma_start3A_326 = arith.constant 0 : i32
      %dma_start3A_327 = tpu.memref_slice %arg8[%mul3A_322, %dma_start3A_326] : memref<256x128xf32, #tpu.memory_space<vmem>> -> memref<8x128xf32, #tpu.memory_space<vmem>>
      %dma_start3A_328 = tpu.memref_slice %arg4[%multiple_of3A_316, %multiple_of3A_313] : memref<1000x100000xf32, #tpu.memory_space<hbm>> -> memref<8x128xf32, #tpu.memory_space<hbm>>
      tpu.enqueue_dma source(%dma_start3A_328 : memref<8x128xf32, #tpu.memory_space<hbm>>) target(%dma_start3A_327 : memref<8x128xf32, #tpu.memory_space<vmem>>) target_semaphore(%arg11 : memref<!tpu.dma_semaphore, #tpu.memory_space<semaphore_mem>>)
      %slice3A_329 = vector.extract_strided_slice %mul3A_64 {offsets = [13], sizes = [1], strides = [1]} : vector<16xi32> to vector<1xi32>
      %squeeze3A_330 = vector.extract %slice3A_329[0] : i32 from vector<1xi32>
      %multiple_of3A_331 = tpu.assume_multiple %squeeze3A_330, 128 : i32
      %slice3A_332 = vector.extract_strided_slice %mul3A_98 {offsets = [13], sizes = [1], strides = [1]} : vector<16xi32> to vector<1xi32>
      %squeeze3A_333 = vector.extract %slice3A_332[0] : i32 from vector<1xi32>
      %multiple_of3A_334 = tpu.assume_multiple %squeeze3A_333, 8 : i32
      %mul3A_335 = arith.constant 16 : i32
      %mul3A_336 = arith.muli %scan3A_26, %mul3A_335 : i32
      %add3A_337 = arith.constant 13 : i32
      %add3A_338 = arith.addi %mul3A_336, %add3A_337 : i32
      %mul3A_339 = arith.constant 8 : i32
      %mul3A_340 = arith.muli %add3A_338, %mul3A_339 : i32
      %dma_start3A_341 = arith.constant 0 : i32
      %dma_start3A_342 = tpu.memref_slice %arg8[%mul3A_340, %dma_start3A_341] : memref<256x128xf32, #tpu.memory_space<vmem>> -> memref<8x128xf32, #tpu.memory_space<vmem>>
      %dma_start3A_343 = tpu.memref_slice %arg4[%multiple_of3A_334, %multiple_of3A_331] : memref<1000x100000xf32, #tpu.memory_space<hbm>> -> memref<8x128xf32, #tpu.memory_space<hbm>>
      %dma_start3A_344 = arith.constant 0 : i32
      %dma_start3A_345 = tpu.memref_slice %arg8[%mul3A_340, %dma_start3A_344] : memref<256x128xf32, #tpu.memory_space<vmem>> -> memref<8x128xf32, #tpu.memory_space<vmem>>
      %dma_start3A_346 = tpu.memref_slice %arg4[%multiple_of3A_334, %multiple_of3A_331] : memref<1000x100000xf32, #tpu.memory_space<hbm>> -> memref<8x128xf32, #tpu.memory_space<hbm>>
      tpu.enqueue_dma source(%dma_start3A_346 : memref<8x128xf32, #tpu.memory_space<hbm>>) target(%dma_start3A_345 : memref<8x128xf32, #tpu.memory_space<vmem>>) target_semaphore(%arg11 : memref<!tpu.dma_semaphore, #tpu.memory_space<semaphore_mem>>)
      %slice3A_347 = vector.extract_strided_slice %mul3A_64 {offsets = [14], sizes = [1], strides = [1]} : vector<16xi32> to vector<1xi32>
      %squeeze3A_348 = vector.extract %slice3A_347[0] : i32 from vector<1xi32>
      %multiple_of3A_349 = tpu.assume_multiple %squeeze3A_348, 128 : i32
      %slice3A_350 = vector.extract_strided_slice %mul3A_98 {offsets = [14], sizes = [1], strides = [1]} : vector<16xi32> to vector<1xi32>
      %squeeze3A_351 = vector.extract %slice3A_350[0] : i32 from vector<1xi32>
      %multiple_of3A_352 = tpu.assume_multiple %squeeze3A_351, 8 : i32
      %mul3A_353 = arith.constant 16 : i32
      %mul3A_354 = arith.muli %scan3A_26, %mul3A_353 : i32
      %add3A_355 = arith.constant 14 : i32
      %add3A_356 = arith.addi %mul3A_354, %add3A_355 : i32
      %mul3A_357 = arith.constant 8 : i32
      %mul3A_358 = arith.muli %add3A_356, %mul3A_357 : i32
      %dma_start3A_359 = arith.constant 0 : i32
      %dma_start3A_360 = tpu.memref_slice %arg8[%mul3A_358, %dma_start3A_359] : memref<256x128xf32, #tpu.memory_space<vmem>> -> memref<8x128xf32, #tpu.memory_space<vmem>>
      %dma_start3A_361 = tpu.memref_slice %arg4[%multiple_of3A_352, %multiple_of3A_349] : memref<1000x100000xf32, #tpu.memory_space<hbm>> -> memref<8x128xf32, #tpu.memory_space<hbm>>
      %dma_start3A_362 = arith.constant 0 : i32
      %dma_start3A_363 = tpu.memref_slice %arg8[%mul3A_358, %dma_start3A_362] : memref<256x128xf32, #tpu.memory_space<vmem>> -> memref<8x128xf32, #tpu.memory_space<vmem>>
      %dma_start3A_364 = tpu.memref_slice %arg4[%multiple_of3A_352, %multiple_of3A_349] : memref<1000x100000xf32, #tpu.memory_space<hbm>> -> memref<8x128xf32, #tpu.memory_space<hbm>>
      tpu.enqueue_dma source(%dma_start3A_364 : memref<8x128xf32, #tpu.memory_space<hbm>>) target(%dma_start3A_363 : memref<8x128xf32, #tpu.memory_space<vmem>>) target_semaphore(%arg11 : memref<!tpu.dma_semaphore, #tpu.memory_space<semaphore_mem>>)
      %slice3A_365 = vector.extract_strided_slice %mul3A_64 {offsets = [15], sizes = [1], strides = [1]} : vector<16xi32> to vector<1xi32>
      %squeeze3A_366 = vector.extract %slice3A_365[0] : i32 from vector<1xi32>
      %multiple_of3A_367 = tpu.assume_multiple %squeeze3A_366, 128 : i32
      %slice3A_368 = vector.extract_strided_slice %mul3A_98 {offsets = [15], sizes = [1], strides = [1]} : vector<16xi32> to vector<1xi32>
      %squeeze3A_369 = vector.extract %slice3A_368[0] : i32 from vector<1xi32>
      %multiple_of3A_370 = tpu.assume_multiple %squeeze3A_369, 8 : i32
      %mul3A_371 = arith.constant 16 : i32
      %mul3A_372 = arith.muli %scan3A_26, %mul3A_371 : i32
      %add3A_373 = arith.constant 15 : i32
      %add3A_374 = arith.addi %mul3A_372, %add3A_373 : i32
      %mul3A_375 = arith.constant 8 : i32
      %mul3A_376 = arith.muli %add3A_374, %mul3A_375 : i32
      %dma_start3A_377 = arith.constant 0 : i32
      %dma_start3A_378 = tpu.memref_slice %arg8[%mul3A_376, %dma_start3A_377] : memref<256x128xf32, #tpu.memory_space<vmem>> -> memref<8x128xf32, #tpu.memory_space<vmem>>
      %dma_start3A_379 = tpu.memref_slice %arg4[%multiple_of3A_370, %multiple_of3A_367] : memref<1000x100000xf32, #tpu.memory_space<hbm>> -> memref<8x128xf32, #tpu.memory_space<hbm>>
      %dma_start3A_380 = arith.constant 0 : i32
      %dma_start3A_381 = tpu.memref_slice %arg8[%mul3A_376, %dma_start3A_380] : memref<256x128xf32, #tpu.memory_space<vmem>> -> memref<8x128xf32, #tpu.memory_space<vmem>>
      %dma_start3A_382 = tpu.memref_slice %arg4[%multiple_of3A_370, %multiple_of3A_367] : memref<1000x100000xf32, #tpu.memory_space<hbm>> -> memref<8x128xf32, #tpu.memory_space<hbm>>
      tpu.enqueue_dma source(%dma_start3A_382 : memref<8x128xf32, #tpu.memory_space<hbm>>) target(%dma_start3A_381 : memref<8x128xf32, #tpu.memory_space<vmem>>) target_semaphore(%arg11 : memref<!tpu.dma_semaphore, #tpu.memory_space<semaphore_mem>>)
    }
    %scan3A_7 = arith.constant 2 : i32
    %scan3A_8 = arith.constant 0 : i32
    %scan3A_9 = arith.constant 0 : i32
    %scan3A_10 = arith.constant 15 : i32
    %scan3A_11 = arith.addi %scan3A_9, %scan3A_10 : i32
    %scan3A_12 = arith.constant 1 : i32
    scf.for %scan3A_26 = %scan3A_9 to %scan3A_11 step %scan3A_12  : i32 {
      %rem3A_27 = arith.constant 2 : i32
      %rem3A_28 = arith.remsi %scan3A_26, %rem3A_27 : i32
      %eq3A_29 = arith.constant 0 : i32
      %eq3A_30 = arith.cmpi eq, %rem3A_28, %eq3A_29 : i32
      %convert_element_type3A_31 = arith.extui %eq3A_30 : i1 to i32
      %cond3A_32 = arith.constant 0 : i32
      %cond3A_33 = arith.cmpi ne, %convert_element_type3A_31, %cond3A_32 : i32
      scf.if %cond3A_33 {
        %add3A_41 = arith.constant 1 : i32
        %add3A_42 = arith.addi %scan3A_26, %add3A_41 : i32
        %mul3A_43 = arith.constant 32 : i32
        %mul3A_44 = arith.muli %add3A_42, %mul3A_43 : i32
        %scan3A_45 = arith.constant 0 : i32
        %scan3A_46 = arith.constant 0 : i32
        %scan3A_47 = arith.constant 2 : i32
        %scan3A_48 = arith.addi %scan3A_46, %scan3A_47 : i32
        %scan3A_49 = arith.constant 1 : i32
        scf.for %scan3A_106 = %scan3A_46 to %scan3A_48 step %scan3A_49  : i32 {
          %mul3A_107 = arith.constant 16 : i32
          %mul3A_108 = arith.muli %scan3A_106, %mul3A_107 : i32
          %add3A_109 = arith.addi %mul3A_44, %mul3A_108 : i32
          %get3A_110 = arith.index_cast %add3A_109 : i32 to index
          %get3A_111 = tpu.vector_load %arg6[%get3A_110] {strides = array<i32>} : memref<512xi32, #tpu.memory_space<vmem>>, vector<16xi32>,
          %mul3A_112 = arith.constant 16 : i32
          %mul3A_113 = arith.muli %scan3A_106, %mul3A_112 : i32
          %add3A_114 = arith.addi %mul3A_44, %mul3A_113 : i32
          %get3A_115 = arith.index_cast %add3A_114 : i32 to index
          %get3A_116 = tpu.vector_load %arg7[%get3A_115] {strides = array<i32>} : memref<512xi32, #tpu.memory_space<vmem>>, vector<16xi32>,
          %jit3A = arith.constant 128 : i32
          %div3A = vector.broadcast %jit3A : i32 to vector<16xi32>
          %div3A_117 = arith.divsi %get3A_111, %div3A : vector<16xi32>
          %sign3A = arith.constant 0 : i32
          %sign3A_118 = vector.broadcast %sign3A : i32 to vector<16xi32>
          %sign3A_119 = arith.cmpi sgt, %get3A_111, %sign3A_118 : vector<16xi32>
          %sign3A_120 = arith.extui %sign3A_119 : vector<16xi1> to vector<16xi32>
          %sign3A_121 = arith.constant 0 : i32
          %sign3A_122 = vector.broadcast %sign3A_121 : i32 to vector<16xi32>
          %sign3A_123 = arith.cmpi slt, %get3A_111, %sign3A_122 : vector<16xi32>
          %sign3A_124 = arith.extui %sign3A_123 : vector<16xi1> to vector<16xi32>
          %sign3A_125 = arith.subi %sign3A_120, %sign3A_124 : vector<16xi32>
          %sign3A_126 = arith.constant 0 : i32
          %sign3A_127 = arith.cmpi sgt, %jit3A, %sign3A_126 : i32
          %sign3A_128 = arith.extui %sign3A_127 : i1 to i32
          %sign3A_129 = arith.constant 0 : i32
          %sign3A_130 = arith.cmpi slt, %jit3A, %sign3A_129 : i32
          %sign3A_131 = arith.extui %sign3A_130 : i1 to i32
          %sign3A_132 = arith.subi %sign3A_128, %sign3A_131 : i32
          %ne3A = vector.broadcast %sign3A_132 : i32 to vector<16xi32>
          %ne3A_133 = arith.cmpi ne, %sign3A_125, %ne3A : vector<16xi32>
          %rem3A_134 = vector.broadcast %jit3A : i32 to vector<16xi32>
          %rem3A_135 = arith.remsi %get3A_111, %rem3A_134 : vector<16xi32>
          %ne3A_136 = arith.constant 0 : i32
          %ne3A_137 = vector.broadcast %ne3A_136 : i32 to vector<16xi32>
          %ne3A_138 = arith.cmpi ne, %rem3A_135, %ne3A_137 : vector<16xi32>
          %and3A_139 = arith.andi %ne3A_133, %ne3A_138 : vector<16xi1>
          %sub3A = arith.constant 1 : i32
          %sub3A_140 = vector.broadcast %sub3A : i32 to vector<16xi32>
          %sub3A_141 = arith.subi %div3A_117, %sub3A_140 : vector<16xi32>
          %select_n3A = arith.select %and3A_139, %sub3A_141, %div3A_117 : vector<16xi1>, vector<16xi32>
          %mul3A_142 = arith.constant 128 : i32
          %mul3A_143 = vector.broadcast %mul3A_142 : i32 to vector<16xi32>
          %mul3A_144 = arith.muli %select_n3A, %mul3A_143 : vector<16xi32>
          %jit3A_145 = arith.constant 8 : i32
          %div3A_146 = vector.broadcast %jit3A_145 : i32 to vector<16xi32>
          %div3A_147 = arith.divsi %get3A_116, %div3A_146 : vector<16xi32>
          %sign3A_148 = arith.constant 0 : i32
          %sign3A_149 = vector.broadcast %sign3A_148 : i32 to vector<16xi32>
          %sign3A_150 = arith.cmpi sgt, %get3A_116, %sign3A_149 : vector<16xi32>
          %sign3A_151 = arith.extui %sign3A_150 : vector<16xi1> to vector<16xi32>
          %sign3A_152 = arith.constant 0 : i32
          %sign3A_153 = vector.broadcast %sign3A_152 : i32 to vector<16xi32>
          %sign3A_154 = arith.cmpi slt, %get3A_116, %sign3A_153 : vector<16xi32>
          %sign3A_155 = arith.extui %sign3A_154 : vector<16xi1> to vector<16xi32>
          %sign3A_156 = arith.subi %sign3A_151, %sign3A_155 : vector<16xi32>
          %sign3A_157 = arith.constant 0 : i32
          %sign3A_158 = arith.cmpi sgt, %jit3A_145, %sign3A_157 : i32
          %sign3A_159 = arith.extui %sign3A_158 : i1 to i32
          %sign3A_160 = arith.constant 0 : i32
          %sign3A_161 = arith.cmpi slt, %jit3A_145, %sign3A_160 : i32
          %sign3A_162 = arith.extui %sign3A_161 : i1 to i32
          %sign3A_163 = arith.subi %sign3A_159, %sign3A_162 : i32
          %ne3A_164 = vector.broadcast %sign3A_163 : i32 to vector<16xi32>
          %ne3A_165 = arith.cmpi ne, %sign3A_156, %ne3A_164 : vector<16xi32>
          %rem3A_166 = vector.broadcast %jit3A_145 : i32 to vector<16xi32>
          %rem3A_167 = arith.remsi %get3A_116, %rem3A_166 : vector<16xi32>
          %ne3A_168 = arith.constant 0 : i32
          %ne3A_169 = vector.broadcast %ne3A_168 : i32 to vector<16xi32>
          %ne3A_170 = arith.cmpi ne, %rem3A_167, %ne3A_169 : vector<16xi32>
          %and3A_171 = arith.andi %ne3A_165, %ne3A_170 : vector<16xi1>
          %sub3A_172 = arith.constant 1 : i32
          %sub3A_173 = vector.broadcast %sub3A_172 : i32 to vector<16xi32>
          %sub3A_174 = arith.subi %div3A_147, %sub3A_173 : vector<16xi32>
          %select_n3A_175 = arith.select %and3A_171, %sub3A_174, %div3A_147 : vector<16xi1>, vector<16xi32>
          %mul3A_176 = arith.constant 8 : i32
          %mul3A_177 = vector.broadcast %mul3A_176 : i32 to vector<16xi32>
          %mul3A_178 = arith.muli %select_n3A_175, %mul3A_177 : vector<16xi32>
          %slice3A = vector.extract_strided_slice %mul3A_144 {offsets = [0], sizes = [1], strides = [1]} : vector<16xi32> to vector<1xi32>
          %squeeze3A = vector.extract %slice3A[0] : i32 from vector<1xi32>
          %multiple_of3A = tpu.assume_multiple %squeeze3A, 128 : i32
          %slice3A_179 = vector.extract_strided_slice %mul3A_178 {offsets = [0], sizes = [1], strides = [1]} : vector<16xi32> to vector<1xi32>
          %squeeze3A_180 = vector.extract %slice3A_179[0] : i32 from vector<1xi32>
          %multiple_of3A_181 = tpu.assume_multiple %squeeze3A_180, 8 : i32
          %mul3A_182 = arith.constant 16 : i32
          %mul3A_183 = arith.muli %scan3A_106, %mul3A_182 : i32
          %add3A_184 = arith.constant 0 : i32
          %add3A_185 = arith.addi %mul3A_183, %add3A_184 : i32
          %mul3A_186 = arith.constant 8 : i32
          %mul3A_187 = arith.muli %add3A_185, %mul3A_186 : i32
          %dma_start3A = arith.constant 0 : i32
          %dma_start3A_188 = tpu.memref_slice %arg9[%mul3A_187, %dma_start3A] : memref<256x128xf32, #tpu.memory_space<vmem>> -> memref<8x128xf32, #tpu.memory_space<vmem>>
          %dma_start3A_189 = tpu.memref_slice %arg4[%multiple_of3A_181, %multiple_of3A] : memref<1000x100000xf32, #tpu.memory_space<hbm>> -> memref<8x128xf32, #tpu.memory_space<hbm>>
          %dma_start3A_190 = arith.constant 0 : i32
          %dma_start3A_191 = tpu.memref_slice %arg9[%mul3A_187, %dma_start3A_190] : memref<256x128xf32, #tpu.memory_space<vmem>> -> memref<8x128xf32, #tpu.memory_space<vmem>>
          %dma_start3A_192 = tpu.memref_slice %arg4[%multiple_of3A_181, %multiple_of3A] : memref<1000x100000xf32, #tpu.memory_space<hbm>> -> memref<8x128xf32, #tpu.memory_space<hbm>>
          tpu.enqueue_dma source(%dma_start3A_192 : memref<8x128xf32, #tpu.memory_space<hbm>>) target(%dma_start3A_191 : memref<8x128xf32, #tpu.memory_space<vmem>>) target_semaphore(%arg12 : memref<!tpu.dma_semaphore, #tpu.memory_space<semaphore_mem>>)
          %slice3A_193 = vector.extract_strided_slice %mul3A_144 {offsets = [1], sizes = [1], strides = [1]} : vector<16xi32> to vector<1xi32>
          %squeeze3A_194 = vector.extract %slice3A_193[0] : i32 from vector<1xi32>
          %multiple_of3A_195 = tpu.assume_multiple %squeeze3A_194, 128 : i32
          %slice3A_196 = vector.extract_strided_slice %mul3A_178 {offsets = [1], sizes = [1], strides = [1]} : vector<16xi32> to vector<1xi32>
          %squeeze3A_197 = vector.extract %slice3A_196[0] : i32 from vector<1xi32>
          %multiple_of3A_198 = tpu.assume_multiple %squeeze3A_197, 8 : i32
          %mul3A_199 = arith.constant 16 : i32
          %mul3A_200 = arith.muli %scan3A_106, %mul3A_199 : i32
          %add3A_201 = arith.constant 1 : i32
          %add3A_202 = arith.addi %mul3A_200, %add3A_201 : i32
          %mul3A_203 = arith.constant 8 : i32
          %mul3A_204 = arith.muli %add3A_202, %mul3A_203 : i32
          %dma_start3A_205 = arith.constant 0 : i32
          %dma_start3A_206 = tpu.memref_slice %arg9[%mul3A_204, %dma_start3A_205] : memref<256x128xf32, #tpu.memory_space<vmem>> -> memref<8x128xf32, #tpu.memory_space<vmem>>
          %dma_start3A_207 = tpu.memref_slice %arg4[%multiple_of3A_198, %multiple_of3A_195] : memref<1000x100000xf32, #tpu.memory_space<hbm>> -> memref<8x128xf32, #tpu.memory_space<hbm>>
          %dma_start3A_208 = arith.constant 0 : i32
          %dma_start3A_209 = tpu.memref_slice %arg9[%mul3A_204, %dma_start3A_208] : memref<256x128xf32, #tpu.memory_space<vmem>> -> memref<8x128xf32, #tpu.memory_space<vmem>>
          %dma_start3A_210 = tpu.memref_slice %arg4[%multiple_of3A_198, %multiple_of3A_195] : memref<1000x100000xf32, #tpu.memory_space<hbm>> -> memref<8x128xf32, #tpu.memory_space<hbm>>
          tpu.enqueue_dma source(%dma_start3A_210 : memref<8x128xf32, #tpu.memory_space<hbm>>) target(%dma_start3A_209 : memref<8x128xf32, #tpu.memory_space<vmem>>) target_semaphore(%arg12 : memref<!tpu.dma_semaphore, #tpu.memory_space<semaphore_mem>>)
          %slice3A_211 = vector.extract_strided_slice %mul3A_144 {offsets = [2], sizes = [1], strides = [1]} : vector<16xi32> to vector<1xi32>
          %squeeze3A_212 = vector.extract %slice3A_211[0] : i32 from vector<1xi32>
          %multiple_of3A_213 = tpu.assume_multiple %squeeze3A_212, 128 : i32
          %slice3A_214 = vector.extract_strided_slice %mul3A_178 {offsets = [2], sizes = [1], strides = [1]} : vector<16xi32> to vector<1xi32>
          %squeeze3A_215 = vector.extract %slice3A_214[0] : i32 from vector<1xi32>
          %multiple_of3A_216 = tpu.assume_multiple %squeeze3A_215, 8 : i32
          %mul3A_217 = arith.constant 16 : i32
          %mul3A_218 = arith.muli %scan3A_106, %mul3A_217 : i32
          %add3A_219 = arith.constant 2 : i32
          %add3A_220 = arith.addi %mul3A_218, %add3A_219 : i32
          %mul3A_221 = arith.constant 8 : i32
          %mul3A_222 = arith.muli %add3A_220, %mul3A_221 : i32
          %dma_start3A_223 = arith.constant 0 : i32
          %dma_start3A_224 = tpu.memref_slice %arg9[%mul3A_222, %dma_start3A_223] : memref<256x128xf32, #tpu.memory_space<vmem>> -> memref<8x128xf32, #tpu.memory_space<vmem>>
          %dma_start3A_225 = tpu.memref_slice %arg4[%multiple_of3A_216, %multiple_of3A_213] : memref<1000x100000xf32, #tpu.memory_space<hbm>> -> memref<8x128xf32, #tpu.memory_space<hbm>>
          %dma_start3A_226 = arith.constant 0 : i32
          %dma_start3A_227 = tpu.memref_slice %arg9[%mul3A_222, %dma_start3A_226] : memref<256x128xf32, #tpu.memory_space<vmem>> -> memref<8x128xf32, #tpu.memory_space<vmem>>
          %dma_start3A_228 = tpu.memref_slice %arg4[%multiple_of3A_216, %multiple_of3A_213] : memref<1000x100000xf32, #tpu.memory_space<hbm>> -> memref<8x128xf32, #tpu.memory_space<hbm>>
          tpu.enqueue_dma source(%dma_start3A_228 : memref<8x128xf32, #tpu.memory_space<hbm>>) target(%dma_start3A_227 : memref<8x128xf32, #tpu.memory_space<vmem>>) target_semaphore(%arg12 : memref<!tpu.dma_semaphore, #tpu.memory_space<semaphore_mem>>)
          %slice3A_229 = vector.extract_strided_slice %mul3A_144 {offsets = [3], sizes = [1], strides = [1]} : vector<16xi32> to vector<1xi32>
          %squeeze3A_230 = vector.extract %slice3A_229[0] : i32 from vector<1xi32>
          %multiple_of3A_231 = tpu.assume_multiple %squeeze3A_230, 128 : i32
          %slice3A_232 = vector.extract_strided_slice %mul3A_178 {offsets = [3], sizes = [1], strides = [1]} : vector<16xi32> to vector<1xi32>
          %squeeze3A_233 = vector.extract %slice3A_232[0] : i32 from vector<1xi32>
          %multiple_of3A_234 = tpu.assume_multiple %squeeze3A_233, 8 : i32
          %mul3A_235 = arith.constant 16 : i32
          %mul3A_236 = arith.muli %scan3A_106, %mul3A_235 : i32
          %add3A_237 = arith.constant 3 : i32
          %add3A_238 = arith.addi %mul3A_236, %add3A_237 : i32
          %mul3A_239 = arith.constant 8 : i32
          %mul3A_240 = arith.muli %add3A_238, %mul3A_239 : i32
          %dma_start3A_241 = arith.constant 0 : i32
          %dma_start3A_242 = tpu.memref_slice %arg9[%mul3A_240, %dma_start3A_241] : memref<256x128xf32, #tpu.memory_space<vmem>> -> memref<8x128xf32, #tpu.memory_space<vmem>>
          %dma_start3A_243 = tpu.memref_slice %arg4[%multiple_of3A_234, %multiple_of3A_231] : memref<1000x100000xf32, #tpu.memory_space<hbm>> -> memref<8x128xf32, #tpu.memory_space<hbm>>
          %dma_start3A_244 = arith.constant 0 : i32
          %dma_start3A_245 = tpu.memref_slice %arg9[%mul3A_240, %dma_start3A_244] : memref<256x128xf32, #tpu.memory_space<vmem>> -> memref<8x128xf32, #tpu.memory_space<vmem>>
          %dma_start3A_246 = tpu.memref_slice %arg4[%multiple_of3A_234, %multiple_of3A_231] : memref<1000x100000xf32, #tpu.memory_space<hbm>> -> memref<8x128xf32, #tpu.memory_space<hbm>>
          tpu.enqueue_dma source(%dma_start3A_246 : memref<8x128xf32, #tpu.memory_space<hbm>>) target(%dma_start3A_245 : memref<8x128xf32, #tpu.memory_space<vmem>>) target_semaphore(%arg12 : memref<!tpu.dma_semaphore, #tpu.memory_space<semaphore_mem>>)
          %slice3A_247 = vector.extract_strided_slice %mul3A_144 {offsets = [4], sizes = [1], strides = [1]} : vector<16xi32> to vector<1xi32>
          %squeeze3A_248 = vector.extract %slice3A_247[0] : i32 from vector<1xi32>
          %multiple_of3A_249 = tpu.assume_multiple %squeeze3A_248, 128 : i32
          %slice3A_250 = vector.extract_strided_slice %mul3A_178 {offsets = [4], sizes = [1], strides = [1]} : vector<16xi32> to vector<1xi32>
          %squeeze3A_251 = vector.extract %slice3A_250[0] : i32 from vector<1xi32>
          %multiple_of3A_252 = tpu.assume_multiple %squeeze3A_251, 8 : i32
          %mul3A_253 = arith.constant 16 : i32
          %mul3A_254 = arith.muli %scan3A_106, %mul3A_253 : i32
          %add3A_255 = arith.constant 4 : i32
          %add3A_256 = arith.addi %mul3A_254, %add3A_255 : i32
          %mul3A_257 = arith.constant 8 : i32
          %mul3A_258 = arith.muli %add3A_256, %mul3A_257 : i32
          %dma_start3A_259 = arith.constant 0 : i32
          %dma_start3A_260 = tpu.memref_slice %arg9[%mul3A_258, %dma_start3A_259] : memref<256x128xf32, #tpu.memory_space<vmem>> -> memref<8x128xf32, #tpu.memory_space<vmem>>
          %dma_start3A_261 = tpu.memref_slice %arg4[%multiple_of3A_252, %multiple_of3A_249] : memref<1000x100000xf32, #tpu.memory_space<hbm>> -> memref<8x128xf32, #tpu.memory_space<hbm>>
          %dma_start3A_262 = arith.constant 0 : i32
          %dma_start3A_263 = tpu.memref_slice %arg9[%mul3A_258, %dma_start3A_262] : memref<256x128xf32, #tpu.memory_space<vmem>> -> memref<8x128xf32, #tpu.memory_space<vmem>>
          %dma_start3A_264 = tpu.memref_slice %arg4[%multiple_of3A_252, %multiple_of3A_249] : memref<1000x100000xf32, #tpu.memory_space<hbm>> -> memref<8x128xf32, #tpu.memory_space<hbm>>
          tpu.enqueue_dma source(%dma_start3A_264 : memref<8x128xf32, #tpu.memory_space<hbm>>) target(%dma_start3A_263 : memref<8x128xf32, #tpu.memory_space<vmem>>) target_semaphore(%arg12 : memref<!tpu.dma_semaphore, #tpu.memory_space<semaphore_mem>>)
          %slice3A_265 = vector.extract_strided_slice %mul3A_144 {offsets = [5], sizes = [1], strides = [1]} : vector<16xi32> to vector<1xi32>
          %squeeze3A_266 = vector.extract %slice3A_265[0] : i32 from vector<1xi32>
          %multiple_of3A_267 = tpu.assume_multiple %squeeze3A_266, 128 : i32
          %slice3A_268 = vector.extract_strided_slice %mul3A_178 {offsets = [5], sizes = [1], strides = [1]} : vector<16xi32> to vector<1xi32>
          %squeeze3A_269 = vector.extract %slice3A_268[0] : i32 from vector<1xi32>
          %multiple_of3A_270 = tpu.assume_multiple %squeeze3A_269, 8 : i32
          %mul3A_271 = arith.constant 16 : i32
          %mul3A_272 = arith.muli %scan3A_106, %mul3A_271 : i32
          %add3A_273 = arith.constant 5 : i32
          %add3A_274 = arith.addi %mul3A_272, %add3A_273 : i32
          %mul3A_275 = arith.constant 8 : i32
          %mul3A_276 = arith.muli %add3A_274, %mul3A_275 : i32
          %dma_start3A_277 = arith.constant 0 : i32
          %dma_start3A_278 = tpu.memref_slice %arg9[%mul3A_276, %dma_start3A_277] : memref<256x128xf32, #tpu.memory_space<vmem>> -> memref<8x128xf32, #tpu.memory_space<vmem>>
          %dma_start3A_279 = tpu.memref_slice %arg4[%multiple_of3A_270, %multiple_of3A_267] : memref<1000x100000xf32, #tpu.memory_space<hbm>> -> memref<8x128xf32, #tpu.memory_space<hbm>>
          %dma_start3A_280 = arith.constant 0 : i32
          %dma_start3A_281 = tpu.memref_slice %arg9[%mul3A_276, %dma_start3A_280] : memref<256x128xf32, #tpu.memory_space<vmem>> -> memref<8x128xf32, #tpu.memory_space<vmem>>
          %dma_start3A_282 = tpu.memref_slice %arg4[%multiple_of3A_270, %multiple_of3A_267] : memref<1000x100000xf32, #tpu.memory_space<hbm>> -> memref<8x128xf32, #tpu.memory_space<hbm>>
          tpu.enqueue_dma source(%dma_start3A_282 : memref<8x128xf32, #tpu.memory_space<hbm>>) target(%dma_start3A_281 : memref<8x128xf32, #tpu.memory_space<vmem>>) target_semaphore(%arg12 : memref<!tpu.dma_semaphore, #tpu.memory_space<semaphore_mem>>)
          %slice3A_283 = vector.extract_strided_slice %mul3A_144 {offsets = [6], sizes = [1], strides = [1]} : vector<16xi32> to vector<1xi32>
          %squeeze3A_284 = vector.extract %slice3A_283[0] : i32 from vector<1xi32>
          %multiple_of3A_285 = tpu.assume_multiple %squeeze3A_284, 128 : i32
          %slice3A_286 = vector.extract_strided_slice %mul3A_178 {offsets = [6], sizes = [1], strides = [1]} : vector<16xi32> to vector<1xi32>
          %squeeze3A_287 = vector.extract %slice3A_286[0] : i32 from vector<1xi32>
          %multiple_of3A_288 = tpu.assume_multiple %squeeze3A_287, 8 : i32
          %mul3A_289 = arith.constant 16 : i32
          %mul3A_290 = arith.muli %scan3A_106, %mul3A_289 : i32
          %add3A_291 = arith.constant 6 : i32
          %add3A_292 = arith.addi %mul3A_290, %add3A_291 : i32
          %mul3A_293 = arith.constant 8 : i32
          %mul3A_294 = arith.muli %add3A_292, %mul3A_293 : i32
          %dma_start3A_295 = arith.constant 0 : i32
          %dma_start3A_296 = tpu.memref_slice %arg9[%mul3A_294, %dma_start3A_295] : memref<256x128xf32, #tpu.memory_space<vmem>> -> memref<8x128xf32, #tpu.memory_space<vmem>>
          %dma_start3A_297 = tpu.memref_slice %arg4[%multiple_of3A_288, %multiple_of3A_285] : memref<1000x100000xf32, #tpu.memory_space<hbm>> -> memref<8x128xf32, #tpu.memory_space<hbm>>
          %dma_start3A_298 = arith.constant 0 : i32
          %dma_start3A_299 = tpu.memref_slice %arg9[%mul3A_294, %dma_start3A_298] : memref<256x128xf32, #tpu.memory_space<vmem>> -> memref<8x128xf32, #tpu.memory_space<vmem>>
          %dma_start3A_300 = tpu.memref_slice %arg4[%multiple_of3A_288, %multiple_of3A_285] : memref<1000x100000xf32, #tpu.memory_space<hbm>> -> memref<8x128xf32, #tpu.memory_space<hbm>>
          tpu.enqueue_dma source(%dma_start3A_300 : memref<8x128xf32, #tpu.memory_space<hbm>>) target(%dma_start3A_299 : memref<8x128xf32, #tpu.memory_space<vmem>>) target_semaphore(%arg12 : memref<!tpu.dma_semaphore, #tpu.memory_space<semaphore_mem>>)
          %slice3A_301 = vector.extract_strided_slice %mul3A_144 {offsets = [7], sizes = [1], strides = [1]} : vector<16xi32> to vector<1xi32>
          %squeeze3A_302 = vector.extract %slice3A_301[0] : i32 from vector<1xi32>
          %multiple_of3A_303 = tpu.assume_multiple %squeeze3A_302, 128 : i32
          %slice3A_304 = vector.extract_strided_slice %mul3A_178 {offsets = [7], sizes = [1], strides = [1]} : vector<16xi32> to vector<1xi32>
          %squeeze3A_305 = vector.extract %slice3A_304[0] : i32 from vector<1xi32>
          %multiple_of3A_306 = tpu.assume_multiple %squeeze3A_305, 8 : i32
          %mul3A_307 = arith.constant 16 : i32
          %mul3A_308 = arith.muli %scan3A_106, %mul3A_307 : i32
          %add3A_309 = arith.constant 7 : i32
          %add3A_310 = arith.addi %mul3A_308, %add3A_309 : i32
          %mul3A_311 = arith.constant 8 : i32
          %mul3A_312 = arith.muli %add3A_310, %mul3A_311 : i32
          %dma_start3A_313 = arith.constant 0 : i32
          %dma_start3A_314 = tpu.memref_slice %arg9[%mul3A_312, %dma_start3A_313] : memref<256x128xf32, #tpu.memory_space<vmem>> -> memref<8x128xf32, #tpu.memory_space<vmem>>
          %dma_start3A_315 = tpu.memref_slice %arg4[%multiple_of3A_306, %multiple_of3A_303] : memref<1000x100000xf32, #tpu.memory_space<hbm>> -> memref<8x128xf32, #tpu.memory_space<hbm>>
          %dma_start3A_316 = arith.constant 0 : i32
          %dma_start3A_317 = tpu.memref_slice %arg9[%mul3A_312, %dma_start3A_316] : memref<256x128xf32, #tpu.memory_space<vmem>> -> memref<8x128xf32, #tpu.memory_space<vmem>>
          %dma_start3A_318 = tpu.memref_slice %arg4[%multiple_of3A_306, %multiple_of3A_303] : memref<1000x100000xf32, #tpu.memory_space<hbm>> -> memref<8x128xf32, #tpu.memory_space<hbm>>
          tpu.enqueue_dma source(%dma_start3A_318 : memref<8x128xf32, #tpu.memory_space<hbm>>) target(%dma_start3A_317 : memref<8x128xf32, #tpu.memory_space<vmem>>) target_semaphore(%arg12 : memref<!tpu.dma_semaphore, #tpu.memory_space<semaphore_mem>>)
          %slice3A_319 = vector.extract_strided_slice %mul3A_144 {offsets = [8], sizes = [1], strides = [1]} : vector<16xi32> to vector<1xi32>
          %squeeze3A_320 = vector.extract %slice3A_319[0] : i32 from vector<1xi32>
          %multiple_of3A_321 = tpu.assume_multiple %squeeze3A_320, 128 : i32
          %slice3A_322 = vector.extract_strided_slice %mul3A_178 {offsets = [8], sizes = [1], strides = [1]} : vector<16xi32> to vector<1xi32>
          %squeeze3A_323 = vector.extract %slice3A_322[0] : i32 from vector<1xi32>
          %multiple_of3A_324 = tpu.assume_multiple %squeeze3A_323, 8 : i32
          %mul3A_325 = arith.constant 16 : i32
          %mul3A_326 = arith.muli %scan3A_106, %mul3A_325 : i32
          %add3A_327 = arith.constant 8 : i32
          %add3A_328 = arith.addi %mul3A_326, %add3A_327 : i32
          %mul3A_329 = arith.constant 8 : i32
          %mul3A_330 = arith.muli %add3A_328, %mul3A_329 : i32
          %dma_start3A_331 = arith.constant 0 : i32
          %dma_start3A_332 = tpu.memref_slice %arg9[%mul3A_330, %dma_start3A_331] : memref<256x128xf32, #tpu.memory_space<vmem>> -> memref<8x128xf32, #tpu.memory_space<vmem>>
          %dma_start3A_333 = tpu.memref_slice %arg4[%multiple_of3A_324, %multiple_of3A_321] : memref<1000x100000xf32, #tpu.memory_space<hbm>> -> memref<8x128xf32, #tpu.memory_space<hbm>>
          %dma_start3A_334 = arith.constant 0 : i32
          %dma_start3A_335 = tpu.memref_slice %arg9[%mul3A_330, %dma_start3A_334] : memref<256x128xf32, #tpu.memory_space<vmem>> -> memref<8x128xf32, #tpu.memory_space<vmem>>
          %dma_start3A_336 = tpu.memref_slice %arg4[%multiple_of3A_324, %multiple_of3A_321] : memref<1000x100000xf32, #tpu.memory_space<hbm>> -> memref<8x128xf32, #tpu.memory_space<hbm>>
          tpu.enqueue_dma source(%dma_start3A_336 : memref<8x128xf32, #tpu.memory_space<hbm>>) target(%dma_start3A_335 : memref<8x128xf32, #tpu.memory_space<vmem>>) target_semaphore(%arg12 : memref<!tpu.dma_semaphore, #tpu.memory_space<semaphore_mem>>)
          %slice3A_337 = vector.extract_strided_slice %mul3A_144 {offsets = [9], sizes = [1], strides = [1]} : vector<16xi32> to vector<1xi32>
          %squeeze3A_338 = vector.extract %slice3A_337[0] : i32 from vector<1xi32>
          %multiple_of3A_339 = tpu.assume_multiple %squeeze3A_338, 128 : i32
          %slice3A_340 = vector.extract_strided_slice %mul3A_178 {offsets = [9], sizes = [1], strides = [1]} : vector<16xi32> to vector<1xi32>
          %squeeze3A_341 = vector.extract %slice3A_340[0] : i32 from vector<1xi32>
          %multiple_of3A_342 = tpu.assume_multiple %squeeze3A_341, 8 : i32
          %mul3A_343 = arith.constant 16 : i32
          %mul3A_344 = arith.muli %scan3A_106, %mul3A_343 : i32
          %add3A_345 = arith.constant 9 : i32
          %add3A_346 = arith.addi %mul3A_344, %add3A_345 : i32
          %mul3A_347 = arith.constant 8 : i32
          %mul3A_348 = arith.muli %add3A_346, %mul3A_347 : i32
          %dma_start3A_349 = arith.constant 0 : i32
          %dma_start3A_350 = tpu.memref_slice %arg9[%mul3A_348, %dma_start3A_349] : memref<256x128xf32, #tpu.memory_space<vmem>> -> memref<8x128xf32, #tpu.memory_space<vmem>>
          %dma_start3A_351 = tpu.memref_slice %arg4[%multiple_of3A_342, %multiple_of3A_339] : memref<1000x100000xf32, #tpu.memory_space<hbm>> -> memref<8x128xf32, #tpu.memory_space<hbm>>
          %dma_start3A_352 = arith.constant 0 : i32
          %dma_start3A_353 = tpu.memref_slice %arg9[%mul3A_348, %dma_start3A_352] : memref<256x128xf32, #tpu.memory_space<vmem>> -> memref<8x128xf32, #tpu.memory_space<vmem>>
          %dma_start3A_354 = tpu.memref_slice %arg4[%multiple_of3A_342, %multiple_of3A_339] : memref<1000x100000xf32, #tpu.memory_space<hbm>> -> memref<8x128xf32, #tpu.memory_space<hbm>>
          tpu.enqueue_dma source(%dma_start3A_354 : memref<8x128xf32, #tpu.memory_space<hbm>>) target(%dma_start3A_353 : memref<8x128xf32, #tpu.memory_space<vmem>>) target_semaphore(%arg12 : memref<!tpu.dma_semaphore, #tpu.memory_space<semaphore_mem>>)
          %slice3A_355 = vector.extract_strided_slice %mul3A_144 {offsets = [10], sizes = [1], strides = [1]} : vector<16xi32> to vector<1xi32>
          %squeeze3A_356 = vector.extract %slice3A_355[0] : i32 from vector<1xi32>
          %multiple_of3A_357 = tpu.assume_multiple %squeeze3A_356, 128 : i32
          %slice3A_358 = vector.extract_strided_slice %mul3A_178 {offsets = [10], sizes = [1], strides = [1]} : vector<16xi32> to vector<1xi32>
          %squeeze3A_359 = vector.extract %slice3A_358[0] : i32 from vector<1xi32>
          %multiple_of3A_360 = tpu.assume_multiple %squeeze3A_359, 8 : i32
          %mul3A_361 = arith.constant 16 : i32
          %mul3A_362 = arith.muli %scan3A_106, %mul3A_361 : i32
          %add3A_363 = arith.constant 10 : i32
          %add3A_364 = arith.addi %mul3A_362, %add3A_363 : i32
          %mul3A_365 = arith.constant 8 : i32
          %mul3A_366 = arith.muli %add3A_364, %mul3A_365 : i32
          %dma_start3A_367 = arith.constant 0 : i32
          %dma_start3A_368 = tpu.memref_slice %arg9[%mul3A_366, %dma_start3A_367] : memref<256x128xf32, #tpu.memory_space<vmem>> -> memref<8x128xf32, #tpu.memory_space<vmem>>
          %dma_start3A_369 = tpu.memref_slice %arg4[%multiple_of3A_360, %multiple_of3A_357] : memref<1000x100000xf32, #tpu.memory_space<hbm>> -> memref<8x128xf32, #tpu.memory_space<hbm>>
          %dma_start3A_370 = arith.constant 0 : i32
          %dma_start3A_371 = tpu.memref_slice %arg9[%mul3A_366, %dma_start3A_370] : memref<256x128xf32, #tpu.memory_space<vmem>> -> memref<8x128xf32, #tpu.memory_space<vmem>>
          %dma_start3A_372 = tpu.memref_slice %arg4[%multiple_of3A_360, %multiple_of3A_357] : memref<1000x100000xf32, #tpu.memory_space<hbm>> -> memref<8x128xf32, #tpu.memory_space<hbm>>
          tpu.enqueue_dma source(%dma_start3A_372 : memref<8x128xf32, #tpu.memory_space<hbm>>) target(%dma_start3A_371 : memref<8x128xf32, #tpu.memory_space<vmem>>) target_semaphore(%arg12 : memref<!tpu.dma_semaphore, #tpu.memory_space<semaphore_mem>>)
          %slice3A_373 = vector.extract_strided_slice %mul3A_144 {offsets = [11], sizes = [1], strides = [1]} : vector<16xi32> to vector<1xi32>
          %squeeze3A_374 = vector.extract %slice3A_373[0] : i32 from vector<1xi32>
          %multiple_of3A_375 = tpu.assume_multiple %squeeze3A_374, 128 : i32
          %slice3A_376 = vector.extract_strided_slice %mul3A_178 {offsets = [11], sizes = [1], strides = [1]} : vector<16xi32> to vector<1xi32>
          %squeeze3A_377 = vector.extract %slice3A_376[0] : i32 from vector<1xi32>
          %multiple_of3A_378 = tpu.assume_multiple %squeeze3A_377, 8 : i32
          %mul3A_379 = arith.constant 16 : i32
          %mul3A_380 = arith.muli %scan3A_106, %mul3A_379 : i32
          %add3A_381 = arith.constant 11 : i32
          %add3A_382 = arith.addi %mul3A_380, %add3A_381 : i32
          %mul3A_383 = arith.constant 8 : i32
          %mul3A_384 = arith.muli %add3A_382, %mul3A_383 : i32
          %dma_start3A_385 = arith.constant 0 : i32
          %dma_start3A_386 = tpu.memref_slice %arg9[%mul3A_384, %dma_start3A_385] : memref<256x128xf32, #tpu.memory_space<vmem>> -> memref<8x128xf32, #tpu.memory_space<vmem>>
          %dma_start3A_387 = tpu.memref_slice %arg4[%multiple_of3A_378, %multiple_of3A_375] : memref<1000x100000xf32, #tpu.memory_space<hbm>> -> memref<8x128xf32, #tpu.memory_space<hbm>>
          %dma_start3A_388 = arith.constant 0 : i32
          %dma_start3A_389 = tpu.memref_slice %arg9[%mul3A_384, %dma_start3A_388] : memref<256x128xf32, #tpu.memory_space<vmem>> -> memref<8x128xf32, #tpu.memory_space<vmem>>
          %dma_start3A_390 = tpu.memref_slice %arg4[%multiple_of3A_378, %multiple_of3A_375] : memref<1000x100000xf32, #tpu.memory_space<hbm>> -> memref<8x128xf32, #tpu.memory_space<hbm>>
          tpu.enqueue_dma source(%dma_start3A_390 : memref<8x128xf32, #tpu.memory_space<hbm>>) target(%dma_start3A_389 : memref<8x128xf32, #tpu.memory_space<vmem>>) target_semaphore(%arg12 : memref<!tpu.dma_semaphore, #tpu.memory_space<semaphore_mem>>)
          %slice3A_391 = vector.extract_strided_slice %mul3A_144 {offsets = [12], sizes = [1], strides = [1]} : vector<16xi32> to vector<1xi32>
          %squeeze3A_392 = vector.extract %slice3A_391[0] : i32 from vector<1xi32>
          %multiple_of3A_393 = tpu.assume_multiple %squeeze3A_392, 128 : i32
          %slice3A_394 = vector.extract_strided_slice %mul3A_178 {offsets = [12], sizes = [1], strides = [1]} : vector<16xi32> to vector<1xi32>
          %squeeze3A_395 = vector.extract %slice3A_394[0] : i32 from vector<1xi32>
          %multiple_of3A_396 = tpu.assume_multiple %squeeze3A_395, 8 : i32
          %mul3A_397 = arith.constant 16 : i32
          %mul3A_398 = arith.muli %scan3A_106, %mul3A_397 : i32
          %add3A_399 = arith.constant 12 : i32
          %add3A_400 = arith.addi %mul3A_398, %add3A_399 : i32
          %mul3A_401 = arith.constant 8 : i32
          %mul3A_402 = arith.muli %add3A_400, %mul3A_401 : i32
          %dma_start3A_403 = arith.constant 0 : i32
          %dma_start3A_404 = tpu.memref_slice %arg9[%mul3A_402, %dma_start3A_403] : memref<256x128xf32, #tpu.memory_space<vmem>> -> memref<8x128xf32, #tpu.memory_space<vmem>>
          %dma_start3A_405 = tpu.memref_slice %arg4[%multiple_of3A_396, %multiple_of3A_393] : memref<1000x100000xf32, #tpu.memory_space<hbm>> -> memref<8x128xf32, #tpu.memory_space<hbm>>
          %dma_start3A_406 = arith.constant 0 : i32
          %dma_start3A_407 = tpu.memref_slice %arg9[%mul3A_402, %dma_start3A_406] : memref<256x128xf32, #tpu.memory_space<vmem>> -> memref<8x128xf32, #tpu.memory_space<vmem>>
          %dma_start3A_408 = tpu.memref_slice %arg4[%multiple_of3A_396, %multiple_of3A_393] : memref<1000x100000xf32, #tpu.memory_space<hbm>> -> memref<8x128xf32, #tpu.memory_space<hbm>>
          tpu.enqueue_dma source(%dma_start3A_408 : memref<8x128xf32, #tpu.memory_space<hbm>>) target(%dma_start3A_407 : memref<8x128xf32, #tpu.memory_space<vmem>>) target_semaphore(%arg12 : memref<!tpu.dma_semaphore, #tpu.memory_space<semaphore_mem>>)
          %slice3A_409 = vector.extract_strided_slice %mul3A_144 {offsets = [13], sizes = [1], strides = [1]} : vector<16xi32> to vector<1xi32>
          %squeeze3A_410 = vector.extract %slice3A_409[0] : i32 from vector<1xi32>
          %multiple_of3A_411 = tpu.assume_multiple %squeeze3A_410, 128 : i32
          %slice3A_412 = vector.extract_strided_slice %mul3A_178 {offsets = [13], sizes = [1], strides = [1]} : vector<16xi32> to vector<1xi32>
          %squeeze3A_413 = vector.extract %slice3A_412[0] : i32 from vector<1xi32>
          %multiple_of3A_414 = tpu.assume_multiple %squeeze3A_413, 8 : i32
          %mul3A_415 = arith.constant 16 : i32
          %mul3A_416 = arith.muli %scan3A_106, %mul3A_415 : i32
          %add3A_417 = arith.constant 13 : i32
          %add3A_418 = arith.addi %mul3A_416, %add3A_417 : i32
          %mul3A_419 = arith.constant 8 : i32
          %mul3A_420 = arith.muli %add3A_418, %mul3A_419 : i32
          %dma_start3A_421 = arith.constant 0 : i32
          %dma_start3A_422 = tpu.memref_slice %arg9[%mul3A_420, %dma_start3A_421] : memref<256x128xf32, #tpu.memory_space<vmem>> -> memref<8x128xf32, #tpu.memory_space<vmem>>
          %dma_start3A_423 = tpu.memref_slice %arg4[%multiple_of3A_414, %multiple_of3A_411] : memref<1000x100000xf32, #tpu.memory_space<hbm>> -> memref<8x128xf32, #tpu.memory_space<hbm>>
          %dma_start3A_424 = arith.constant 0 : i32
          %dma_start3A_425 = tpu.memref_slice %arg9[%mul3A_420, %dma_start3A_424] : memref<256x128xf32, #tpu.memory_space<vmem>> -> memref<8x128xf32, #tpu.memory_space<vmem>>
          %dma_start3A_426 = tpu.memref_slice %arg4[%multiple_of3A_414, %multiple_of3A_411] : memref<1000x100000xf32, #tpu.memory_space<hbm>> -> memref<8x128xf32, #tpu.memory_space<hbm>>
          tpu.enqueue_dma source(%dma_start3A_426 : memref<8x128xf32, #tpu.memory_space<hbm>>) target(%dma_start3A_425 : memref<8x128xf32, #tpu.memory_space<vmem>>) target_semaphore(%arg12 : memref<!tpu.dma_semaphore, #tpu.memory_space<semaphore_mem>>)
          %slice3A_427 = vector.extract_strided_slice %mul3A_144 {offsets = [14], sizes = [1], strides = [1]} : vector<16xi32> to vector<1xi32>
          %squeeze3A_428 = vector.extract %slice3A_427[0] : i32 from vector<1xi32>
          %multiple_of3A_429 = tpu.assume_multiple %squeeze3A_428, 128 : i32
          %slice3A_430 = vector.extract_strided_slice %mul3A_178 {offsets = [14], sizes = [1], strides = [1]} : vector<16xi32> to vector<1xi32>
          %squeeze3A_431 = vector.extract %slice3A_430[0] : i32 from vector<1xi32>
          %multiple_of3A_432 = tpu.assume_multiple %squeeze3A_431, 8 : i32
          %mul3A_433 = arith.constant 16 : i32
          %mul3A_434 = arith.muli %scan3A_106, %mul3A_433 : i32
          %add3A_435 = arith.constant 14 : i32
          %add3A_436 = arith.addi %mul3A_434, %add3A_435 : i32
          %mul3A_437 = arith.constant 8 : i32
          %mul3A_438 = arith.muli %add3A_436, %mul3A_437 : i32
          %dma_start3A_439 = arith.constant 0 : i32
          %dma_start3A_440 = tpu.memref_slice %arg9[%mul3A_438, %dma_start3A_439] : memref<256x128xf32, #tpu.memory_space<vmem>> -> memref<8x128xf32, #tpu.memory_space<vmem>>
          %dma_start3A_441 = tpu.memref_slice %arg4[%multiple_of3A_432, %multiple_of3A_429] : memref<1000x100000xf32, #tpu.memory_space<hbm>> -> memref<8x128xf32, #tpu.memory_space<hbm>>
          %dma_start3A_442 = arith.constant 0 : i32
          %dma_start3A_443 = tpu.memref_slice %arg9[%mul3A_438, %dma_start3A_442] : memref<256x128xf32, #tpu.memory_space<vmem>> -> memref<8x128xf32, #tpu.memory_space<vmem>>
          %dma_start3A_444 = tpu.memref_slice %arg4[%multiple_of3A_432, %multiple_of3A_429] : memref<1000x100000xf32, #tpu.memory_space<hbm>> -> memref<8x128xf32, #tpu.memory_space<hbm>>
          tpu.enqueue_dma source(%dma_start3A_444 : memref<8x128xf32, #tpu.memory_space<hbm>>) target(%dma_start3A_443 : memref<8x128xf32, #tpu.memory_space<vmem>>) target_semaphore(%arg12 : memref<!tpu.dma_semaphore, #tpu.memory_space<semaphore_mem>>)
          %slice3A_445 = vector.extract_strided_slice %mul3A_144 {offsets = [15], sizes = [1], strides = [1]} : vector<16xi32> to vector<1xi32>
          %squeeze3A_446 = vector.extract %slice3A_445[0] : i32 from vector<1xi32>
          %multiple_of3A_447 = tpu.assume_multiple %squeeze3A_446, 128 : i32
          %slice3A_448 = vector.extract_strided_slice %mul3A_178 {offsets = [15], sizes = [1], strides = [1]} : vector<16xi32> to vector<1xi32>
          %squeeze3A_449 = vector.extract %slice3A_448[0] : i32 from vector<1xi32>
          %multiple_of3A_450 = tpu.assume_multiple %squeeze3A_449, 8 : i32
          %mul3A_451 = arith.constant 16 : i32
          %mul3A_452 = arith.muli %scan3A_106, %mul3A_451 : i32
          %add3A_453 = arith.constant 15 : i32
          %add3A_454 = arith.addi %mul3A_452, %add3A_453 : i32
          %mul3A_455 = arith.constant 8 : i32
          %mul3A_456 = arith.muli %add3A_454, %mul3A_455 : i32
          %dma_start3A_457 = arith.constant 0 : i32
          %dma_start3A_458 = tpu.memref_slice %arg9[%mul3A_456, %dma_start3A_457] : memref<256x128xf32, #tpu.memory_space<vmem>> -> memref<8x128xf32, #tpu.memory_space<vmem>>
          %dma_start3A_459 = tpu.memref_slice %arg4[%multiple_of3A_450, %multiple_of3A_447] : memref<1000x100000xf32, #tpu.memory_space<hbm>> -> memref<8x128xf32, #tpu.memory_space<hbm>>
          %dma_start3A_460 = arith.constant 0 : i32
          %dma_start3A_461 = tpu.memref_slice %arg9[%mul3A_456, %dma_start3A_460] : memref<256x128xf32, #tpu.memory_space<vmem>> -> memref<8x128xf32, #tpu.memory_space<vmem>>
          %dma_start3A_462 = tpu.memref_slice %arg4[%multiple_of3A_450, %multiple_of3A_447] : memref<1000x100000xf32, #tpu.memory_space<hbm>> -> memref<8x128xf32, #tpu.memory_space<hbm>>
          tpu.enqueue_dma source(%dma_start3A_462 : memref<8x128xf32, #tpu.memory_space<hbm>>) target(%dma_start3A_461 : memref<8x128xf32, #tpu.memory_space<vmem>>) target_semaphore(%arg12 : memref<!tpu.dma_semaphore, #tpu.memory_space<semaphore_mem>>)
        }
        %scan3A_50 = arith.constant 2 : i32
        %mul3A_51 = arith.constant 32 : i32
        %mul3A_52 = arith.muli %scan3A_26, %mul3A_51 : i32
        %dma_wait3A = arith.constant 0 : i32
        %dma_wait3A_53 = arith.constant 0 : i32
        %dma_wait3A_54 = tpu.memref_slice %arg4[%dma_wait3A, %dma_wait3A_53] : memref<1000x100000xf32, #tpu.memory_space<hbm>> -> memref<256x128xf32, #tpu.memory_space<hbm>>
        %dma_wait3A_55 = arith.constant 0 : i32
        %dma_wait3A_56 = arith.constant 0 : i32
        %dma_wait3A_57 = tpu.memref_slice %arg4[%dma_wait3A_55, %dma_wait3A_56] : memref<1000x100000xf32, #tpu.memory_space<hbm>> -> memref<256x128xf32, #tpu.memory_space<hbm>>
        tpu.wait_dma2 semaphore(%arg11 : memref<!tpu.dma_semaphore, #tpu.memory_space<semaphore_mem>>) src(%dma_wait3A_57 : memref<256x128xf32, #tpu.memory_space<hbm>>) dst(%arg8 : memref<256x128xf32, #tpu.memory_space<vmem>>)
        %scan3A_58 = arith.constant 0 : i32
        %scan3A_59 = arith.constant 0 : i32
        %mul3A_60 = arith.constant 16 : i32
        %mul3A_61 = arith.muli %scan3A_59, %mul3A_60 : i32
        %add3A_62 = arith.addi %mul3A_52, %mul3A_61 : i32
        %mul3A_63 = arith.constant 16 : i32
        %mul3A_64 = arith.muli %scan3A_59, %mul3A_63 : i32
        %add3A_65 = vector.broadcast %mul3A_64 : i32 to vector<16xi32>
        %add3A_66 = arith.addi %iota3A, %add3A_65 : vector<16xi32>
        %mul3A_67 = arith.constant 8 : i32
        %mul3A_68 = vector.broadcast %mul3A_67 : i32 to vector<16xi32>
        %mul3A_69 = arith.muli %add3A_66, %mul3A_68 : vector<16xi32>
        %get3A = arith.index_cast %add3A_62 : i32 to index
        %get3A_70 = tpu.vector_load %arg7[%get3A] {strides = array<i32>} : memref<512xi32, #tpu.memory_space<vmem>>, vector<16xi32>,
        %and3A = arith.constant 7 : i32
        %and3A_71 = vector.broadcast %and3A : i32 to vector<16xi32>
        %and3A_72 = arith.andi %get3A_70, %and3A_71 : vector<16xi32>
        %add3A_73 = arith.addi %mul3A_69, %and3A_72 : vector<16xi32>
        %get3A_74 = arith.index_cast %add3A_62 : i32 to index
        %get3A_75 = tpu.vector_load %arg6[%get3A_74] {strides = array<i32>} : memref<512xi32, #tpu.memory_space<vmem>>, vector<16xi32>,
        %and3A_76 = arith.constant 127 : i32
        %and3A_77 = vector.broadcast %and3A_76 : i32 to vector<16xi32>
        %and3A_78 = arith.andi %get3A_75, %and3A_77 : vector<16xi32>
        %gather3A = tpu.vector_load_idx %arg8[%add3A_73, %and3A_78] : memref<256x128xf32, #tpu.memory_space<vmem>>[vector<16xi32>, vector<16xi32>], vector<16xf32>,
        %swap3A = arith.index_cast %add3A_62 : i32 to index
        %swap3A_79 = tpu.vector_load %arg10[%swap3A] {strides = array<i32>} : memref<512xf32, #tpu.memory_space<vmem>>, vector<16xf32>,
        tpu.vector_store %arg10[%swap3A], %gather3A {strides = array<i32>} : memref<512xf32, #tpu.memory_space<vmem>>, vector<16xf32>,
        %scan3A_80 = arith.constant 1 : i32
        %mul3A_81 = arith.constant 16 : i32
        %mul3A_82 = arith.muli %scan3A_80, %mul3A_81 : i32
        %add3A_83 = arith.addi %mul3A_52, %mul3A_82 : i32
        %mul3A_84 = arith.constant 16 : i32
        %mul3A_85 = arith.muli %scan3A_80, %mul3A_84 : i32
        %add3A_86 = vector.broadcast %mul3A_85 : i32 to vector<16xi32>
        %add3A_87 = arith.addi %iota3A, %add3A_86 : vector<16xi32>
        %mul3A_88 = arith.constant 8 : i32
        %mul3A_89 = vector.broadcast %mul3A_88 : i32 to vector<16xi32>
        %mul3A_90 = arith.muli %add3A_87, %mul3A_89 : vector<16xi32>
        %get3A_91 = arith.index_cast %add3A_83 : i32 to index
        %get3A_92 = tpu.vector_load %arg7[%get3A_91] {strides = array<i32>} : memref<512xi32, #tpu.memory_space<vmem>>, vector<16xi32>,
        %and3A_93 = arith.constant 7 : i32
        %and3A_94 = vector.broadcast %and3A_93 : i32 to vector<16xi32>
        %and3A_95 = arith.andi %get3A_92, %and3A_94 : vector<16xi32>
        %add3A_96 = arith.addi %mul3A_90, %and3A_95 : vector<16xi32>
        %get3A_97 = arith.index_cast %add3A_83 : i32 to index
        %get3A_98 = tpu.vector_load %arg6[%get3A_97] {strides = array<i32>} : memref<512xi32, #tpu.memory_space<vmem>>, vector<16xi32>,
        %and3A_99 = arith.constant 127 : i32
        %and3A_100 = vector.broadcast %and3A_99 : i32 to vector<16xi32>
        %and3A_101 = arith.andi %get3A_98, %and3A_100 : vector<16xi32>
        %gather3A_102 = tpu.vector_load_idx %arg8[%add3A_96, %and3A_101] : memref<256x128xf32, #tpu.memory_space<vmem>>[vector<16xi32>, vector<16xi32>], vector<16xf32>,
        %swap3A_103 = arith.index_cast %add3A_83 : i32 to index
        %swap3A_104 = tpu.vector_load %arg10[%swap3A_103] {strides = array<i32>} : memref<512xf32, #tpu.memory_space<vmem>>, vector<16xf32>,
        tpu.vector_store %arg10[%swap3A_103], %gather3A_102 {strides = array<i32>} : memref<512xf32, #tpu.memory_space<vmem>>, vector<16xf32>,
        %scan3A_105 = arith.constant 2 : i32
      } else {
      }
      %rem3A_34 = arith.constant 2 : i32
      %rem3A_35 = arith.remsi %scan3A_26, %rem3A_34 : i32
      %eq3A_36 = arith.constant 1 : i32
      %eq3A_37 = arith.cmpi eq, %rem3A_35, %eq3A_36 : i32
      %convert_element_type3A_38 = arith.extui %eq3A_37 : i1 to i32
      %cond3A_39 = arith.constant 0 : i32
      %cond3A_40 = arith.cmpi ne, %convert_element_type3A_38, %cond3A_39 : i32
      scf.if %cond3A_40 {
        %add3A_41 = arith.constant 1 : i32
        %add3A_42 = arith.addi %scan3A_26, %add3A_41 : i32
        %mul3A_43 = arith.constant 32 : i32
        %mul3A_44 = arith.muli %add3A_42, %mul3A_43 : i32
        %scan3A_45 = arith.constant 0 : i32
        %scan3A_46 = arith.constant 0 : i32
        %scan3A_47 = arith.constant 2 : i32
        %scan3A_48 = arith.addi %scan3A_46, %scan3A_47 : i32
        %scan3A_49 = arith.constant 1 : i32
        scf.for %scan3A_106 = %scan3A_46 to %scan3A_48 step %scan3A_49  : i32 {
          %mul3A_107 = arith.constant 16 : i32
          %mul3A_108 = arith.muli %scan3A_106, %mul3A_107 : i32
          %add3A_109 = arith.addi %mul3A_44, %mul3A_108 : i32
          %get3A_110 = arith.index_cast %add3A_109 : i32 to index
          %get3A_111 = tpu.vector_load %arg6[%get3A_110] {strides = array<i32>} : memref<512xi32, #tpu.memory_space<vmem>>, vector<16xi32>,
          %mul3A_112 = arith.constant 16 : i32
          %mul3A_113 = arith.muli %scan3A_106, %mul3A_112 : i32
          %add3A_114 = arith.addi %mul3A_44, %mul3A_113 : i32
          %get3A_115 = arith.index_cast %add3A_114 : i32 to index
          %get3A_116 = tpu.vector_load %arg7[%get3A_115] {strides = array<i32>} : memref<512xi32, #tpu.memory_space<vmem>>, vector<16xi32>,
          %jit3A = arith.constant 128 : i32
          %div3A = vector.broadcast %jit3A : i32 to vector<16xi32>
          %div3A_117 = arith.divsi %get3A_111, %div3A : vector<16xi32>
          %sign3A = arith.constant 0 : i32
          %sign3A_118 = vector.broadcast %sign3A : i32 to vector<16xi32>
          %sign3A_119 = arith.cmpi sgt, %get3A_111, %sign3A_118 : vector<16xi32>
          %sign3A_120 = arith.extui %sign3A_119 : vector<16xi1> to vector<16xi32>
          %sign3A_121 = arith.constant 0 : i32
          %sign3A_122 = vector.broadcast %sign3A_121 : i32 to vector<16xi32>
          %sign3A_123 = arith.cmpi slt, %get3A_111, %sign3A_122 : vector<16xi32>
          %sign3A_124 = arith.extui %sign3A_123 : vector<16xi1> to vector<16xi32>
          %sign3A_125 = arith.subi %sign3A_120, %sign3A_124 : vector<16xi32>
          %sign3A_126 = arith.constant 0 : i32
          %sign3A_127 = arith.cmpi sgt, %jit3A, %sign3A_126 : i32
          %sign3A_128 = arith.extui %sign3A_127 : i1 to i32
          %sign3A_129 = arith.constant 0 : i32
          %sign3A_130 = arith.cmpi slt, %jit3A, %sign3A_129 : i32
          %sign3A_131 = arith.extui %sign3A_130 : i1 to i32
          %sign3A_132 = arith.subi %sign3A_128, %sign3A_131 : i32
          %ne3A = vector.broadcast %sign3A_132 : i32 to vector<16xi32>
          %ne3A_133 = arith.cmpi ne, %sign3A_125, %ne3A : vector<16xi32>
          %rem3A_134 = vector.broadcast %jit3A : i32 to vector<16xi32>
          %rem3A_135 = arith.remsi %get3A_111, %rem3A_134 : vector<16xi32>
          %ne3A_136 = arith.constant 0 : i32
          %ne3A_137 = vector.broadcast %ne3A_136 : i32 to vector<16xi32>
          %ne3A_138 = arith.cmpi ne, %rem3A_135, %ne3A_137 : vector<16xi32>
          %and3A_139 = arith.andi %ne3A_133, %ne3A_138 : vector<16xi1>
          %sub3A = arith.constant 1 : i32
          %sub3A_140 = vector.broadcast %sub3A : i32 to vector<16xi32>
          %sub3A_141 = arith.subi %div3A_117, %sub3A_140 : vector<16xi32>
          %select_n3A = arith.select %and3A_139, %sub3A_141, %div3A_117 : vector<16xi1>, vector<16xi32>
          %mul3A_142 = arith.constant 128 : i32
          %mul3A_143 = vector.broadcast %mul3A_142 : i32 to vector<16xi32>
          %mul3A_144 = arith.muli %select_n3A, %mul3A_143 : vector<16xi32>
          %jit3A_145 = arith.constant 8 : i32
          %div3A_146 = vector.broadcast %jit3A_145 : i32 to vector<16xi32>
          %div3A_147 = arith.divsi %get3A_116, %div3A_146 : vector<16xi32>
          %sign3A_148 = arith.constant 0 : i32
          %sign3A_149 = vector.broadcast %sign3A_148 : i32 to vector<16xi32>
          %sign3A_150 = arith.cmpi sgt, %get3A_116, %sign3A_149 : vector<16xi32>
          %sign3A_151 = arith.extui %sign3A_150 : vector<16xi1> to vector<16xi32>
          %sign3A_152 = arith.constant 0 : i32
          %sign3A_153 = vector.broadcast %sign3A_152 : i32 to vector<16xi32>
          %sign3A_154 = arith.cmpi slt, %get3A_116, %sign3A_153 : vector<16xi32>
          %sign3A_155 = arith.extui %sign3A_154 : vector<16xi1> to vector<16xi32>
          %sign3A_156 = arith.subi %sign3A_151, %sign3A_155 : vector<16xi32>
          %sign3A_157 = arith.constant 0 : i32
          %sign3A_158 = arith.cmpi sgt, %jit3A_145, %sign3A_157 : i32
          %sign3A_159 = arith.extui %sign3A_158 : i1 to i32
          %sign3A_160 = arith.constant 0 : i32
          %sign3A_161 = arith.cmpi slt, %jit3A_145, %sign3A_160 : i32
          %sign3A_162 = arith.extui %sign3A_161 : i1 to i32
          %sign3A_163 = arith.subi %sign3A_159, %sign3A_162 : i32
          %ne3A_164 = vector.broadcast %sign3A_163 : i32 to vector<16xi32>
          %ne3A_165 = arith.cmpi ne, %sign3A_156, %ne3A_164 : vector<16xi32>
          %rem3A_166 = vector.broadcast %jit3A_145 : i32 to vector<16xi32>
          %rem3A_167 = arith.remsi %get3A_116, %rem3A_166 : vector<16xi32>
          %ne3A_168 = arith.constant 0 : i32
          %ne3A_169 = vector.broadcast %ne3A_168 : i32 to vector<16xi32>
          %ne3A_170 = arith.cmpi ne, %rem3A_167, %ne3A_169 : vector<16xi32>
          %and3A_171 = arith.andi %ne3A_165, %ne3A_170 : vector<16xi1>
          %sub3A_172 = arith.constant 1 : i32
          %sub3A_173 = vector.broadcast %sub3A_172 : i32 to vector<16xi32>
          %sub3A_174 = arith.subi %div3A_147, %sub3A_173 : vector<16xi32>
          %select_n3A_175 = arith.select %and3A_171, %sub3A_174, %div3A_147 : vector<16xi1>, vector<16xi32>
          %mul3A_176 = arith.constant 8 : i32
          %mul3A_177 = vector.broadcast %mul3A_176 : i32 to vector<16xi32>
          %mul3A_178 = arith.muli %select_n3A_175, %mul3A_177 : vector<16xi32>
          %slice3A = vector.extract_strided_slice %mul3A_144 {offsets = [0], sizes = [1], strides = [1]} : vector<16xi32> to vector<1xi32>
          %squeeze3A = vector.extract %slice3A[0] : i32 from vector<1xi32>
          %multiple_of3A = tpu.assume_multiple %squeeze3A, 128 : i32
          %slice3A_179 = vector.extract_strided_slice %mul3A_178 {offsets = [0], sizes = [1], strides = [1]} : vector<16xi32> to vector<1xi32>
          %squeeze3A_180 = vector.extract %slice3A_179[0] : i32 from vector<1xi32>
          %multiple_of3A_181 = tpu.assume_multiple %squeeze3A_180, 8 : i32
          %mul3A_182 = arith.constant 16 : i32
          %mul3A_183 = arith.muli %scan3A_106, %mul3A_182 : i32
          %add3A_184 = arith.constant 0 : i32
          %add3A_185 = arith.addi %mul3A_183, %add3A_184 : i32
          %mul3A_186 = arith.constant 8 : i32
          %mul3A_187 = arith.muli %add3A_185, %mul3A_186 : i32
          %dma_start3A = arith.constant 0 : i32
          %dma_start3A_188 = tpu.memref_slice %arg8[%mul3A_187, %dma_start3A] : memref<256x128xf32, #tpu.memory_space<vmem>> -> memref<8x128xf32, #tpu.memory_space<vmem>>
          %dma_start3A_189 = tpu.memref_slice %arg4[%multiple_of3A_181, %multiple_of3A] : memref<1000x100000xf32, #tpu.memory_space<hbm>> -> memref<8x128xf32, #tpu.memory_space<hbm>>
          %dma_start3A_190 = arith.constant 0 : i32
          %dma_start3A_191 = tpu.memref_slice %arg8[%mul3A_187, %dma_start3A_190] : memref<256x128xf32, #tpu.memory_space<vmem>> -> memref<8x128xf32, #tpu.memory_space<vmem>>
          %dma_start3A_192 = tpu.memref_slice %arg4[%multiple_of3A_181, %multiple_of3A] : memref<1000x100000xf32, #tpu.memory_space<hbm>> -> memref<8x128xf32, #tpu.memory_space<hbm>>
          tpu.enqueue_dma source(%dma_start3A_192 : memref<8x128xf32, #tpu.memory_space<hbm>>) target(%dma_start3A_191 : memref<8x128xf32, #tpu.memory_space<vmem>>) target_semaphore(%arg11 : memref<!tpu.dma_semaphore, #tpu.memory_space<semaphore_mem>>)
          %slice3A_193 = vector.extract_strided_slice %mul3A_144 {offsets = [1], sizes = [1], strides = [1]} : vector<16xi32> to vector<1xi32>
          %squeeze3A_194 = vector.extract %slice3A_193[0] : i32 from vector<1xi32>
          %multiple_of3A_195 = tpu.assume_multiple %squeeze3A_194, 128 : i32
          %slice3A_196 = vector.extract_strided_slice %mul3A_178 {offsets = [1], sizes = [1], strides = [1]} : vector<16xi32> to vector<1xi32>
          %squeeze3A_197 = vector.extract %slice3A_196[0] : i32 from vector<1xi32>
          %multiple_of3A_198 = tpu.assume_multiple %squeeze3A_197, 8 : i32
          %mul3A_199 = arith.constant 16 : i32
          %mul3A_200 = arith.muli %scan3A_106, %mul3A_199 : i32
          %add3A_201 = arith.constant 1 : i32
          %add3A_202 = arith.addi %mul3A_200, %add3A_201 : i32
          %mul3A_203 = arith.constant 8 : i32
          %mul3A_204 = arith.muli %add3A_202, %mul3A_203 : i32
          %dma_start3A_205 = arith.constant 0 : i32
          %dma_start3A_206 = tpu.memref_slice %arg8[%mul3A_204, %dma_start3A_205] : memref<256x128xf32, #tpu.memory_space<vmem>> -> memref<8x128xf32, #tpu.memory_space<vmem>>
          %dma_start3A_207 = tpu.memref_slice %arg4[%multiple_of3A_198, %multiple_of3A_195] : memref<1000x100000xf32, #tpu.memory_space<hbm>> -> memref<8x128xf32, #tpu.memory_space<hbm>>
          %dma_start3A_208 = arith.constant 0 : i32
          %dma_start3A_209 = tpu.memref_slice %arg8[%mul3A_204, %dma_start3A_208] : memref<256x128xf32, #tpu.memory_space<vmem>> -> memref<8x128xf32, #tpu.memory_space<vmem>>
          %dma_start3A_210 = tpu.memref_slice %arg4[%multiple_of3A_198, %multiple_of3A_195] : memref<1000x100000xf32, #tpu.memory_space<hbm>> -> memref<8x128xf32, #tpu.memory_space<hbm>>
          tpu.enqueue_dma source(%dma_start3A_210 : memref<8x128xf32, #tpu.memory_space<hbm>>) target(%dma_start3A_209 : memref<8x128xf32, #tpu.memory_space<vmem>>) target_semaphore(%arg11 : memref<!tpu.dma_semaphore, #tpu.memory_space<semaphore_mem>>)
          %slice3A_211 = vector.extract_strided_slice %mul3A_144 {offsets = [2], sizes = [1], strides = [1]} : vector<16xi32> to vector<1xi32>
          %squeeze3A_212 = vector.extract %slice3A_211[0] : i32 from vector<1xi32>
          %multiple_of3A_213 = tpu.assume_multiple %squeeze3A_212, 128 : i32
          %slice3A_214 = vector.extract_strided_slice %mul3A_178 {offsets = [2], sizes = [1], strides = [1]} : vector<16xi32> to vector<1xi32>
          %squeeze3A_215 = vector.extract %slice3A_214[0] : i32 from vector<1xi32>
          %multiple_of3A_216 = tpu.assume_multiple %squeeze3A_215, 8 : i32
          %mul3A_217 = arith.constant 16 : i32
          %mul3A_218 = arith.muli %scan3A_106, %mul3A_217 : i32
          %add3A_219 = arith.constant 2 : i32
          %add3A_220 = arith.addi %mul3A_218, %add3A_219 : i32
          %mul3A_221 = arith.constant 8 : i32
          %mul3A_222 = arith.muli %add3A_220, %mul3A_221 : i32
          %dma_start3A_223 = arith.constant 0 : i32
          %dma_start3A_224 = tpu.memref_slice %arg8[%mul3A_222, %dma_start3A_223] : memref<256x128xf32, #tpu.memory_space<vmem>> -> memref<8x128xf32, #tpu.memory_space<vmem>>
          %dma_start3A_225 = tpu.memref_slice %arg4[%multiple_of3A_216, %multiple_of3A_213] : memref<1000x100000xf32, #tpu.memory_space<hbm>> -> memref<8x128xf32, #tpu.memory_space<hbm>>
          %dma_start3A_226 = arith.constant 0 : i32
          %dma_start3A_227 = tpu.memref_slice %arg8[%mul3A_222, %dma_start3A_226] : memref<256x128xf32, #tpu.memory_space<vmem>> -> memref<8x128xf32, #tpu.memory_space<vmem>>
          %dma_start3A_228 = tpu.memref_slice %arg4[%multiple_of3A_216, %multiple_of3A_213] : memref<1000x100000xf32, #tpu.memory_space<hbm>> -> memref<8x128xf32, #tpu.memory_space<hbm>>
          tpu.enqueue_dma source(%dma_start3A_228 : memref<8x128xf32, #tpu.memory_space<hbm>>) target(%dma_start3A_227 : memref<8x128xf32, #tpu.memory_space<vmem>>) target_semaphore(%arg11 : memref<!tpu.dma_semaphore, #tpu.memory_space<semaphore_mem>>)
          %slice3A_229 = vector.extract_strided_slice %mul3A_144 {offsets = [3], sizes = [1], strides = [1]} : vector<16xi32> to vector<1xi32>
          %squeeze3A_230 = vector.extract %slice3A_229[0] : i32 from vector<1xi32>
          %multiple_of3A_231 = tpu.assume_multiple %squeeze3A_230, 128 : i32
          %slice3A_232 = vector.extract_strided_slice %mul3A_178 {offsets = [3], sizes = [1], strides = [1]} : vector<16xi32> to vector<1xi32>
          %squeeze3A_233 = vector.extract %slice3A_232[0] : i32 from vector<1xi32>
          %multiple_of3A_234 = tpu.assume_multiple %squeeze3A_233, 8 : i32
          %mul3A_235 = arith.constant 16 : i32
          %mul3A_236 = arith.muli %scan3A_106, %mul3A_235 : i32
          %add3A_237 = arith.constant 3 : i32
          %add3A_238 = arith.addi %mul3A_236, %add3A_237 : i32
          %mul3A_239 = arith.constant 8 : i32
          %mul3A_240 = arith.muli %add3A_238, %mul3A_239 : i32
          %dma_start3A_241 = arith.constant 0 : i32
          %dma_start3A_242 = tpu.memref_slice %arg8[%mul3A_240, %dma_start3A_241] : memref<256x128xf32, #tpu.memory_space<vmem>> -> memref<8x128xf32, #tpu.memory_space<vmem>>
          %dma_start3A_243 = tpu.memref_slice %arg4[%multiple_of3A_234, %multiple_of3A_231] : memref<1000x100000xf32, #tpu.memory_space<hbm>> -> memref<8x128xf32, #tpu.memory_space<hbm>>
          %dma_start3A_244 = arith.constant 0 : i32
          %dma_start3A_245 = tpu.memref_slice %arg8[%mul3A_240, %dma_start3A_244] : memref<256x128xf32, #tpu.memory_space<vmem>> -> memref<8x128xf32, #tpu.memory_space<vmem>>
          %dma_start3A_246 = tpu.memref_slice %arg4[%multiple_of3A_234, %multiple_of3A_231] : memref<1000x100000xf32, #tpu.memory_space<hbm>> -> memref<8x128xf32, #tpu.memory_space<hbm>>
          tpu.enqueue_dma source(%dma_start3A_246 : memref<8x128xf32, #tpu.memory_space<hbm>>) target(%dma_start3A_245 : memref<8x128xf32, #tpu.memory_space<vmem>>) target_semaphore(%arg11 : memref<!tpu.dma_semaphore, #tpu.memory_space<semaphore_mem>>)
          %slice3A_247 = vector.extract_strided_slice %mul3A_144 {offsets = [4], sizes = [1], strides = [1]} : vector<16xi32> to vector<1xi32>
          %squeeze3A_248 = vector.extract %slice3A_247[0] : i32 from vector<1xi32>
          %multiple_of3A_249 = tpu.assume_multiple %squeeze3A_248, 128 : i32
          %slice3A_250 = vector.extract_strided_slice %mul3A_178 {offsets = [4], sizes = [1], strides = [1]} : vector<16xi32> to vector<1xi32>
          %squeeze3A_251 = vector.extract %slice3A_250[0] : i32 from vector<1xi32>
          %multiple_of3A_252 = tpu.assume_multiple %squeeze3A_251, 8 : i32
          %mul3A_253 = arith.constant 16 : i32
          %mul3A_254 = arith.muli %scan3A_106, %mul3A_253 : i32
          %add3A_255 = arith.constant 4 : i32
          %add3A_256 = arith.addi %mul3A_254, %add3A_255 : i32
          %mul3A_257 = arith.constant 8 : i32
          %mul3A_258 = arith.muli %add3A_256, %mul3A_257 : i32
          %dma_start3A_259 = arith.constant 0 : i32
          %dma_start3A_260 = tpu.memref_slice %arg8[%mul3A_258, %dma_start3A_259] : memref<256x128xf32, #tpu.memory_space<vmem>> -> memref<8x128xf32, #tpu.memory_space<vmem>>
          %dma_start3A_261 = tpu.memref_slice %arg4[%multiple_of3A_252, %multiple_of3A_249] : memref<1000x100000xf32, #tpu.memory_space<hbm>> -> memref<8x128xf32, #tpu.memory_space<hbm>>
          %dma_start3A_262 = arith.constant 0 : i32
          %dma_start3A_263 = tpu.memref_slice %arg8[%mul3A_258, %dma_start3A_262] : memref<256x128xf32, #tpu.memory_space<vmem>> -> memref<8x128xf32, #tpu.memory_space<vmem>>
          %dma_start3A_264 = tpu.memref_slice %arg4[%multiple_of3A_252, %multiple_of3A_249] : memref<1000x100000xf32, #tpu.memory_space<hbm>> -> memref<8x128xf32, #tpu.memory_space<hbm>>
          tpu.enqueue_dma source(%dma_start3A_264 : memref<8x128xf32, #tpu.memory_space<hbm>>) target(%dma_start3A_263 : memref<8x128xf32, #tpu.memory_space<vmem>>) target_semaphore(%arg11 : memref<!tpu.dma_semaphore, #tpu.memory_space<semaphore_mem>>)
          %slice3A_265 = vector.extract_strided_slice %mul3A_144 {offsets = [5], sizes = [1], strides = [1]} : vector<16xi32> to vector<1xi32>
          %squeeze3A_266 = vector.extract %slice3A_265[0] : i32 from vector<1xi32>
          %multiple_of3A_267 = tpu.assume_multiple %squeeze3A_266, 128 : i32
          %slice3A_268 = vector.extract_strided_slice %mul3A_178 {offsets = [5], sizes = [1], strides = [1]} : vector<16xi32> to vector<1xi32>
          %squeeze3A_269 = vector.extract %slice3A_268[0] : i32 from vector<1xi32>
          %multiple_of3A_270 = tpu.assume_multiple %squeeze3A_269, 8 : i32
          %mul3A_271 = arith.constant 16 : i32
          %mul3A_272 = arith.muli %scan3A_106, %mul3A_271 : i32
          %add3A_273 = arith.constant 5 : i32
          %add3A_274 = arith.addi %mul3A_272, %add3A_273 : i32
          %mul3A_275 = arith.constant 8 : i32
          %mul3A_276 = arith.muli %add3A_274, %mul3A_275 : i32
          %dma_start3A_277 = arith.constant 0 : i32
          %dma_start3A_278 = tpu.memref_slice %arg8[%mul3A_276, %dma_start3A_277] : memref<256x128xf32, #tpu.memory_space<vmem>> -> memref<8x128xf32, #tpu.memory_space<vmem>>
          %dma_start3A_279 = tpu.memref_slice %arg4[%multiple_of3A_270, %multiple_of3A_267] : memref<1000x100000xf32, #tpu.memory_space<hbm>> -> memref<8x128xf32, #tpu.memory_space<hbm>>
          %dma_start3A_280 = arith.constant 0 : i32
          %dma_start3A_281 = tpu.memref_slice %arg8[%mul3A_276, %dma_start3A_280] : memref<256x128xf32, #tpu.memory_space<vmem>> -> memref<8x128xf32, #tpu.memory_space<vmem>>
          %dma_start3A_282 = tpu.memref_slice %arg4[%multiple_of3A_270, %multiple_of3A_267] : memref<1000x100000xf32, #tpu.memory_space<hbm>> -> memref<8x128xf32, #tpu.memory_space<hbm>>
          tpu.enqueue_dma source(%dma_start3A_282 : memref<8x128xf32, #tpu.memory_space<hbm>>) target(%dma_start3A_281 : memref<8x128xf32, #tpu.memory_space<vmem>>) target_semaphore(%arg11 : memref<!tpu.dma_semaphore, #tpu.memory_space<semaphore_mem>>)
          %slice3A_283 = vector.extract_strided_slice %mul3A_144 {offsets = [6], sizes = [1], strides = [1]} : vector<16xi32> to vector<1xi32>
          %squeeze3A_284 = vector.extract %slice3A_283[0] : i32 from vector<1xi32>
          %multiple_of3A_285 = tpu.assume_multiple %squeeze3A_284, 128 : i32
          %slice3A_286 = vector.extract_strided_slice %mul3A_178 {offsets = [6], sizes = [1], strides = [1]} : vector<16xi32> to vector<1xi32>
          %squeeze3A_287 = vector.extract %slice3A_286[0] : i32 from vector<1xi32>
          %multiple_of3A_288 = tpu.assume_multiple %squeeze3A_287, 8 : i32
          %mul3A_289 = arith.constant 16 : i32
          %mul3A_290 = arith.muli %scan3A_106, %mul3A_289 : i32
          %add3A_291 = arith.constant 6 : i32
          %add3A_292 = arith.addi %mul3A_290, %add3A_291 : i32
          %mul3A_293 = arith.constant 8 : i32
          %mul3A_294 = arith.muli %add3A_292, %mul3A_293 : i32
          %dma_start3A_295 = arith.constant 0 : i32
          %dma_start3A_296 = tpu.memref_slice %arg8[%mul3A_294, %dma_start3A_295] : memref<256x128xf32, #tpu.memory_space<vmem>> -> memref<8x128xf32, #tpu.memory_space<vmem>>
          %dma_start3A_297 = tpu.memref_slice %arg4[%multiple_of3A_288, %multiple_of3A_285] : memref<1000x100000xf32, #tpu.memory_space<hbm>> -> memref<8x128xf32, #tpu.memory_space<hbm>>
          %dma_start3A_298 = arith.constant 0 : i32
          %dma_start3A_299 = tpu.memref_slice %arg8[%mul3A_294, %dma_start3A_298] : memref<256x128xf32, #tpu.memory_space<vmem>> -> memref<8x128xf32, #tpu.memory_space<vmem>>
          %dma_start3A_300 = tpu.memref_slice %arg4[%multiple_of3A_288, %multiple_of3A_285] : memref<1000x100000xf32, #tpu.memory_space<hbm>> -> memref<8x128xf32, #tpu.memory_space<hbm>>
          tpu.enqueue_dma source(%dma_start3A_300 : memref<8x128xf32, #tpu.memory_space<hbm>>) target(%dma_start3A_299 : memref<8x128xf32, #tpu.memory_space<vmem>>) target_semaphore(%arg11 : memref<!tpu.dma_semaphore, #tpu.memory_space<semaphore_mem>>)
          %slice3A_301 = vector.extract_strided_slice %mul3A_144 {offsets = [7], sizes = [1], strides = [1]} : vector<16xi32> to vector<1xi32>
          %squeeze3A_302 = vector.extract %slice3A_301[0] : i32 from vector<1xi32>
          %multiple_of3A_303 = tpu.assume_multiple %squeeze3A_302, 128 : i32
          %slice3A_304 = vector.extract_strided_slice %mul3A_178 {offsets = [7], sizes = [1], strides = [1]} : vector<16xi32> to vector<1xi32>
          %squeeze3A_305 = vector.extract %slice3A_304[0] : i32 from vector<1xi32>
          %multiple_of3A_306 = tpu.assume_multiple %squeeze3A_305, 8 : i32
          %mul3A_307 = arith.constant 16 : i32
          %mul3A_308 = arith.muli %scan3A_106, %mul3A_307 : i32
          %add3A_309 = arith.constant 7 : i32
          %add3A_310 = arith.addi %mul3A_308, %add3A_309 : i32
          %mul3A_311 = arith.constant 8 : i32
          %mul3A_312 = arith.muli %add3A_310, %mul3A_311 : i32
          %dma_start3A_313 = arith.constant 0 : i32
          %dma_start3A_314 = tpu.memref_slice %arg8[%mul3A_312, %dma_start3A_313] : memref<256x128xf32, #tpu.memory_space<vmem>> -> memref<8x128xf32, #tpu.memory_space<vmem>>
          %dma_start3A_315 = tpu.memref_slice %arg4[%multiple_of3A_306, %multiple_of3A_303] : memref<1000x100000xf32, #tpu.memory_space<hbm>> -> memref<8x128xf32, #tpu.memory_space<hbm>>
          %dma_start3A_316 = arith.constant 0 : i32
          %dma_start3A_317 = tpu.memref_slice %arg8[%mul3A_312, %dma_start3A_316] : memref<256x128xf32, #tpu.memory_space<vmem>> -> memref<8x128xf32, #tpu.memory_space<vmem>>
          %dma_start3A_318 = tpu.memref_slice %arg4[%multiple_of3A_306, %multiple_of3A_303] : memref<1000x100000xf32, #tpu.memory_space<hbm>> -> memref<8x128xf32, #tpu.memory_space<hbm>>
          tpu.enqueue_dma source(%dma_start3A_318 : memref<8x128xf32, #tpu.memory_space<hbm>>) target(%dma_start3A_317 : memref<8x128xf32, #tpu.memory_space<vmem>>) target_semaphore(%arg11 : memref<!tpu.dma_semaphore, #tpu.memory_space<semaphore_mem>>)
          %slice3A_319 = vector.extract_strided_slice %mul3A_144 {offsets = [8], sizes = [1], strides = [1]} : vector<16xi32> to vector<1xi32>
          %squeeze3A_320 = vector.extract %slice3A_319[0] : i32 from vector<1xi32>
          %multiple_of3A_321 = tpu.assume_multiple %squeeze3A_320, 128 : i32
          %slice3A_322 = vector.extract_strided_slice %mul3A_178 {offsets = [8], sizes = [1], strides = [1]} : vector<16xi32> to vector<1xi32>
          %squeeze3A_323 = vector.extract %slice3A_322[0] : i32 from vector<1xi32>
          %multiple_of3A_324 = tpu.assume_multiple %squeeze3A_323, 8 : i32
          %mul3A_325 = arith.constant 16 : i32
          %mul3A_326 = arith.muli %scan3A_106, %mul3A_325 : i32
          %add3A_327 = arith.constant 8 : i32
          %add3A_328 = arith.addi %mul3A_326, %add3A_327 : i32
          %mul3A_329 = arith.constant 8 : i32
          %mul3A_330 = arith.muli %add3A_328, %mul3A_329 : i32
          %dma_start3A_331 = arith.constant 0 : i32
          %dma_start3A_332 = tpu.memref_slice %arg8[%mul3A_330, %dma_start3A_331] : memref<256x128xf32, #tpu.memory_space<vmem>> -> memref<8x128xf32, #tpu.memory_space<vmem>>
          %dma_start3A_333 = tpu.memref_slice %arg4[%multiple_of3A_324, %multiple_of3A_321] : memref<1000x100000xf32, #tpu.memory_space<hbm>> -> memref<8x128xf32, #tpu.memory_space<hbm>>
          %dma_start3A_334 = arith.constant 0 : i32
          %dma_start3A_335 = tpu.memref_slice %arg8[%mul3A_330, %dma_start3A_334] : memref<256x128xf32, #tpu.memory_space<vmem>> -> memref<8x128xf32, #tpu.memory_space<vmem>>
          %dma_start3A_336 = tpu.memref_slice %arg4[%multiple_of3A_324, %multiple_of3A_321] : memref<1000x100000xf32, #tpu.memory_space<hbm>> -> memref<8x128xf32, #tpu.memory_space<hbm>>
          tpu.enqueue_dma source(%dma_start3A_336 : memref<8x128xf32, #tpu.memory_space<hbm>>) target(%dma_start3A_335 : memref<8x128xf32, #tpu.memory_space<vmem>>) target_semaphore(%arg11 : memref<!tpu.dma_semaphore, #tpu.memory_space<semaphore_mem>>)
          %slice3A_337 = vector.extract_strided_slice %mul3A_144 {offsets = [9], sizes = [1], strides = [1]} : vector<16xi32> to vector<1xi32>
          %squeeze3A_338 = vector.extract %slice3A_337[0] : i32 from vector<1xi32>
          %multiple_of3A_339 = tpu.assume_multiple %squeeze3A_338, 128 : i32
          %slice3A_340 = vector.extract_strided_slice %mul3A_178 {offsets = [9], sizes = [1], strides = [1]} : vector<16xi32> to vector<1xi32>
          %squeeze3A_341 = vector.extract %slice3A_340[0] : i32 from vector<1xi32>
          %multiple_of3A_342 = tpu.assume_multiple %squeeze3A_341, 8 : i32
          %mul3A_343 = arith.constant 16 : i32
          %mul3A_344 = arith.muli %scan3A_106, %mul3A_343 : i32
          %add3A_345 = arith.constant 9 : i32
          %add3A_346 = arith.addi %mul3A_344, %add3A_345 : i32
          %mul3A_347 = arith.constant 8 : i32
          %mul3A_348 = arith.muli %add3A_346, %mul3A_347 : i32
          %dma_start3A_349 = arith.constant 0 : i32
          %dma_start3A_350 = tpu.memref_slice %arg8[%mul3A_348, %dma_start3A_349] : memref<256x128xf32, #tpu.memory_space<vmem>> -> memref<8x128xf32, #tpu.memory_space<vmem>>
          %dma_start3A_351 = tpu.memref_slice %arg4[%multiple_of3A_342, %multiple_of3A_339] : memref<1000x100000xf32, #tpu.memory_space<hbm>> -> memref<8x128xf32, #tpu.memory_space<hbm>>
          %dma_start3A_352 = arith.constant 0 : i32
          %dma_start3A_353 = tpu.memref_slice %arg8[%mul3A_348, %dma_start3A_352] : memref<256x128xf32, #tpu.memory_space<vmem>> -> memref<8x128xf32, #tpu.memory_space<vmem>>
          %dma_start3A_354 = tpu.memref_slice %arg4[%multiple_of3A_342, %multiple_of3A_339] : memref<1000x100000xf32, #tpu.memory_space<hbm>> -> memref<8x128xf32, #tpu.memory_space<hbm>>
          tpu.enqueue_dma source(%dma_start3A_354 : memref<8x128xf32, #tpu.memory_space<hbm>>) target(%dma_start3A_353 : memref<8x128xf32, #tpu.memory_space<vmem>>) target_semaphore(%arg11 : memref<!tpu.dma_semaphore, #tpu.memory_space<semaphore_mem>>)
          %slice3A_355 = vector.extract_strided_slice %mul3A_144 {offsets = [10], sizes = [1], strides = [1]} : vector<16xi32> to vector<1xi32>
          %squeeze3A_356 = vector.extract %slice3A_355[0] : i32 from vector<1xi32>
          %multiple_of3A_357 = tpu.assume_multiple %squeeze3A_356, 128 : i32
          %slice3A_358 = vector.extract_strided_slice %mul3A_178 {offsets = [10], sizes = [1], strides = [1]} : vector<16xi32> to vector<1xi32>
          %squeeze3A_359 = vector.extract %slice3A_358[0] : i32 from vector<1xi32>
          %multiple_of3A_360 = tpu.assume_multiple %squeeze3A_359, 8 : i32
          %mul3A_361 = arith.constant 16 : i32
          %mul3A_362 = arith.muli %scan3A_106, %mul3A_361 : i32
          %add3A_363 = arith.constant 10 : i32
          %add3A_364 = arith.addi %mul3A_362, %add3A_363 : i32
          %mul3A_365 = arith.constant 8 : i32
          %mul3A_366 = arith.muli %add3A_364, %mul3A_365 : i32
          %dma_start3A_367 = arith.constant 0 : i32
          %dma_start3A_368 = tpu.memref_slice %arg8[%mul3A_366, %dma_start3A_367] : memref<256x128xf32, #tpu.memory_space<vmem>> -> memref<8x128xf32, #tpu.memory_space<vmem>>
          %dma_start3A_369 = tpu.memref_slice %arg4[%multiple_of3A_360, %multiple_of3A_357] : memref<1000x100000xf32, #tpu.memory_space<hbm>> -> memref<8x128xf32, #tpu.memory_space<hbm>>
          %dma_start3A_370 = arith.constant 0 : i32
          %dma_start3A_371 = tpu.memref_slice %arg8[%mul3A_366, %dma_start3A_370] : memref<256x128xf32, #tpu.memory_space<vmem>> -> memref<8x128xf32, #tpu.memory_space<vmem>>
          %dma_start3A_372 = tpu.memref_slice %arg4[%multiple_of3A_360, %multiple_of3A_357] : memref<1000x100000xf32, #tpu.memory_space<hbm>> -> memref<8x128xf32, #tpu.memory_space<hbm>>
          tpu.enqueue_dma source(%dma_start3A_372 : memref<8x128xf32, #tpu.memory_space<hbm>>) target(%dma_start3A_371 : memref<8x128xf32, #tpu.memory_space<vmem>>) target_semaphore(%arg11 : memref<!tpu.dma_semaphore, #tpu.memory_space<semaphore_mem>>)
          %slice3A_373 = vector.extract_strided_slice %mul3A_144 {offsets = [11], sizes = [1], strides = [1]} : vector<16xi32> to vector<1xi32>
          %squeeze3A_374 = vector.extract %slice3A_373[0] : i32 from vector<1xi32>
          %multiple_of3A_375 = tpu.assume_multiple %squeeze3A_374, 128 : i32
          %slice3A_376 = vector.extract_strided_slice %mul3A_178 {offsets = [11], sizes = [1], strides = [1]} : vector<16xi32> to vector<1xi32>
          %squeeze3A_377 = vector.extract %slice3A_376[0] : i32 from vector<1xi32>
          %multiple_of3A_378 = tpu.assume_multiple %squeeze3A_377, 8 : i32
          %mul3A_379 = arith.constant 16 : i32
          %mul3A_380 = arith.muli %scan3A_106, %mul3A_379 : i32
          %add3A_381 = arith.constant 11 : i32
          %add3A_382 = arith.addi %mul3A_380, %add3A_381 : i32
          %mul3A_383 = arith.constant 8 : i32
          %mul3A_384 = arith.muli %add3A_382, %mul3A_383 : i32
          %dma_start3A_385 = arith.constant 0 : i32
          %dma_start3A_386 = tpu.memref_slice %arg8[%mul3A_384, %dma_start3A_385] : memref<256x128xf32, #tpu.memory_space<vmem>> -> memref<8x128xf32, #tpu.memory_space<vmem>>
          %dma_start3A_387 = tpu.memref_slice %arg4[%multiple_of3A_378, %multiple_of3A_375] : memref<1000x100000xf32, #tpu.memory_space<hbm>> -> memref<8x128xf32, #tpu.memory_space<hbm>>
          %dma_start3A_388 = arith.constant 0 : i32
          %dma_start3A_389 = tpu.memref_slice %arg8[%mul3A_384, %dma_start3A_388] : memref<256x128xf32, #tpu.memory_space<vmem>> -> memref<8x128xf32, #tpu.memory_space<vmem>>
          %dma_start3A_390 = tpu.memref_slice %arg4[%multiple_of3A_378, %multiple_of3A_375] : memref<1000x100000xf32, #tpu.memory_space<hbm>> -> memref<8x128xf32, #tpu.memory_space<hbm>>
          tpu.enqueue_dma source(%dma_start3A_390 : memref<8x128xf32, #tpu.memory_space<hbm>>) target(%dma_start3A_389 : memref<8x128xf32, #tpu.memory_space<vmem>>) target_semaphore(%arg11 : memref<!tpu.dma_semaphore, #tpu.memory_space<semaphore_mem>>)
          %slice3A_391 = vector.extract_strided_slice %mul3A_144 {offsets = [12], sizes = [1], strides = [1]} : vector<16xi32> to vector<1xi32>
          %squeeze3A_392 = vector.extract %slice3A_391[0] : i32 from vector<1xi32>
          %multiple_of3A_393 = tpu.assume_multiple %squeeze3A_392, 128 : i32
          %slice3A_394 = vector.extract_strided_slice %mul3A_178 {offsets = [12], sizes = [1], strides = [1]} : vector<16xi32> to vector<1xi32>
          %squeeze3A_395 = vector.extract %slice3A_394[0] : i32 from vector<1xi32>
          %multiple_of3A_396 = tpu.assume_multiple %squeeze3A_395, 8 : i32
          %mul3A_397 = arith.constant 16 : i32
          %mul3A_398 = arith.muli %scan3A_106, %mul3A_397 : i32
          %add3A_399 = arith.constant 12 : i32
          %add3A_400 = arith.addi %mul3A_398, %add3A_399 : i32
          %mul3A_401 = arith.constant 8 : i32
          %mul3A_402 = arith.muli %add3A_400, %mul3A_401 : i32
          %dma_start3A_403 = arith.constant 0 : i32
          %dma_start3A_404 = tpu.memref_slice %arg8[%mul3A_402, %dma_start3A_403] : memref<256x128xf32, #tpu.memory_space<vmem>> -> memref<8x128xf32, #tpu.memory_space<vmem>>
          %dma_start3A_405 = tpu.memref_slice %arg4[%multiple_of3A_396, %multiple_of3A_393] : memref<1000x100000xf32, #tpu.memory_space<hbm>> -> memref<8x128xf32, #tpu.memory_space<hbm>>
          %dma_start3A_406 = arith.constant 0 : i32
          %dma_start3A_407 = tpu.memref_slice %arg8[%mul3A_402, %dma_start3A_406] : memref<256x128xf32, #tpu.memory_space<vmem>> -> memref<8x128xf32, #tpu.memory_space<vmem>>
          %dma_start3A_408 = tpu.memref_slice %arg4[%multiple_of3A_396, %multiple_of3A_393] : memref<1000x100000xf32, #tpu.memory_space<hbm>> -> memref<8x128xf32, #tpu.memory_space<hbm>>
          tpu.enqueue_dma source(%dma_start3A_408 : memref<8x128xf32, #tpu.memory_space<hbm>>) target(%dma_start3A_407 : memref<8x128xf32, #tpu.memory_space<vmem>>) target_semaphore(%arg11 : memref<!tpu.dma_semaphore, #tpu.memory_space<semaphore_mem>>)
          %slice3A_409 = vector.extract_strided_slice %mul3A_144 {offsets = [13], sizes = [1], strides = [1]} : vector<16xi32> to vector<1xi32>
          %squeeze3A_410 = vector.extract %slice3A_409[0] : i32 from vector<1xi32>
          %multiple_of3A_411 = tpu.assume_multiple %squeeze3A_410, 128 : i32
          %slice3A_412 = vector.extract_strided_slice %mul3A_178 {offsets = [13], sizes = [1], strides = [1]} : vector<16xi32> to vector<1xi32>
          %squeeze3A_413 = vector.extract %slice3A_412[0] : i32 from vector<1xi32>
          %multiple_of3A_414 = tpu.assume_multiple %squeeze3A_413, 8 : i32
          %mul3A_415 = arith.constant 16 : i32
          %mul3A_416 = arith.muli %scan3A_106, %mul3A_415 : i32
          %add3A_417 = arith.constant 13 : i32
          %add3A_418 = arith.addi %mul3A_416, %add3A_417 : i32
          %mul3A_419 = arith.constant 8 : i32
          %mul3A_420 = arith.muli %add3A_418, %mul3A_419 : i32
          %dma_start3A_421 = arith.constant 0 : i32
          %dma_start3A_422 = tpu.memref_slice %arg8[%mul3A_420, %dma_start3A_421] : memref<256x128xf32, #tpu.memory_space<vmem>> -> memref<8x128xf32, #tpu.memory_space<vmem>>
          %dma_start3A_423 = tpu.memref_slice %arg4[%multiple_of3A_414, %multiple_of3A_411] : memref<1000x100000xf32, #tpu.memory_space<hbm>> -> memref<8x128xf32, #tpu.memory_space<hbm>>
          %dma_start3A_424 = arith.constant 0 : i32
          %dma_start3A_425 = tpu.memref_slice %arg8[%mul3A_420, %dma_start3A_424] : memref<256x128xf32, #tpu.memory_space<vmem>> -> memref<8x128xf32, #tpu.memory_space<vmem>>
          %dma_start3A_426 = tpu.memref_slice %arg4[%multiple_of3A_414, %multiple_of3A_411] : memref<1000x100000xf32, #tpu.memory_space<hbm>> -> memref<8x128xf32, #tpu.memory_space<hbm>>
          tpu.enqueue_dma source(%dma_start3A_426 : memref<8x128xf32, #tpu.memory_space<hbm>>) target(%dma_start3A_425 : memref<8x128xf32, #tpu.memory_space<vmem>>) target_semaphore(%arg11 : memref<!tpu.dma_semaphore, #tpu.memory_space<semaphore_mem>>)
          %slice3A_427 = vector.extract_strided_slice %mul3A_144 {offsets = [14], sizes = [1], strides = [1]} : vector<16xi32> to vector<1xi32>
          %squeeze3A_428 = vector.extract %slice3A_427[0] : i32 from vector<1xi32>
          %multiple_of3A_429 = tpu.assume_multiple %squeeze3A_428, 128 : i32
          %slice3A_430 = vector.extract_strided_slice %mul3A_178 {offsets = [14], sizes = [1], strides = [1]} : vector<16xi32> to vector<1xi32>
          %squeeze3A_431 = vector.extract %slice3A_430[0] : i32 from vector<1xi32>
          %multiple_of3A_432 = tpu.assume_multiple %squeeze3A_431, 8 : i32
          %mul3A_433 = arith.constant 16 : i32
          %mul3A_434 = arith.muli %scan3A_106, %mul3A_433 : i32
          %add3A_435 = arith.constant 14 : i32
          %add3A_436 = arith.addi %mul3A_434, %add3A_435 : i32
          %mul3A_437 = arith.constant 8 : i32
          %mul3A_438 = arith.muli %add3A_436, %mul3A_437 : i32
          %dma_start3A_439 = arith.constant 0 : i32
          %dma_start3A_440 = tpu.memref_slice %arg8[%mul3A_438, %dma_start3A_439] : memref<256x128xf32, #tpu.memory_space<vmem>> -> memref<8x128xf32, #tpu.memory_space<vmem>>
          %dma_start3A_441 = tpu.memref_slice %arg4[%multiple_of3A_432, %multiple_of3A_429] : memref<1000x100000xf32, #tpu.memory_space<hbm>> -> memref<8x128xf32, #tpu.memory_space<hbm>>
          %dma_start3A_442 = arith.constant 0 : i32
          %dma_start3A_443 = tpu.memref_slice %arg8[%mul3A_438, %dma_start3A_442] : memref<256x128xf32, #tpu.memory_space<vmem>> -> memref<8x128xf32, #tpu.memory_space<vmem>>
          %dma_start3A_444 = tpu.memref_slice %arg4[%multiple_of3A_432, %multiple_of3A_429] : memref<1000x100000xf32, #tpu.memory_space<hbm>> -> memref<8x128xf32, #tpu.memory_space<hbm>>
          tpu.enqueue_dma source(%dma_start3A_444 : memref<8x128xf32, #tpu.memory_space<hbm>>) target(%dma_start3A_443 : memref<8x128xf32, #tpu.memory_space<vmem>>) target_semaphore(%arg11 : memref<!tpu.dma_semaphore, #tpu.memory_space<semaphore_mem>>)
          %slice3A_445 = vector.extract_strided_slice %mul3A_144 {offsets = [15], sizes = [1], strides = [1]} : vector<16xi32> to vector<1xi32>
          %squeeze3A_446 = vector.extract %slice3A_445[0] : i32 from vector<1xi32>
          %multiple_of3A_447 = tpu.assume_multiple %squeeze3A_446, 128 : i32
          %slice3A_448 = vector.extract_strided_slice %mul3A_178 {offsets = [15], sizes = [1], strides = [1]} : vector<16xi32> to vector<1xi32>
          %squeeze3A_449 = vector.extract %slice3A_448[0] : i32 from vector<1xi32>
          %multiple_of3A_450 = tpu.assume_multiple %squeeze3A_449, 8 : i32
          %mul3A_451 = arith.constant 16 : i32
          %mul3A_452 = arith.muli %scan3A_106, %mul3A_451 : i32
          %add3A_453 = arith.constant 15 : i32
          %add3A_454 = arith.addi %mul3A_452, %add3A_453 : i32
          %mul3A_455 = arith.constant 8 : i32
          %mul3A_456 = arith.muli %add3A_454, %mul3A_455 : i32
          %dma_start3A_457 = arith.constant 0 : i32
          %dma_start3A_458 = tpu.memref_slice %arg8[%mul3A_456, %dma_start3A_457] : memref<256x128xf32, #tpu.memory_space<vmem>> -> memref<8x128xf32, #tpu.memory_space<vmem>>
          %dma_start3A_459 = tpu.memref_slice %arg4[%multiple_of3A_450, %multiple_of3A_447] : memref<1000x100000xf32, #tpu.memory_space<hbm>> -> memref<8x128xf32, #tpu.memory_space<hbm>>
          %dma_start3A_460 = arith.constant 0 : i32
          %dma_start3A_461 = tpu.memref_slice %arg8[%mul3A_456, %dma_start3A_460] : memref<256x128xf32, #tpu.memory_space<vmem>> -> memref<8x128xf32, #tpu.memory_space<vmem>>
          %dma_start3A_462 = tpu.memref_slice %arg4[%multiple_of3A_450, %multiple_of3A_447] : memref<1000x100000xf32, #tpu.memory_space<hbm>> -> memref<8x128xf32, #tpu.memory_space<hbm>>
          tpu.enqueue_dma source(%dma_start3A_462 : memref<8x128xf32, #tpu.memory_space<hbm>>) target(%dma_start3A_461 : memref<8x128xf32, #tpu.memory_space<vmem>>) target_semaphore(%arg11 : memref<!tpu.dma_semaphore, #tpu.memory_space<semaphore_mem>>)
        }
        %scan3A_50 = arith.constant 2 : i32
        %mul3A_51 = arith.constant 32 : i32
        %mul3A_52 = arith.muli %scan3A_26, %mul3A_51 : i32
        %dma_wait3A = arith.constant 0 : i32
        %dma_wait3A_53 = arith.constant 0 : i32
        %dma_wait3A_54 = tpu.memref_slice %arg4[%dma_wait3A, %dma_wait3A_53] : memref<1000x100000xf32, #tpu.memory_space<hbm>> -> memref<256x128xf32, #tpu.memory_space<hbm>>
        %dma_wait3A_55 = arith.constant 0 : i32
        %dma_wait3A_56 = arith.constant 0 : i32
        %dma_wait3A_57 = tpu.memref_slice %arg4[%dma_wait3A_55, %dma_wait3A_56] : memref<1000x100000xf32, #tpu.memory_space<hbm>> -> memref<256x128xf32, #tpu.memory_space<hbm>>
        tpu.wait_dma2 semaphore(%arg12 : memref<!tpu.dma_semaphore, #tpu.memory_space<semaphore_mem>>) src(%dma_wait3A_57 : memref<256x128xf32, #tpu.memory_space<hbm>>) dst(%arg9 : memref<256x128xf32, #tpu.memory_space<vmem>>)
        %scan3A_58 = arith.constant 0 : i32
        %scan3A_59 = arith.constant 0 : i32
        %mul3A_60 = arith.constant 16 : i32
        %mul3A_61 = arith.muli %scan3A_59, %mul3A_60 : i32
        %add3A_62 = arith.addi %mul3A_52, %mul3A_61 : i32
        %mul3A_63 = arith.constant 16 : i32
        %mul3A_64 = arith.muli %scan3A_59, %mul3A_63 : i32
        %add3A_65 = vector.broadcast %mul3A_64 : i32 to vector<16xi32>
        %add3A_66 = arith.addi %iota3A, %add3A_65 : vector<16xi32>
        %mul3A_67 = arith.constant 8 : i32
        %mul3A_68 = vector.broadcast %mul3A_67 : i32 to vector<16xi32>
        %mul3A_69 = arith.muli %add3A_66, %mul3A_68 : vector<16xi32>
        %get3A = arith.index_cast %add3A_62 : i32 to index
        %get3A_70 = tpu.vector_load %arg7[%get3A] {strides = array<i32>} : memref<512xi32, #tpu.memory_space<vmem>>, vector<16xi32>,
        %and3A = arith.constant 7 : i32
        %and3A_71 = vector.broadcast %and3A : i32 to vector<16xi32>
        %and3A_72 = arith.andi %get3A_70, %and3A_71 : vector<16xi32>
        %add3A_73 = arith.addi %mul3A_69, %and3A_72 : vector<16xi32>
        %get3A_74 = arith.index_cast %add3A_62 : i32 to index
        %get3A_75 = tpu.vector_load %arg6[%get3A_74] {strides = array<i32>} : memref<512xi32, #tpu.memory_space<vmem>>, vector<16xi32>,
        %and3A_76 = arith.constant 127 : i32
        %and3A_77 = vector.broadcast %and3A_76 : i32 to vector<16xi32>
        %and3A_78 = arith.andi %get3A_75, %and3A_77 : vector<16xi32>
        %gather3A = tpu.vector_load_idx %arg9[%add3A_73, %and3A_78] : memref<256x128xf32, #tpu.memory_space<vmem>>[vector<16xi32>, vector<16xi32>], vector<16xf32>,
        %swap3A = arith.index_cast %add3A_62 : i32 to index
        %swap3A_79 = tpu.vector_load %arg10[%swap3A] {strides = array<i32>} : memref<512xf32, #tpu.memory_space<vmem>>, vector<16xf32>,
        tpu.vector_store %arg10[%swap3A], %gather3A {strides = array<i32>} : memref<512xf32, #tpu.memory_space<vmem>>, vector<16xf32>,
        %scan3A_80 = arith.constant 1 : i32
        %mul3A_81 = arith.constant 16 : i32
        %mul3A_82 = arith.muli %scan3A_80, %mul3A_81 : i32
        %add3A_83 = arith.addi %mul3A_52, %mul3A_82 : i32
        %mul3A_84 = arith.constant 16 : i32
        %mul3A_85 = arith.muli %scan3A_80, %mul3A_84 : i32
        %add3A_86 = vector.broadcast %mul3A_85 : i32 to vector<16xi32>
        %add3A_87 = arith.addi %iota3A, %add3A_86 : vector<16xi32>
        %mul3A_88 = arith.constant 8 : i32
        %mul3A_89 = vector.broadcast %mul3A_88 : i32 to vector<16xi32>
        %mul3A_90 = arith.muli %add3A_87, %mul3A_89 : vector<16xi32>
        %get3A_91 = arith.index_cast %add3A_83 : i32 to index
        %get3A_92 = tpu.vector_load %arg7[%get3A_91] {strides = array<i32>} : memref<512xi32, #tpu.memory_space<vmem>>, vector<16xi32>,
        %and3A_93 = arith.constant 7 : i32
        %and3A_94 = vector.broadcast %and3A_93 : i32 to vector<16xi32>
        %and3A_95 = arith.andi %get3A_92, %and3A_94 : vector<16xi32>
        %add3A_96 = arith.addi %mul3A_90, %and3A_95 : vector<16xi32>
        %get3A_97 = arith.index_cast %add3A_83 : i32 to index
        %get3A_98 = tpu.vector_load %arg6[%get3A_97] {strides = array<i32>} : memref<512xi32, #tpu.memory_space<vmem>>, vector<16xi32>,
        %and3A_99 = arith.constant 127 : i32
        %and3A_100 = vector.broadcast %and3A_99 : i32 to vector<16xi32>
        %and3A_101 = arith.andi %get3A_98, %and3A_100 : vector<16xi32>
        %gather3A_102 = tpu.vector_load_idx %arg9[%add3A_96, %and3A_101] : memref<256x128xf32, #tpu.memory_space<vmem>>[vector<16xi32>, vector<16xi32>], vector<16xf32>,
        %swap3A_103 = arith.index_cast %add3A_83 : i32 to index
        %swap3A_104 = tpu.vector_load %arg10[%swap3A_103] {strides = array<i32>} : memref<512xf32, #tpu.memory_space<vmem>>, vector<16xf32>,
        tpu.vector_store %arg10[%swap3A_103], %gather3A_102 {strides = array<i32>} : memref<512xf32, #tpu.memory_space<vmem>>, vector<16xf32>,
        %scan3A_105 = arith.constant 2 : i32
      } else {
      }
    }
    %scan3A_13 = arith.constant 15 : i32
    %rem3A = arith.constant 15 : i32
    %rem3A_14 = arith.constant 2 : i32
    %rem3A_15 = arith.remsi %rem3A, %rem3A_14 : i32
    %eq3A = arith.constant 0 : i32
    %eq3A_16 = arith.cmpi eq, %rem3A_15, %eq3A : i32
    %convert_element_type3A = arith.extui %eq3A_16 : i1 to i32
    %cond3A = arith.constant 0 : i32
    %cond3A_17 = arith.cmpi ne, %convert_element_type3A, %cond3A : i32
    scf.if %cond3A_17 {
      %dma_wait3A = arith.constant 0 : i32
      %dma_wait3A_26 = arith.constant 0 : i32
      %dma_wait3A_27 = tpu.memref_slice %arg4[%dma_wait3A, %dma_wait3A_26] : memref<1000x100000xf32, #tpu.memory_space<hbm>> -> memref<256x128xf32, #tpu.memory_space<hbm>>
      %dma_wait3A_28 = arith.constant 0 : i32
      %dma_wait3A_29 = arith.constant 0 : i32
      %dma_wait3A_30 = tpu.memref_slice %arg4[%dma_wait3A_28, %dma_wait3A_29] : memref<1000x100000xf32, #tpu.memory_space<hbm>> -> memref<256x128xf32, #tpu.memory_space<hbm>>
      tpu.wait_dma2 semaphore(%arg11 : memref<!tpu.dma_semaphore, #tpu.memory_space<semaphore_mem>>) src(%dma_wait3A_30 : memref<256x128xf32, #tpu.memory_space<hbm>>) dst(%arg8 : memref<256x128xf32, #tpu.memory_space<vmem>>)
      %scan3A_31 = arith.constant 0 : i32
      %scan3A_32 = arith.constant 0 : i32
      %mul3A_33 = arith.constant 16 : i32
      %mul3A_34 = arith.muli %scan3A_32, %mul3A_33 : i32
      %add3A_35 = arith.constant 480 : i32
      %add3A_36 = arith.addi %add3A_35, %mul3A_34 : i32
      %mul3A_37 = arith.constant 16 : i32
      %mul3A_38 = arith.muli %scan3A_32, %mul3A_37 : i32
      %add3A_39 = vector.broadcast %mul3A_38 : i32 to vector<16xi32>
      %add3A_40 = arith.addi %iota3A, %add3A_39 : vector<16xi32>
      %mul3A_41 = arith.constant 8 : i32
      %mul3A_42 = vector.broadcast %mul3A_41 : i32 to vector<16xi32>
      %mul3A_43 = arith.muli %add3A_40, %mul3A_42 : vector<16xi32>
      %get3A = arith.index_cast %add3A_36 : i32 to index
      %get3A_44 = tpu.vector_load %arg7[%get3A] {strides = array<i32>} : memref<512xi32, #tpu.memory_space<vmem>>, vector<16xi32>,
      %and3A = arith.constant 7 : i32
      %and3A_45 = vector.broadcast %and3A : i32 to vector<16xi32>
      %and3A_46 = arith.andi %get3A_44, %and3A_45 : vector<16xi32>
      %add3A_47 = arith.addi %mul3A_43, %and3A_46 : vector<16xi32>
      %get3A_48 = arith.index_cast %add3A_36 : i32 to index
      %get3A_49 = tpu.vector_load %arg6[%get3A_48] {strides = array<i32>} : memref<512xi32, #tpu.memory_space<vmem>>, vector<16xi32>,
      %and3A_50 = arith.constant 127 : i32
      %and3A_51 = vector.broadcast %and3A_50 : i32 to vector<16xi32>
      %and3A_52 = arith.andi %get3A_49, %and3A_51 : vector<16xi32>
      %gather3A = tpu.vector_load_idx %arg8[%add3A_47, %and3A_52] : memref<256x128xf32, #tpu.memory_space<vmem>>[vector<16xi32>, vector<16xi32>], vector<16xf32>,
      %swap3A = arith.index_cast %add3A_36 : i32 to index
      %swap3A_53 = tpu.vector_load %arg10[%swap3A] {strides = array<i32>} : memref<512xf32, #tpu.memory_space<vmem>>, vector<16xf32>,
      tpu.vector_store %arg10[%swap3A], %gather3A {strides = array<i32>} : memref<512xf32, #tpu.memory_space<vmem>>, vector<16xf32>,
      %scan3A_54 = arith.constant 1 : i32
      %mul3A_55 = arith.constant 16 : i32
      %mul3A_56 = arith.muli %scan3A_54, %mul3A_55 : i32
      %add3A_57 = arith.constant 480 : i32
      %add3A_58 = arith.addi %add3A_57, %mul3A_56 : i32
      %mul3A_59 = arith.constant 16 : i32
      %mul3A_60 = arith.muli %scan3A_54, %mul3A_59 : i32
      %add3A_61 = vector.broadcast %mul3A_60 : i32 to vector<16xi32>
      %add3A_62 = arith.addi %iota3A, %add3A_61 : vector<16xi32>
      %mul3A_63 = arith.constant 8 : i32
      %mul3A_64 = vector.broadcast %mul3A_63 : i32 to vector<16xi32>
      %mul3A_65 = arith.muli %add3A_62, %mul3A_64 : vector<16xi32>
      %get3A_66 = arith.index_cast %add3A_58 : i32 to index
      %get3A_67 = tpu.vector_load %arg7[%get3A_66] {strides = array<i32>} : memref<512xi32, #tpu.memory_space<vmem>>, vector<16xi32>,
      %and3A_68 = arith.constant 7 : i32
      %and3A_69 = vector.broadcast %and3A_68 : i32 to vector<16xi32>
      %and3A_70 = arith.andi %get3A_67, %and3A_69 : vector<16xi32>
      %add3A_71 = arith.addi %mul3A_65, %and3A_70 : vector<16xi32>
      %get3A_72 = arith.index_cast %add3A_58 : i32 to index
      %get3A_73 = tpu.vector_load %arg6[%get3A_72] {strides = array<i32>} : memref<512xi32, #tpu.memory_space<vmem>>, vector<16xi32>,
      %and3A_74 = arith.constant 127 : i32
      %and3A_75 = vector.broadcast %and3A_74 : i32 to vector<16xi32>
      %and3A_76 = arith.andi %get3A_73, %and3A_75 : vector<16xi32>
      %gather3A_77 = tpu.vector_load_idx %arg8[%add3A_71, %and3A_76] : memref<256x128xf32, #tpu.memory_space<vmem>>[vector<16xi32>, vector<16xi32>], vector<16xf32>,
      %swap3A_78 = arith.index_cast %add3A_58 : i32 to index
      %swap3A_79 = tpu.vector_load %arg10[%swap3A_78] {strides = array<i32>} : memref<512xf32, #tpu.memory_space<vmem>>, vector<16xf32>,
      tpu.vector_store %arg10[%swap3A_78], %gather3A_77 {strides = array<i32>} : memref<512xf32, #tpu.memory_space<vmem>>, vector<16xf32>,
      %scan3A_80 = arith.constant 2 : i32
    } else {
    }
    %rem3A_18 = arith.constant 15 : i32
    %rem3A_19 = arith.constant 2 : i32
    %rem3A_20 = arith.remsi %rem3A_18, %rem3A_19 : i32
    %eq3A_21 = arith.constant 1 : i32
    %eq3A_22 = arith.cmpi eq, %rem3A_20, %eq3A_21 : i32
    %convert_element_type3A_23 = arith.extui %eq3A_22 : i1 to i32
    %cond3A_24 = arith.constant 0 : i32
    %cond3A_25 = arith.cmpi ne, %convert_element_type3A_23, %cond3A_24 : i32
    scf.if %cond3A_25 {
      %dma_wait3A = arith.constant 0 : i32
      %dma_wait3A_26 = arith.constant 0 : i32
      %dma_wait3A_27 = tpu.memref_slice %arg4[%dma_wait3A, %dma_wait3A_26] : memref<1000x100000xf32, #tpu.memory_space<hbm>> -> memref<256x128xf32, #tpu.memory_space<hbm>>
      %dma_wait3A_28 = arith.constant 0 : i32
      %dma_wait3A_29 = arith.constant 0 : i32
      %dma_wait3A_30 = tpu.memref_slice %arg4[%dma_wait3A_28, %dma_wait3A_29] : memref<1000x100000xf32, #tpu.memory_space<hbm>> -> memref<256x128xf32, #tpu.memory_space<hbm>>
      tpu.wait_dma2 semaphore(%arg12 : memref<!tpu.dma_semaphore, #tpu.memory_space<semaphore_mem>>) src(%dma_wait3A_30 : memref<256x128xf32, #tpu.memory_space<hbm>>) dst(%arg9 : memref<256x128xf32, #tpu.memory_space<vmem>>)
      %scan3A_31 = arith.constant 0 : i32
      %scan3A_32 = arith.constant 0 : i32
      %mul3A_33 = arith.constant 16 : i32
      %mul3A_34 = arith.muli %scan3A_32, %mul3A_33 : i32
      %add3A_35 = arith.constant 480 : i32
      %add3A_36 = arith.addi %add3A_35, %mul3A_34 : i32
      %mul3A_37 = arith.constant 16 : i32
      %mul3A_38 = arith.muli %scan3A_32, %mul3A_37 : i32
      %add3A_39 = vector.broadcast %mul3A_38 : i32 to vector<16xi32>
      %add3A_40 = arith.addi %iota3A, %add3A_39 : vector<16xi32>
      %mul3A_41 = arith.constant 8 : i32
      %mul3A_42 = vector.broadcast %mul3A_41 : i32 to vector<16xi32>
      %mul3A_43 = arith.muli %add3A_40, %mul3A_42 : vector<16xi32>
      %get3A = arith.index_cast %add3A_36 : i32 to index
      %get3A_44 = tpu.vector_load %arg7[%get3A] {strides = array<i32>} : memref<512xi32, #tpu.memory_space<vmem>>, vector<16xi32>,
      %and3A = arith.constant 7 : i32
      %and3A_45 = vector.broadcast %and3A : i32 to vector<16xi32>
      %and3A_46 = arith.andi %get3A_44, %and3A_45 : vector<16xi32>
      %add3A_47 = arith.addi %mul3A_43, %and3A_46 : vector<16xi32>
      %get3A_48 = arith.index_cast %add3A_36 : i32 to index
      %get3A_49 = tpu.vector_load %arg6[%get3A_48] {strides = array<i32>} : memref<512xi32, #tpu.memory_space<vmem>>, vector<16xi32>,
      %and3A_50 = arith.constant 127 : i32
      %and3A_51 = vector.broadcast %and3A_50 : i32 to vector<16xi32>
      %and3A_52 = arith.andi %get3A_49, %and3A_51 : vector<16xi32>
      %gather3A = tpu.vector_load_idx %arg9[%add3A_47, %and3A_52] : memref<256x128xf32, #tpu.memory_space<vmem>>[vector<16xi32>, vector<16xi32>], vector<16xf32>,
      %swap3A = arith.index_cast %add3A_36 : i32 to index
      %swap3A_53 = tpu.vector_load %arg10[%swap3A] {strides = array<i32>} : memref<512xf32, #tpu.memory_space<vmem>>, vector<16xf32>,
      tpu.vector_store %arg10[%swap3A], %gather3A {strides = array<i32>} : memref<512xf32, #tpu.memory_space<vmem>>, vector<16xf32>,
      %scan3A_54 = arith.constant 1 : i32
      %mul3A_55 = arith.constant 16 : i32
      %mul3A_56 = arith.muli %scan3A_54, %mul3A_55 : i32
      %add3A_57 = arith.constant 480 : i32
      %add3A_58 = arith.addi %add3A_57, %mul3A_56 : i32
      %mul3A_59 = arith.constant 16 : i32
      %mul3A_60 = arith.muli %scan3A_54, %mul3A_59 : i32
      %add3A_61 = vector.broadcast %mul3A_60 : i32 to vector<16xi32>
      %add3A_62 = arith.addi %iota3A, %add3A_61 : vector<16xi32>
      %mul3A_63 = arith.constant 8 : i32
      %mul3A_64 = vector.broadcast %mul3A_63 : i32 to vector<16xi32>
      %mul3A_65 = arith.muli %add3A_62, %mul3A_64 : vector<16xi32>
      %get3A_66 = arith.index_cast %add3A_58 : i32 to index
      %get3A_67 = tpu.vector_load %arg7[%get3A_66] {strides = array<i32>} : memref<512xi32, #tpu.memory_space<vmem>>, vector<16xi32>,
      %and3A_68 = arith.constant 7 : i32
      %and3A_69 = vector.broadcast %and3A_68 : i32 to vector<16xi32>
      %and3A_70 = arith.andi %get3A_67, %and3A_69 : vector<16xi32>
      %add3A_71 = arith.addi %mul3A_65, %and3A_70 : vector<16xi32>
      %get3A_72 = arith.index_cast %add3A_58 : i32 to index
      %get3A_73 = tpu.vector_load %arg6[%get3A_72] {strides = array<i32>} : memref<512xi32, #tpu.memory_space<vmem>>, vector<16xi32>,
      %and3A_74 = arith.constant 127 : i32
      %and3A_75 = vector.broadcast %and3A_74 : i32 to vector<16xi32>
      %and3A_76 = arith.andi %get3A_73, %and3A_75 : vector<16xi32>
      %gather3A_77 = tpu.vector_load_idx %arg9[%add3A_71, %and3A_76] : memref<256x128xf32, #tpu.memory_space<vmem>>[vector<16xi32>, vector<16xi32>], vector<16xf32>,
      %swap3A_78 = arith.index_cast %add3A_58 : i32 to index
      %swap3A_79 = tpu.vector_load %arg10[%swap3A_78] {strides = array<i32>} : memref<512xf32, #tpu.memory_space<vmem>>, vector<16xf32>,
      tpu.vector_store %arg10[%swap3A_78], %gather3A_77 {strides = array<i32>} : memref<512xf32, #tpu.memory_space<vmem>>, vector<16xf32>,
      %scan3A_80 = arith.constant 2 : i32
    } else {
    }
    "tpu.region"() ({
      %run_scoped3A = tpu.sem_alloc : memref<!tpu.dma_semaphore, #tpu.memory_space<semaphore_mem>>
      %dma_start3A = tpu.memref_slice %arg5[%mul3A_2] : memref<16384xf32, #tpu.memory_space<hbm>> -> memref<512xf32, #tpu.memory_space<hbm>>
      %dma_start3A_26 = tpu.memref_slice %arg5[%mul3A_2] : memref<16384xf32, #tpu.memory_space<hbm>> -> memref<512xf32, #tpu.memory_space<hbm>>
      tpu.enqueue_dma source(%arg10 : memref<512xf32, #tpu.memory_space<vmem>>) target(%dma_start3A_26 : memref<512xf32, #tpu.memory_space<hbm>>) target_semaphore(%run_scoped3A : memref<!tpu.dma_semaphore, #tpu.memory_space<semaphore_mem>>)
      %dma_wait3A = tpu.memref_slice %arg5[%mul3A_2] : memref<16384xf32, #tpu.memory_space<hbm>> -> memref<512xf32, #tpu.memory_space<hbm>>
      %dma_wait3A_27 = tpu.memref_slice %arg5[%mul3A_2] : memref<16384xf32, #tpu.memory_space<hbm>> -> memref<512xf32, #tpu.memory_space<hbm>>
      tpu.wait_dma2 semaphore(%run_scoped3A : memref<!tpu.dma_semaphore, #tpu.memory_space<semaphore_mem>>) src(%arg10 : memref<512xf32, #tpu.memory_space<vmem>>) dst(%dma_wait3A_27 : memref<512xf32, #tpu.memory_space<hbm>>)
      tpu.yield
    }) : () -> ()
    return
  }
}

</mosaic_0001>

<sc_bundles>
// kernel: kernel.4.cloned.1.call-start
scs
__scs_entry_jumppad:
0x0: {  	(pc) =	sbr.rel $0x88, $3  }
0x1: {  	(tag) =	ssettag $0x0;
	lr =	simm.s32 $0x1  }
0x2: {  	[smem:$0x3F99] =	sst lr;
	_ =	strace $0xD0000000  }
0x3: {  	_ = 	snop  }
0x4: {  	_ = 	snop  }
0x5: {  	_ = 	snop  }
0x6: {  	_ = 	snop  }
0x7: {  	_ = 	snop  }
__scs_overlays_trampoline_lowered:
0x8: {  	[smem:$0x3FA8] =	sst s0  }
0x9: {  	[smem:$0x3FA9] =	sst s1  }
0xa: {  	[smem:$0x3FAA] =	sst s2  }
0xb: {  	[smem:$0x3FAB] =	sst s3  }
0xc: {  	[smem:$0x3FAC] =	sst s4  }
0xd: {  	[smem:$0x3FAD] =	sst s5  }
0xe: {  	[smem:$0x3FAE] =	sst s6  }
0xf: {  	[smem:$0x3FAF] =	sst s7  }
0x10: {  	[smem:$0x3FB0] =	sst s8  }
0x11: {  	[smem:$0x3FB1] =	sst s9;
	s0 =	simm.s32 @!p0 $0x0  }
0x12: {  	s1 =	sld [smem:$0x3F97];
	s0 =	simm.s32 @p0 $0x1  }
0x13: {  	[smem:$0x3FB2] =	sst s0;
	s0 =	simm.s32 @!p1 $0x0  }
0x14: {  	s2 =	sld [smem:$0x3F96];
	s0 =	simm.s32 @p1 $0x1  }
0x15: {  	[smem:$0x3FB3] =	sst s0;
	s0 =	simm.s32 @!p2 $0x0  }
0x16: {  	s3 =	sld [smem:$0x3FDB];
	s0 =	simm.s32 @p2 $0x1  }
0x17: {  	s4 =	simm.s32 $0x1BF5;
	[smem:$0x3FB5] =	sst s0  }
0x18: {  	s0 =	sld [smem:$0x3F98];
	_ =	swait.ge [sflag:s4], $0x0  }
0x19: {  	s7 =	sld [smem:$0x3F99]  }
0x1a: {  	s8 =	sadd.s32 $0xFFFFE003, lr  }
0x1b: {  	s9 =	sadd.s32 $0xFFFFFEF7, lr;
	s5 =	simm.s32 $0xFFFFFFFF;
	p2 =	slt.u32 s8, $0xFFFFF086  }
0x1c: {  	p1 =	slt.u32 s9, $0xF7A;
	s5 =	simm.s32 @!p2 $0x0  }
0x1d: {  	s5 =	simm.s32 @p1 $0x1;
	p0 =	seq.s32 s7, s2  }
0x1e: {  	s7 =	smul.u32 @!p0 $0xF7A, s2;
	p2 =	seq.s32 @!p0 s5, $0x0  }
0x1f: {  	s9 =	smul.u32 $0xF7A, s1;
	s8 =	simm.s32 @!p0 $0x1BF5;
	p2 =	por !p2, p0  }
0x20: {  	[sflag:s8] =	ssyncset.s32 @!p0 $0xFFFFF086;
	s6 =	sadd.s32 @!p0 s3, s7;
	s7 =	simm.s32 @!p0 $0x108  }
0x21: {  	s3 =	sadd.s32 s3, s9;
	s6 =	sadd.s32 @!p0 $0x88, s6;
	s7 =	simm.s32 @p2 $0x1082  }
0x22: {  	[simem:s7], [sflag:s8] =	dma.local @!p0 [hbm:s6], $0xF7A  }
0x23: {  	s9 =	sor.u32 $0xD0000000, s2;
	s6 =	simm.s32 $0x108;
	_ =	swait.ge @!p0 [sflag:s8], $0x0  }
0x24: {  	s3 =	sadd.s32 $0x88, s3;
	s6 =	simm.s32 @!p1 $0x1082;
	[sflag:s4] =	ssyncset.s32 $0xFFFFF086  }
0x25: {  	[simem:s6], [sflag:s4] =	dma.local [hbm:s3], $0xF7A  }
0x26: {  	[smem:$0x3F99] =	sst s1;
	(tag) =	ssettag s2;
	_ =	strace s9  }
0x27: {  	s1 =	sld [smem:$0x3FA9]  }
0x28: {  	s2 =	sld [smem:$0x3FAA]  }
0x29: {  	s4 =	sld [smem:$0x3FAC]  }
0x2a: {  	p0 =	seq.s32 s5, $0x0;
	s5 =	sld [smem:$0x3FAD]  }
0x2b: {  	s6 =	sld [smem:$0x3FAE]  }
0x2c: {  	s7 =	sld [smem:$0x3FAF]  }
0x2d: {  	s3 =	simm.s32 $0x108;
	s8 =	sld [smem:$0x3FB0]  }
0x2e: {  	s3 =	simm.s32 @!p0 $0x1082;
	s9 =	sld [smem:$0x3FB1]  }
0x2f: {  	lr =	sadd.s32 s0, s3;
	s0 =	sld [smem:$0x3FA8]  }
0x30: {  	s3 =	sld [smem:$0x3FAB]  }
0x31: {  	[smem:$0x3FB4] =	sst s10  }
0x32: {  	s10 =	sld [smem:$0x3FB2];
	_ =	sdelay $0x3  }
0x33: {  	p0 =	seq.s32 s10, $0x1;
	s10 =	sld [smem:$0x3FB4];
	_ =	sdelay $0x3  }
0x34: {  	[smem:$0x3FB4] =	sst s10  }
0x35: {  	s10 =	sld [smem:$0x3FB3];
	_ =	sdelay $0x3  }
0x36: {  	p1 =	seq.s32 s10, $0x1;
	s10 =	sld [smem:$0x3FB4];
	_ =	sdelay $0x3  }
0x37: {  	[smem:$0x3FB4] =	sst s10  }
0x38: {  	s10 =	sld [smem:$0x3FB5]  }
0x39: {  	_ = 	snop;
	(pc) =	sbr.ind lr, $3  }
0x3a: {  	_ = 	snop  }
0x3b: {  	_ = 	snop  }
0x3c: {  	p2 =	seq.s32 s10, $0x1;
	s10 =	sld [smem:$0x3FB4]  }
0x3d: {  	_ =	shalt  }
0x3e: {  	_ =	shalt  }
0x3f: {  	_ =	shalt  }
0x40: {  	_ =	shalt  }
0x41: {  	_ =	shalt  }
0x42: {  	_ =	shalt  }
0x43: {  	_ =	shalt  }
0x44: {  	_ =	shalt  }
0x45: {  	_ =	shalt  }
0x46: {  	_ =	shalt  }
0x47: {  	_ =	shalt  }
0x48: {  	_ =	shalt  }
0x49: {  	_ =	shalt  }
0x4a: {  	_ =	shalt  }
0x4b: {  	_ =	shalt  }
0x4c: {  	_ =	shalt  }
0x4d: {  	_ =	shalt  }
0x4e: {  	_ =	shalt  }
0x4f: {  	_ =	shalt  }
0x50: {  	_ =	shalt  }
0x51: {  	_ =	shalt  }
0x52: {  	_ =	shalt  }
0x53: {  	_ =	shalt  }
0x54: {  	_ =	shalt  }
0x55: {  	_ =	shalt  }
0x56: {  	_ =	shalt  }
0x57: {  	_ =	shalt  }
0x58: {  	_ =	shalt  }
0x59: {  	_ =	shalt  }
0x5a: {  	_ =	shalt  }
0x5b: {  	_ =	shalt  }
0x5c: {  	_ =	shalt  }
0x5d: {  	_ =	shalt  }
0x5e: {  	_ =	shalt  }
0x5f: {  	_ =	shalt  }
0x60: {  	_ =	shalt  }
0x61: {  	_ =	shalt  }
0x62: {  	_ =	shalt  }
0x63: {  	_ =	shalt  }
0x64: {  	_ =	shalt  }
0x65: {  	_ =	shalt  }
0x66: {  	_ =	shalt  }
0x67: {  	_ =	shalt  }
0x68: {  	_ =	shalt  }
0x69: {  	_ =	shalt  }
0x6a: {  	_ =	shalt  }
0x6b: {  	_ =	shalt  }
0x6c: {  	_ =	shalt  }
0x6d: {  	_ =	shalt  }
0x6e: {  	_ =	shalt  }
0x6f: {  	_ =	shalt  }
0x70: {  	_ =	shalt  }
0x71: {  	_ =	shalt  }
0x72: {  	_ =	shalt  }
0x73: {  	_ =	shalt  }
0x74: {  	_ =	shalt  }
0x75: {  	_ =	shalt  }
0x76: {  	_ =	shalt  }
0x77: {  	_ =	shalt  }
0x78: {  	_ =	shalt  }
0x79: {  	_ =	shalt  }
0x7a: {  	_ =	shalt  }
0x7b: {  	_ =	shalt  }
0x7c: {  	_ =	shalt  }
0x7d: {  	_ =	shalt  }
0x7e: {  	_ =	shalt  }
0x7f: {  	_ =	shalt  }
0x80: {  	_ =	shalt  }
0x81: {  	_ =	shalt  }
0x82: {  	_ =	shalt  }
0x83: {  	_ =	shalt  }
0x84: {  	_ =	shalt  }
0x85: {  	_ =	shalt  }
0x86: {  	_ =	shalt  }
0x87: {  	_ =	shalt  }
.Lfunc_end0:
.L_simem_size_0:
called_computation_lowered:
.L_overlay_start_0:
0x88: {  	s2 =	sld [smem:$0x3FD9]  }
0x89: {  	s3 =	sld [smem:$0x3FFE];
	_ =	sdelay $0x1  }
0x8a: {  	s1 =	srdreg.scid  }
0x8b: {  	s0 =	sand.u32 $0x1, s1  }
0x8c: {  	s18 =	sshll.u32 s0, $0xA;
	s2 =	sadd.s32 s3, s2  }
0x8d: {  	s2 =	sadd.s32 s2, s18  }
0x8e: {  	[smem:$0x3FC0] =	sst s2  }
0x8f: {  	_ = 	snop  }
0x90: {  	s19 =	sld [smem:$0x3FC9]  }
0x91: {  	s4 =	sld [smem:$0x3FC8]  }
0x92: {  	s5 =	sld [smem:$0x3FC2]  }
0x93: {  	s6 =	sld [smem:$0x3FD0];
	(tm) =	ssettm $0x1  }
0x94: {  	s20 =	sld [smem:$0x3FFB];
	_ =	sdelay $0x3  }
0x95: {  	_ =	strace s20  }
0x96: {  	s2 =	sld [smem:$0x3FFC];
	_ =	sdelay $0x3  }
0x97: {  	_ =	strace s2  }
0x98: {  	s2 =	sld [smem:$0x3FFD];
	_ =	sdelay $0x3  }
0x99: {  	_ =	strace s2  }
0x9a: {  	_ =	strace $0x8FFFFFFF  }
0x9b: {  	s21 =	sld [smem:$0x3FDB];
	_ =	sdelay $0x1  }
0x9c: {  	s7 =	simm.s32 $_scs_section_size  }
0x9d: {  	s8 =	simm.s32 $_size__tile_overlayer_lowered;
	s9 =	simm.s32 $_tile_overlayer_lowered  }
0x9e: {  	s10 =	simm.s32 $0x1BFF;
	s22 =	sshll.u32 s9, $0x1;
	s7 =	sadd.s32 s7, s21  }
0x9f: {  	s23 =	simm.s32 $0x0;
	s8 =	sshll.u32 s8, $0x1;
	s9 =	sadd.s32 s22, s7  }
0xa0: {  	[timem:s23], [sflag:s10] =	dma.local [hbm:s9], s8  }
0xa1: {  	_ =	swait.ge [sflag:s10], s8  }
0xa2: {  	s8 =	ssub.s32 $0x0, s8;
	[sflag:s10] =	ssyncset.done $0x0  }
0xa3: {  	[sflag:s10] =	ssyncadd.s32 s8;
	_ =	sdelay $0x1  }
0xa4: {  	s24 =	simm.s32 $0x1B8B  }
0xa5: {  	_ =	swait.ge [sflag:s24], $0x1  }
0xa6: {  	[sflag:s24] =	ssyncset.done $0x0  }
0xa7: {  	[sflag:s24] =	ssyncadd.s32 $0xFFFFFFFF  }
0xa8: {  	s8 =	sld [smem:$0x0]  }
0xa9: {  	s9 =	sand.u32 $0xFFFFFFFE, s1  }
0xaa: {  	p0 =	sne.s32 s1, s9  }
0xab: {  	s9 =	sshll.u32 @p0 s9, $0xE  }
0xac: {  	s9 =	sadd.s32 @p0 $0x11B8D, s9;
	s10 =	sshll.u32 @p0 s8, $0x11  }
0xad: {  	s9 =	sor.u32 @p0 s10, s9  }
0xae: {  	[sflag:s9] =	ssyncadd.remote.s32 @p0 $0x1;
	_ =	sdelay $0x1  }
0xaf: {  	s9 =	simm.s32 @p0 $0x1B8D  }
0xb0: {  	_ =	swait.eq @p0 [sflag:s9], $0x1  }
0xb1: {  	[sflag:s9] =	ssyncadd.s32 @p0 $0xFFFFFFFF  }
0xb2: {  	s10 =	sshll.u32 @!p0 s1, $0xE  }
0xb3: {  	s10 =	sor.u32 @!p0 $0x4000, s10;
	s9 =	simm.s32 @!p0 $0x1B8D  }
0xb4: {  	s8 =	sshll.u32 @!p0 s8, $0x11;
	s10 =	sadd.s32 @!p0 $0x11B8D, s10;
	_ =	swait.eq @!p0 [sflag:s9], $0x1  }
0xb5: {  	s8 =	sor.u32 @!p0 s8, s10;
	[sflag:s9] =	ssyncadd.s32 @!p0 $0xFFFFFFFF  }
0xb6: {  	s25 =	simm.s32 $0x1B8E;
	[sflag:s8] =	ssyncadd.remote.s32 @!p0 $0x1  }
0xb7: {  	s26 =	simm.s32 $execute0_lowered;
	[smem:$0x3FD2] =	sst s25  }
0xb8: {  	s8 =	sshll.u32 s26, $0x1;
	_ =	strace $0x80000049;
	[dreg:$0x1] =	wrdreg $0xFFFFFFFF  }
0xb9: {  	s28 =	simm.s32 $_size_execute0_lowered;
	s7 =	sadd.s32 s7, s8;
	[dreg:$0x0] =	wrdreg $0x0  }
0xba: {  	s8 =	sshll.u32 s28, $0x1;
	[dreg:$0x2] =	wrdreg s7  }
0xbb: {  	[dreg:$0x3] =	wrdreg s8  }
0xbc: {  	[dreg:$0x4] =	wrdreg $0xC0  }
0xbd: {  	_ =	task [dreg:s23], $0x5FFFF  }
0xbe: {  	[dreg:$0x1] =	wrdreg $0xFFFFFFFF  }
0xbf: {  	[dreg:$0x0] =	wrdreg $0x60  }
0xc0: {  	[dreg:$0x2] =	wrdreg s19  }
0xc1: {  	[dreg:$0x3] =	wrdreg s4  }
0xc2: {  	[dreg:$0x4] =	wrdreg s5  }
0xc3: {  	[dreg:$0x5] =	wrdreg s6  }
0xc4: {  	[dreg:$0x6] =	wrdreg $0x9  }
0xc5: {  	_ =	task.clear_ibuf [dreg:s23], $0x7FFFF;
	_ =	strace $0x90000049  }
0xc6: {  	s29 =	simm.s32 $0x9;
	_ =	strace $0x8000004B  }
0xc7: {  	_ =	swait.ge [sflag:s29], $0x1  }
0xc8: {  	[sflag:s29] =	ssyncadd.s32 $0xFFFFFFFF  }
0xc9: {  	_ =	strace $0x9000004B  }
0xca: {  	_ =	sfence  }
0xcb: {  	s30 =	sld [smem:$0x0];
	_ =	sdelay $0x2  }
0xcc: {  	s31 =	sshll.u32 s1, $0xD;
	s1 =	sshrl.u32 s1, $0x2  }
0xcd: {  	s4 =	sand.u32 $0x4000, s31;
	s1 =	sadd.s32 s1, s30  }
0xce: {  	s0 =	sor.u32 s4, s0;
	s1 =	sshll.u32 s1, $0x11  }
0xcf: {  	s0 =	sor.u32 s1, s0  }
0xd0: {  	s0 =	sadd.s32 $0x8F2B, s0  }
0xd1: {  	[sflag:s0] =	ssyncadd.remote.s32 $0x1  }
0xd2: {  	_ =	sfence.sel $0xFFFF  }
0xd3: {  	[dreg:$0x0] =	wrdreg $0xFFFFFFFF;
	(pc) =	sbr.abs _section_cstart, $3  }
0xd4: {  	[dreg:$0x1] =	wrdreg $0xFFFFFFFF  }
0xd5: {  	_ =	task.clear_ibuf [dreg:s23], $0x2FFFF;
	_ =	strace $0x9FFFFFFF  }
0xd6: {  	(tm) =	ssettm $0x7FFFFFFF  }
0xd7: {  	_ =	shalt  }
tec
execute0_lowered:
.L_overlay_start_1:
0x0: {  	(tag) =	ssettag $0x1  }
0x1: {  	s4 =	rddreg [dreg:$0x0]  }
0x2: {  	s5 =	rddreg [dreg:$0x1]  }
0x3: {  	s1 =	rddreg [dreg:$0x2]  }
0x4: {  	s6 =	rddreg [dreg:$0x3]  }
0x5: {  	s0 =	rddreg [dreg:$0x4];
	s7 =	srdreg.scid;
	s3 =	simm.s32 $0x0  }
0x6: {  	s2 =	stileid.u32;
	s11 =	simm.s32 $0x8400;
	s12 =	simm.s32 $0x10400  }
0x7: {  	s13 =	simm.s32 $0x0;
	s7 =	sand.u32 $0x1, s7;
	s9 =	sshll.u32 s2, $0x7  }
.Ltmp0:
0x8: {  	[smem:$0x7FF] =	sst s3;
	s8 =	ssub.s32 $0x2, s7;
	(pc) =	sbr.rel .LBB2_1-.Ltmp0, $4  }
0x9: {  	v0 =	vlaneseq.u32;
	s7 =	sshll.u32 s7, $0x6;
	_ =	strace $0x8000004A;
	s10 =	sshrl.u32 s8, $0x1  }
0xa: {  	v0 =	vmul.u32 $0x400, v0;
	s7 =	sor.u32 s7, s9;
	s9 =	simm.s32 $0x200;
	s8 =	ssub.s32 s8, s10  }
0xb: {  	s4 =	sadd.s32 s4, s7;
	s5 =	sadd.s32 s5, s7;
	s6 =	sadd.s32 s6, s7  }
0xc: {  	v1 =	vimm.s32 $0x0;
	v2 =	vor.u32 $0x4000, v0;
	s10 =	simm.s32 $0x2;
	s7 =	smax.u32 s8, $0x1;
	s8 =	simm.s32 $0x3  }
.LBB2_11:
0xd: {  	_ =	swait.ge [sflag:s10], $0x8000  }
0xe: {  	[sflag:s10] =	ssyncset.done $0x0  }
0xf: {  	[sflag:s10] =	ssyncadd.s32 $0xFFFF8000  }
0x10: {  	v3 =	vld [tilespmem:$0x3E0];
	_ =	sdelay $0x1  }
0x11: {  	v4 =	vld [tilespmem:$0x1E0];
	_ =	sdelay $0x2  }
0x12: {  	v3 =	vand.u32 $0x7, v3  }
0x13: {  	v5 =	vld [tilespmem:$0x3F0];
	v3 =	vshll.u32 v3, $0x7  }
0x14: {  	v4 =	vand.u32 $0x7F, v4;
	v3 =	vor.u32 v0, v3  }
0x15: {  	v63 =	vld [tilespmem:$0x1F0];
	v3 =	vor.u32 v4, v3;
	_ =	sdelay $0x2  }
0x16: {  	v5 =	vand.u32 $0x7, v5  }
0x17: {  	v5 =	vshll.u32 v5, $0x7  }
0x18: {  	v5 =	vor.u32 v2, v5;
	v4 =	vand.u32 $0x7F, v63;
	v3 =	vld.idx.msk [tilespmem:v3+s11+$0x0], $0xffff  }
0x19: {  	v4 =	vor.u32 v4, v5;
	_ =	sdelay $0x3  }
0x1a: {  	[tilespmem:$0x105E0] =	vst v3  }
0x1b: {  	v3 =	vld.idx.msk [tilespmem:v4+s11+$0x0], $0xffff;
	_ =	sdelay $0x2  }
0x1c: {  	s13 =	sadd.s32 $0x1, s13  }
0x1d: {  	p0 =	sne.s32 s13, s7  }
.Ltmp1:
0x1e: {  	[tilespmem:$0x105F0] =	vst v3;
	(pc) =	sbr.rel @!p0 .LBB2_12-.Ltmp1, $4  }
0x1f: {  	[hbm4b:s6+s3] =	stream.linear.scatter [tilespmem:s12], [sflag:$0x3], $0x200, $0x38;
	[tilespmem:$0x10600] =	vst v63  }
0x20: {  	_ =	swait.ge [sflag:s8], $0x200  }
0x21: {  	[sflag:s8] =	ssyncset.done $0x0  }
0x22: {  	[sflag:s8] =	ssyncadd.s32 $0xFFFFFE00  }
.LBB2_1:
0x23: {  	[tilespmem:s3], [sflag:$0x3] =	stream.linear.gather [hbm4b:s4+s3], $0x200, $0x38;
	[tilespmem:$0x10600] =	vst v63  }
0x24: {  	_ =	swait.ge [sflag:s8], $0x200  }
0x25: {  	[sflag:s8] =	ssyncset.done $0x0  }
0x26: {  	[sflag:s8] =	ssyncadd.s32 $0xFFFFFE00  }
0x27: {  	[tilespmem:s9], [sflag:$0x3] =	stream.linear.gather [hbm4b:s5+s3], $0x200, $0x38;
	[tilespmem:$0x10600] =	vst v63  }
0x28: {  	_ =	swait.ge [sflag:s8], $0x200  }
0x29: {  	[sflag:s8] =	ssyncset.done $0x0  }
0x2a: {  	p0 =	por $0x1, $0x1;
	s15 =	simm.s32 $0x0;
	[sflag:s8] =	ssyncadd.s32 $0xFFFFFE00  }
.LBB2_2:
0x2b: {  	s14 =	sshll.u32 s15, $0x4  }
0x2c: {  	v3 =	vld [tilespmem:s14+$0x0]  }
0x2d: {  	v4 =	vld [tilespmem:s14+$0x200];
	_ =	sdelay $0x3  }
0x2e: {  	v5 =	vand.u32 $0x7F, v3  }
0x2f: {  	v6 =	vshra.s32 v3, $0x1F;
	v59 =	vand.u32 $0x7, v4;
	vm1 =	vlt.s32 v3, $0x1  }
0x30: {  	v60 =	vshra.s32 v4, $0x1F;
	vm15 =	vlt.s32 v4, $0x1;
	vm0 =	vne.s32 v5, $0x0  }
0x31: {  	vm2 =	vne.s32 v59, $0x0;
	v5 =	vshrl.u32 v60, $0x1D;
	v61 =	vshrl.u32 v6, $0x19  }
0x32: {  	vm0 =	vmand vm1, vm0;
	vm1 =	vmand vm15, vm2;
	v4 =	vadd.s32 v5, v4  }
0x33: {  	v3 =	vadd.s32 v61, v3;
	v4 =	vshrl.u32 v4, $0x3;
	v62 =	vsel vm1, $0xFFFFFFFF, v1  }
0x34: {  	v3 =	vshrl.u32 v3, $0x7;
	v63 =	vsel vm0, $0xFFFFFFFF, v1;
	v4 =	vadd.s32 v62, v4  }
0x35: {  	v3 =	vadd.s32 v63, v3;
	v4 =	vmul.u32 $0x18700, v4  }
0x36: {  	v3 =	vshll.u32 v3, $0x7  }
0x37: {  	v3 =	vadd.s32 s1, v3;
	(v2sf) =	vpush v4, $0x0  }
0x38: {  	(v2sf) =	vpush v3, $0x0  }
0x39: {  	(v2sf) =	vpush v4, $0x1;
	_ =	sdelay $0x1  }
0x3a: {  	(v2sf) =	vpush v3, $0x1  }
0x3b: {  	(v2sf) =	vpush v4, $0x2;
	_ =	sdelay $0x1  }
0x3c: {  	(v2sf) =	vpush v3, $0x2  }
0x3d: {  	(v2sf) =	vpush v4, $0x3;
	_ =	sdelay $0x1  }
0x3e: {  	(v2sf) =	vpush v3, $0x3  }
0x3f: {  	(v2sf) =	vpush v4, $0x4;
	_ =	sdelay $0x1  }
0x40: {  	(v2sf) =	vpush v3, $0x4  }
0x41: {  	(v2sf) =	vpush v4, $0x5  }
0x42: {  	s23 =	sshll.u32 s15, $0xE;
	s16 =	spop (v2sf)  }
0x43: {  	s15 =	sand.u32 $0x3FFFC000, s23;
	s14 =	simm.s32 $0x0;
	(v2sf) =	vpush v3, $0x5;
	s24 =	spop (v2sf)  }
0x44: {  	s17 =	sor.u32 $0x400, s15;
	(v2sf) =	vpush v4, $0x6;
	s16 =	sadd.s32 s16, s24;
	s18 =	spop (v2sf)  }
0x45: {  	[tilespmem:s17], [sflag:$0x1] =	stream.linear.gather [hbm4b:s16+s14], $0x400, $0x38;
	[tilespmem:$0x10600] =	vst v63  }
0x46: {  	(v2sf) =	vpush v3, $0x6;
	s25 =	spop (v2sf)  }
0x47: {  	s26 =	sor.u32 $0x800, s15;
	(v2sf) =	vpush v4, $0x7;
	s16 =	sadd.s32 s18, s25;
	s28 =	spop (v2sf)  }
0x48: {  	[tilespmem:s26], [sflag:$0x1] =	stream.linear.gather [hbm4b:s16+s14], $0x400, $0x38;
	[tilespmem:$0x10600] =	vst v63  }
0x49: {  	(v2sf) =	vpush v3, $0x7;
	s29 =	spop (v2sf)  }
0x4a: {  	s30 =	sor.u32 $0xC00, s15;
	(v2sf) =	vpush v4, $0x8;
	s16 =	sadd.s32 s28, s29;
	s31 =	spop (v2sf)  }
0x4b: {  	[tilespmem:s30], [sflag:$0x1] =	stream.linear.gather [hbm4b:s16+s14], $0x400, $0x38;
	[tilespmem:$0x10600] =	vst v63  }
0x4c: {  	(v2sf) =	vpush v3, $0x8;
	s19 =	spop (v2sf)  }
0x4d: {  	s20 =	sor.u32 $0x1000, s15;
	(v2sf) =	vpush v4, $0x9;
	s16 =	sadd.s32 s31, s19;
	s21 =	spop (v2sf)  }
0x4e: {  	[tilespmem:s20], [sflag:$0x1] =	stream.linear.gather [hbm4b:s16+s14], $0x400, $0x38;
	[tilespmem:$0x10600] =	vst v63  }
0x4f: {  	(v2sf) =	vpush v3, $0x9;
	s22 =	spop (v2sf)  }
0x50: {  	s23 =	sor.u32 $0x1400, s15;
	(v2sf) =	vpush v4, $0xA;
	s16 =	sadd.s32 s21, s22;
	s24 =	spop (v2sf)  }
0x51: {  	[tilespmem:s23], [sflag:$0x1] =	stream.linear.gather [hbm4b:s16+s14], $0x400, $0x38;
	[tilespmem:$0x10600] =	vst v63  }
0x52: {  	s25 =	spop (v2sf);
	(v2sf) =	vpush v3, $0xA  }
0x53: {  	s26 =	sor.u32 $0x1800, s15;
	s16 =	sadd.s32 s24, s25;
	s28 =	spop (v2sf);
	(v2sf) =	vpush v4, $0xB  }
0x54: {  	[tilespmem:s26], [sflag:$0x1] =	stream.linear.gather [hbm4b:s16+s14], $0x400, $0x38;
	[tilespmem:$0x10600] =	vst v63  }
0x55: {  	s29 =	spop (v2sf);
	(v2sf) =	vpush v3, $0xB  }
0x56: {  	s30 =	sor.u32 $0x1C00, s15;
	s16 =	sadd.s32 s28, s29;
	s31 =	spop (v2sf);
	(v2sf) =	vpush v4, $0xC  }
0x57: {  	[tilespmem:s30], [sflag:$0x1] =	stream.linear.gather [hbm4b:s16+s14], $0x400, $0x38;
	[tilespmem:$0x10600] =	vst v63  }
0x58: {  	s19 =	spop (v2sf);
	(v2sf) =	vpush v3, $0xC  }
0x59: {  	s20 =	sor.u32 $0x2000, s15;
	s16 =	sadd.s32 s31, s19;
	s21 =	spop (v2sf);
	(v2sf) =	vpush v4, $0xD  }
0x5a: {  	[tilespmem:s20], [sflag:$0x1] =	stream.linear.gather [hbm4b:s16+s14], $0x400, $0x38;
	[tilespmem:$0x10600] =	vst v63  }
0x5b: {  	s22 =	spop (v2sf);
	(v2sf) =	vpush v3, $0xD  }
0x5c: {  	s23 =	sor.u32 $0x2400, s15;
	s16 =	sadd.s32 s21, s22;
	s24 =	spop (v2sf);
	(v2sf) =	vpush v4, $0xE  }
0x5d: {  	[tilespmem:s23], [sflag:$0x1] =	stream.linear.gather [hbm4b:s16+s14], $0x400, $0x38;
	[tilespmem:$0x10600] =	vst v63  }
0x5e: {  	s25 =	spop (v2sf);
	(v2sf) =	vpush v3, $0xE  }
0x5f: {  	s26 =	sor.u32 $0x2800, s15;
	s16 =	sadd.s32 s24, s25;
	s28 =	spop (v2sf)  }
0x60: {  	[tilespmem:s26], [sflag:$0x1] =	stream.linear.gather [hbm4b:s16+s14], $0x400, $0x38;
	[tilespmem:$0x10600] =	vst v63  }
0x61: {  	(v2sf) =	vpush v4, $0xF;
	s29 =	spop (v2sf)  }
0x62: {  	s31 =	sor.u32 $0x2C00, s15;
	(v2sf) =	vpush v3, $0xF;
	s30 =	spop (v2sf);
	s16 =	sadd.s32 s28, s29  }
0x63: {  	[tilespmem:s31], [sflag:$0x1] =	stream.linear.gather [hbm4b:s16+s14], $0x400, $0x38;
	[tilespmem:$0x10600] =	vst v63  }
0x64: {  	s18 =	spop (v2sf)  }
0x65: {  	s20 =	sor.u32 $0x3000, s15;
	s19 =	spop (v2sf);
	s16 =	sadd.s32 s30, s18  }
0x66: {  	[tilespmem:s20], [sflag:$0x1] =	stream.linear.gather [hbm4b:s16+s14], $0x400, $0x38;
	[tilespmem:$0x10600] =	vst v63  }
0x67: {  	s21 =	spop (v2sf)  }
0x68: {  	s23 =	sor.u32 $0x3400, s15;
	s22 =	spop (v2sf);
	s16 =	sadd.s32 s19, s21  }
0x69: {  	[tilespmem:s23], [sflag:$0x1] =	stream.linear.gather [hbm4b:s16+s14], $0x400, $0x38;
	[tilespmem:$0x10600] =	vst v63  }
0x6a: {  	s24 =	spop (v2sf)  }
0x6b: {  	s26 =	sor.u32 $0x3800, s15;
	s25 =	spop (v2sf);
	s16 =	sadd.s32 s22, s24  }
0x6c: {  	[tilespmem:s26], [sflag:$0x1] =	stream.linear.gather [hbm4b:s16+s14], $0x400, $0x38;
	[tilespmem:$0x10600] =	vst v63  }
0x6d: {  	s28 =	spop (v2sf)  }
0x6e: {  	p1 =	por p0, p0;
	s30 =	sor.u32 $0x3C00, s15;
	s16 =	sadd.s32 s25, s28  }
0x6f: {  	[tilespmem:s30], [sflag:$0x1] =	stream.linear.gather [hbm4b:s16+s14], $0x400, $0x38;
	[tilespmem:$0x10600] =	vst v63  }
.Ltmp2:
0x70: {  	s29 =	spop (v2sf);
	(pc) =	sbr.rel @p1 .LBB2_2-.Ltmp2, $4  }
0x71: {  	s31 =	spop (v2sf)  }
0x72: {  	s15 =	sadd.s32 $0x4000, s15;
	s16 =	sadd.s32 s29, s31  }
0x73: {  	[tilespmem:s15], [sflag:$0x1] =	stream.linear.gather [hbm4b:s16+s14], $0x400, $0x38;
	[tilespmem:$0x10600] =	vst v63  }
0x74: {  	p0 =	por $0x0, $0x0;
	s15 =	simm.s32 $0x1  }
.Ltmp3:
0x75: {  	_ = 	snop;
	(pc) =	sbr.rel .LBB2_3-.Ltmp3, $1  }
0x76: {  	_ =	sdelay $0x3  }
.LBB2_6:
0x77: {  	s16 =	simm.s32 $0x400  }
.LBB2_10:
0x78: {  	_ =	swait.ge [sflag:s17], $0x8000  }
0x79: {  	[sflag:s17] =	ssyncset.done $0x0  }
0x7a: {  	[sflag:s17] =	ssyncadd.s32 $0xFFFF8000  }
0x7b: {  	v3 =	vld [tilespmem:s15+$0x200];
	_ =	sdelay $0x1  }
0x7c: {  	v4 =	vld [tilespmem:s15+$0x0];
	_ =	sdelay $0x2  }
0x7d: {  	v3 =	vand.u32 $0x7, v3  }
0x7e: {  	v3 =	vshll.u32 v3, $0x7  }
0x7f: {  	v4 =	vand.u32 $0x7F, v4;
	v3 =	vor.u32 v0, v3  }
0x80: {  	v3 =	vor.u32 v4, v3;
	_ =	sdelay $0x4  }
0x81: {  	v3 =	vld.idx.msk [tilespmem:v3+s16+$0x0], $0xffff;
	_ =	sdelay $0x3  }
0x82: {  	v63 =	vld [tilespmem:s15+$0x210]  }
0x83: {  	s31 =	sor.u32 $0x10, s15;
	[tilespmem:s15+$0x10400] =	vst v3  }
0x84: {  	v3 =	vld [tilespmem:s31+$0x0];
	_ =	sdelay $0x2  }
0x85: {  	v4 =	vand.u32 $0x7, v63  }
0x86: {  	v4 =	vshll.u32 v4, $0x7  }
0x87: {  	v4 =	vor.u32 v2, v4;
	v3 =	vand.u32 $0x7F, v3  }
0x88: {  	v3 =	vor.u32 v3, v4;
	_ =	sdelay $0x3  }
0x89: {  	s14 =	sadd.s32 $0x1, s14  }
0x8a: {  	p0 =	sne.s32 s14, $0xF;
	v3 =	vld.idx.msk [tilespmem:v3+s16+$0x0], $0xffff  }
.Ltmp4:
0x8b: {  	_ = 	snop;
	(pc) =	sbr.rel @!p0 .LBB2_11-.Ltmp4, $2  }
0x8c: {  	_ =	sdelay $0x2  }
0x8d: {  	[tilespmem:s15+$0x10410] =	vst v3  }
.LBB2_3:
0x8e: {  	s15 =	sand.u32 $0x1, s14  }
0x8f: {  	p0 =	seq.s32 s15, $0x1  }
.Ltmp5:
0x90: {  	_ = 	snop;
	(pc) =	sbr.rel @!p0 .LBB2_4-.Ltmp5, $2  }
0x91: {  	_ =	sdelay $0x2  }
0x92: {  	s15 =	sshll.u32 s14, $0x5  }
0x93: {  	s16 =	sadd.s32 $0x20, s15;
	s17 =	simm.s32 $0x0;
	p0 =	por $0x1, $0x1  }
.LBB2_8:
0x94: {  	s18 =	sshll.u32 s17, $0x4  }
0x95: {  	s18 =	sor.u32 s16, s18  }
0x96: {  	v3 =	vld [tilespmem:s18+$0x0]  }
0x97: {  	v4 =	vld [tilespmem:s18+$0x200];
	_ =	sdelay $0x3  }
0x98: {  	v5 =	vand.u32 $0x7F, v3  }
0x99: {  	v6 =	vshra.s32 v3, $0x1F;
	v59 =	vand.u32 $0x7, v4;
	vm1 =	vlt.s32 v3, $0x1  }
0x9a: {  	v60 =	vshra.s32 v4, $0x1F;
	vm15 =	vlt.s32 v4, $0x1;
	vm0 =	vne.s32 v5, $0x0  }
0x9b: {  	vm2 =	vne.s32 v59, $0x0;
	v5 =	vshrl.u32 v60, $0x1D;
	v61 =	vshrl.u32 v6, $0x19  }
0x9c: {  	vm0 =	vmand vm1, vm0;
	vm1 =	vmand vm15, vm2;
	v4 =	vadd.s32 v5, v4  }
0x9d: {  	v3 =	vadd.s32 v61, v3;
	v4 =	vshrl.u32 v4, $0x3;
	v62 =	vsel vm1, $0xFFFFFFFF, v1  }
0x9e: {  	v3 =	vshrl.u32 v3, $0x7;
	v63 =	vsel vm0, $0xFFFFFFFF, v1;
	v4 =	vadd.s32 v62, v4  }
0x9f: {  	v3 =	vadd.s32 v63, v3;
	v4 =	vmul.u32 $0x18700, v4  }
0xa0: {  	v3 =	vshll.u32 v3, $0x7  }
0xa1: {  	v3 =	vadd.s32 s1, v3;
	(v2sf) =	vpush v4, $0x0  }
0xa2: {  	(v2sf) =	vpush v3, $0x0  }
0xa3: {  	(v2sf) =	vpush v4, $0x1;
	_ =	sdelay $0x1  }
0xa4: {  	(v2sf) =	vpush v3, $0x1  }
0xa5: {  	(v2sf) =	vpush v4, $0x2;
	_ =	sdelay $0x1  }
0xa6: {  	(v2sf) =	vpush v3, $0x2  }
0xa7: {  	(v2sf) =	vpush v4, $0x3;
	_ =	sdelay $0x1  }
0xa8: {  	(v2sf) =	vpush v3, $0x3  }
0xa9: {  	(v2sf) =	vpush v4, $0x4;
	_ =	sdelay $0x1  }
0xaa: {  	(v2sf) =	vpush v3, $0x4  }
0xab: {  	(v2sf) =	vpush v4, $0x5  }
0xac: {  	s28 =	sshll.u32 s17, $0xE;
	s26 =	spop (v2sf)  }
0xad: {  	s17 =	sand.u32 $0x3FFFC000, s28;
	(v2sf) =	vpush v3, $0x5;
	s19 =	spop (v2sf)  }
0xae: {  	s20 =	sor.u32 $0x400, s17;
	(v2sf) =	vpush v4, $0x6;
	s18 =	sadd.s32 s26, s19;
	s29 =	spop (v2sf)  }
0xaf: {  	[tilespmem:s20], [sflag:$0x1] =	stream.linear.gather [hbm4b:s18+s3], $0x400, $0x38;
	[tilespmem:$0x10600] =	vst v63  }
0xb0: {  	(v2sf) =	vpush v3, $0x6;
	s30 =	spop (v2sf)  }
0xb1: {  	s31 =	sor.u32 $0x800, s17;
	(v2sf) =	vpush v4, $0x7;
	s18 =	sadd.s32 s29, s30;
	s21 =	spop (v2sf)  }
0xb2: {  	[tilespmem:s31], [sflag:$0x1] =	stream.linear.gather [hbm4b:s18+s3], $0x400, $0x38;
	[tilespmem:$0x10600] =	vst v63  }
0xb3: {  	(v2sf) =	vpush v3, $0x7;
	s22 =	spop (v2sf)  }
0xb4: {  	s23 =	sor.u32 $0xC00, s17;
	(v2sf) =	vpush v4, $0x8;
	s18 =	sadd.s32 s21, s22;
	s24 =	spop (v2sf)  }
0xb5: {  	[tilespmem:s23], [sflag:$0x1] =	stream.linear.gather [hbm4b:s18+s3], $0x400, $0x38;
	[tilespmem:$0x10600] =	vst v63  }
0xb6: {  	(v2sf) =	vpush v3, $0x8;
	s25 =	spop (v2sf)  }
0xb7: {  	s26 =	sor.u32 $0x1000, s17;
	(v2sf) =	vpush v4, $0x9;
	s18 =	sadd.s32 s24, s25;
	s28 =	spop (v2sf)  }
0xb8: {  	[tilespmem:s26], [sflag:$0x1] =	stream.linear.gather [hbm4b:s18+s3], $0x400, $0x38;
	[tilespmem:$0x10600] =	vst v63  }
0xb9: {  	(v2sf) =	vpush v3, $0x9;
	s29 =	spop (v2sf)  }
0xba: {  	s30 =	sor.u32 $0x1400, s17;
	(v2sf) =	vpush v4, $0xA;
	s18 =	sadd.s32 s28, s29;
	s31 =	spop (v2sf)  }
0xbb: {  	[tilespmem:s30], [sflag:$0x1] =	stream.linear.gather [hbm4b:s18+s3], $0x400, $0x38;
	[tilespmem:$0x10600] =	vst v63  }
0xbc: {  	s20 =	spop (v2sf);
	(v2sf) =	vpush v3, $0xA  }
0xbd: {  	s21 =	sor.u32 $0x1800, s17;
	s18 =	sadd.s32 s31, s20;
	s22 =	spop (v2sf);
	(v2sf) =	vpush v4, $0xB  }
0xbe: {  	[tilespmem:s21], [sflag:$0x1] =	stream.linear.gather [hbm4b:s18+s3], $0x400, $0x38;
	[tilespmem:$0x10600] =	vst v63  }
0xbf: {  	s23 =	spop (v2sf);
	(v2sf) =	vpush v3, $0xB  }
0xc0: {  	s24 =	sor.u32 $0x1C00, s17;
	s18 =	sadd.s32 s22, s23;
	s25 =	spop (v2sf);
	(v2sf) =	vpush v4, $0xC  }
0xc1: {  	[tilespmem:s24], [sflag:$0x1] =	stream.linear.gather [hbm4b:s18+s3], $0x400, $0x38;
	[tilespmem:$0x10600] =	vst v63  }
0xc2: {  	s26 =	spop (v2sf);
	(v2sf) =	vpush v3, $0xC  }
0xc3: {  	s28 =	sor.u32 $0x2000, s17;
	s18 =	sadd.s32 s25, s26;
	s29 =	spop (v2sf);
	(v2sf) =	vpush v4, $0xD  }
0xc4: {  	[tilespmem:s28], [sflag:$0x1] =	stream.linear.gather [hbm4b:s18+s3], $0x400, $0x38;
	[tilespmem:$0x10600] =	vst v63  }
0xc5: {  	s30 =	spop (v2sf);
	(v2sf) =	vpush v3, $0xD  }
0xc6: {  	s31 =	sor.u32 $0x2400, s17;
	s18 =	sadd.s32 s29, s30;
	s21 =	spop (v2sf);
	(v2sf) =	vpush v4, $0xE  }
0xc7: {  	[tilespmem:s31], [sflag:$0x1] =	stream.linear.gather [hbm4b:s18+s3], $0x400, $0x38;
	[tilespmem:$0x10600] =	vst v63  }
0xc8: {  	s22 =	spop (v2sf);
	(v2sf) =	vpush v3, $0xE  }
0xc9: {  	s23 =	sor.u32 $0x2800, s17;
	s18 =	sadd.s32 s21, s22;
	s24 =	spop (v2sf)  }
0xca: {  	[tilespmem:s23], [sflag:$0x1] =	stream.linear.gather [hbm4b:s18+s3], $0x400, $0x38;
	[tilespmem:$0x10600] =	vst v63  }
0xcb: {  	(v2sf) =	vpush v4, $0xF;
	s25 =	spop (v2sf)  }
0xcc: {  	s28 =	sor.u32 $0x2C00, s17;
	(v2sf) =	vpush v3, $0xF;
	s26 =	spop (v2sf);
	s18 =	sadd.s32 s24, s25  }
0xcd: {  	[tilespmem:s28], [sflag:$0x1] =	stream.linear.gather [hbm4b:s18+s3], $0x400, $0x38;
	[tilespmem:$0x10600] =	vst v63  }
0xce: {  	s29 =	spop (v2sf)  }
0xcf: {  	s31 =	sor.u32 $0x3000, s17;
	s30 =	spop (v2sf);
	s18 =	sadd.s32 s26, s29  }
0xd0: {  	[tilespmem:s31], [sflag:$0x1] =	stream.linear.gather [hbm4b:s18+s3], $0x400, $0x38;
	[tilespmem:$0x10600] =	vst v63  }
0xd1: {  	s21 =	spop (v2sf)  }
0xd2: {  	s23 =	sor.u32 $0x3400, s17;
	s22 =	spop (v2sf);
	s18 =	sadd.s32 s30, s21  }
0xd3: {  	[tilespmem:s23], [sflag:$0x1] =	stream.linear.gather [hbm4b:s18+s3], $0x400, $0x38;
	[tilespmem:$0x10600] =	vst v63  }
0xd4: {  	s24 =	spop (v2sf)  }
0xd5: {  	s26 =	sor.u32 $0x3800, s17;
	s25 =	spop (v2sf);
	s18 =	sadd.s32 s22, s24  }
0xd6: {  	[tilespmem:s26], [sflag:$0x1] =	stream.linear.gather [hbm4b:s18+s3], $0x400, $0x38;
	[tilespmem:$0x10600] =	vst v63  }
0xd7: {  	s28 =	spop (v2sf)  }
0xd8: {  	p1 =	por p0, p0;
	s30 =	sor.u32 $0x3C00, s17;
	s18 =	sadd.s32 s25, s28  }
0xd9: {  	[tilespmem:s30], [sflag:$0x1] =	stream.linear.gather [hbm4b:s18+s3], $0x400, $0x38;
	[tilespmem:$0x10600] =	vst v63  }
.Ltmp6:
0xda: {  	s29 =	spop (v2sf);
	(pc) =	sbr.rel @p1 .LBB2_8-.Ltmp6, $4  }
0xdb: {  	s31 =	spop (v2sf)  }
0xdc: {  	s17 =	sadd.s32 $0x4000, s17;
	s18 =	sadd.s32 s29, s31  }
0xdd: {  	[tilespmem:s17], [sflag:$0x1] =	stream.linear.gather [hbm4b:s18+s3], $0x400, $0x38;
	[tilespmem:$0x10600] =	vst v63  }
0xde: {  	p0 =	por $0x0, $0x0;
	s17 =	simm.s32 $0x1  }
.Ltmp7:
0xdf: {  	(pc) =	sbr.rel .LBB2_10-.Ltmp7, $2  }
0xe0: {  	_ =	sdelay $0x2  }
0xe1: {  	s16 =	simm.s32 $0x8400;
	s17 =	simm.s32 $0x2  }
.LBB2_4:
0xe2: {  	s16 =	sor.u32 $0x20, s15;
	s17 =	simm.s32 $0x0;
	p0 =	por $0x1, $0x1  }
.LBB2_5:
0xe3: {  	s18 =	sshll.u32 s17, $0x4  }
0xe4: {  	s18 =	sor.u32 s16, s18  }
0xe5: {  	v3 =	vld [tilespmem:s18+$0x0]  }
0xe6: {  	v4 =	vld [tilespmem:s18+$0x200];
	_ =	sdelay $0x3  }
0xe7: {  	v5 =	vand.u32 $0x7F, v3  }
0xe8: {  	v6 =	vshra.s32 v3, $0x1F;
	v59 =	vand.u32 $0x7, v4;
	vm1 =	vlt.s32 v3, $0x1  }
0xe9: {  	v60 =	vshra.s32 v4, $0x1F;
	vm15 =	vlt.s32 v4, $0x1;
	vm0 =	vne.s32 v5, $0x0  }
0xea: {  	vm2 =	vne.s32 v59, $0x0;
	v5 =	vshrl.u32 v60, $0x1D;
	v61 =	vshrl.u32 v6, $0x19  }
0xeb: {  	vm0 =	vmand vm1, vm0;
	vm1 =	vmand vm15, vm2;
	v4 =	vadd.s32 v5, v4  }
0xec: {  	v3 =	vadd.s32 v61, v3;
	v4 =	vshrl.u32 v4, $0x3;
	v62 =	vsel vm1, $0xFFFFFFFF, v1  }
0xed: {  	v3 =	vshrl.u32 v3, $0x7;
	v63 =	vsel vm0, $0xFFFFFFFF, v1;
	v4 =	vadd.s32 v62, v4  }
0xee: {  	v3 =	vadd.s32 v63, v3;
	v4 =	vmul.u32 $0x18700, v4  }
0xef: {  	v3 =	vshll.u32 v3, $0x7  }
0xf0: {  	v3 =	vadd.s32 s1, v3;
	(v2sf) =	vpush v4, $0x0  }
0xf1: {  	(v2sf) =	vpush v3, $0x0  }
0xf2: {  	(v2sf) =	vpush v4, $0x1;
	_ =	sdelay $0x1  }
0xf3: {  	(v2sf) =	vpush v3, $0x1  }
0xf4: {  	(v2sf) =	vpush v4, $0x2;
	_ =	sdelay $0x1  }
0xf5: {  	(v2sf) =	vpush v3, $0x2  }
0xf6: {  	(v2sf) =	vpush v4, $0x3;
	_ =	sdelay $0x1  }
0xf7: {  	(v2sf) =	vpush v3, $0x3  }
0xf8: {  	(v2sf) =	vpush v4, $0x4;
	_ =	sdelay $0x1  }
0xf9: {  	(v2sf) =	vpush v3, $0x4  }
0xfa: {  	(v2sf) =	vpush v4, $0x5  }
0xfb: {  	s28 =	sshll.u32 s17, $0xE;
	s26 =	spop (v2sf)  }
0xfc: {  	s17 =	sand.u32 $0x3FFFC000, s28;
	(v2sf) =	vpush v3, $0x5;
	s19 =	spop (v2sf)  }
0xfd: {  	s20 =	sadd.s32 $0x8400, s17;
	(v2sf) =	vpush v4, $0x6;
	s18 =	sadd.s32 s26, s19;
	s29 =	spop (v2sf)  }
0xfe: {  	[tilespmem:s20], [sflag:$0x2] =	stream.linear.gather [hbm4b:s18+s3], $0x400, $0x38;
	[tilespmem:$0x10600] =	vst v63  }
0xff: {  	(v2sf) =	vpush v3, $0x6;
	s30 =	spop (v2sf)  }
0x100: {  	s31 =	sadd.s32 $0x8800, s17;
	(v2sf) =	vpush v4, $0x7;
	s18 =	sadd.s32 s29, s30;
	s21 =	spop (v2sf)  }
0x101: {  	[tilespmem:s31], [sflag:$0x2] =	stream.linear.gather [hbm4b:s18+s3], $0x400, $0x38;
	[tilespmem:$0x10600] =	vst v63  }
0x102: {  	(v2sf) =	vpush v3, $0x7;
	s22 =	spop (v2sf)  }
0x103: {  	s23 =	sadd.s32 $0x8C00, s17;
	(v2sf) =	vpush v4, $0x8;
	s18 =	sadd.s32 s21, s22;
	s24 =	spop (v2sf)  }
0x104: {  	[tilespmem:s23], [sflag:$0x2] =	stream.linear.gather [hbm4b:s18+s3], $0x400, $0x38;
	[tilespmem:$0x10600] =	vst v63  }
0x105: {  	(v2sf) =	vpush v3, $0x8;
	s25 =	spop (v2sf)  }
0x106: {  	s26 =	sadd.s32 $0x9000, s17;
	(v2sf) =	vpush v4, $0x9;
	s18 =	sadd.s32 s24, s25;
	s28 =	spop (v2sf)  }
0x107: {  	[tilespmem:s26], [sflag:$0x2] =	stream.linear.gather [hbm4b:s18+s3], $0x400, $0x38;
	[tilespmem:$0x10600] =	vst v63  }
0x108: {  	(v2sf) =	vpush v3, $0x9;
	s29 =	spop (v2sf)  }
0x109: {  	s30 =	sadd.s32 $0x9400, s17;
	(v2sf) =	vpush v4, $0xA;
	s18 =	sadd.s32 s28, s29;
	s31 =	spop (v2sf)  }
0x10a: {  	[tilespmem:s30], [sflag:$0x2] =	stream.linear.gather [hbm4b:s18+s3], $0x400, $0x38;
	[tilespmem:$0x10600] =	vst v63  }
0x10b: {  	s20 =	spop (v2sf);
	(v2sf) =	vpush v3, $0xA  }
0x10c: {  	s21 =	sadd.s32 $0x9800, s17;
	s18 =	sadd.s32 s31, s20;
	s22 =	spop (v2sf);
	(v2sf) =	vpush v4, $0xB  }
0x10d: {  	[tilespmem:s21], [sflag:$0x2] =	stream.linear.gather [hbm4b:s18+s3], $0x400, $0x38;
	[tilespmem:$0x10600] =	vst v63  }
0x10e: {  	s23 =	spop (v2sf);
	(v2sf) =	vpush v3, $0xB  }
0x10f: {  	s24 =	sadd.s32 $0x9C00, s17;
	s18 =	sadd.s32 s22, s23;
	s25 =	spop (v2sf);
	(v2sf) =	vpush v4, $0xC  }
0x110: {  	[tilespmem:s24], [sflag:$0x2] =	stream.linear.gather [hbm4b:s18+s3], $0x400, $0x38;
	[tilespmem:$0x10600] =	vst v63  }
0x111: {  	s26 =	spop (v2sf);
	(v2sf) =	vpush v3, $0xC  }
0x112: {  	s28 =	sadd.s32 $0xA000, s17;
	s18 =	sadd.s32 s25, s26;
	s29 =	spop (v2sf);
	(v2sf) =	vpush v4, $0xD  }
0x113: {  	[tilespmem:s28], [sflag:$0x2] =	stream.linear.gather [hbm4b:s18+s3], $0x400, $0x38;
	[tilespmem:$0x10600] =	vst v63  }
0x114: {  	s30 =	spop (v2sf);
	(v2sf) =	vpush v3, $0xD  }
0x115: {  	s31 =	sadd.s32 $0xA400, s17;
	s18 =	sadd.s32 s29, s30;
	s21 =	spop (v2sf);
	(v2sf) =	vpush v4, $0xE  }
0x116: {  	[tilespmem:s31], [sflag:$0x2] =	stream.linear.gather [hbm4b:s18+s3], $0x400, $0x38;
	[tilespmem:$0x10600] =	vst v63  }
0x117: {  	s22 =	spop (v2sf);
	(v2sf) =	vpush v3, $0xE  }
0x118: {  	s23 =	sadd.s32 $0xA800, s17;
	s18 =	sadd.s32 s21, s22;
	s24 =	spop (v2sf)  }
0x119: {  	[tilespmem:s23], [sflag:$0x2] =	stream.linear.gather [hbm4b:s18+s3], $0x400, $0x38;
	[tilespmem:$0x10600] =	vst v63  }
0x11a: {  	(v2sf) =	vpush v4, $0xF;
	s25 =	spop (v2sf)  }
0x11b: {  	s28 =	sadd.s32 $0xAC00, s17;
	(v2sf) =	vpush v3, $0xF;
	s26 =	spop (v2sf);
	s18 =	sadd.s32 s24, s25  }
0x11c: {  	[tilespmem:s28], [sflag:$0x2] =	stream.linear.gather [hbm4b:s18+s3], $0x400, $0x38;
	[tilespmem:$0x10600] =	vst v63  }
0x11d: {  	s29 =	spop (v2sf)  }
0x11e: {  	s31 =	sadd.s32 $0xB000, s17;
	s30 =	spop (v2sf);
	s18 =	sadd.s32 s26, s29  }
0x11f: {  	[tilespmem:s31], [sflag:$0x2] =	stream.linear.gather [hbm4b:s18+s3], $0x400, $0x38;
	[tilespmem:$0x10600] =	vst v63  }
0x120: {  	s21 =	spop (v2sf)  }
0x121: {  	s23 =	sadd.s32 $0xB400, s17;
	s22 =	spop (v2sf);
	s18 =	sadd.s32 s30, s21  }
0x122: {  	[tilespmem:s23], [sflag:$0x2] =	stream.linear.gather [hbm4b:s18+s3], $0x400, $0x38;
	[tilespmem:$0x10600] =	vst v63  }
0x123: {  	s24 =	spop (v2sf)  }
0x124: {  	s26 =	sadd.s32 $0xB800, s17;
	s25 =	spop (v2sf);
	s18 =	sadd.s32 s22, s24  }
0x125: {  	[tilespmem:s26], [sflag:$0x2] =	stream.linear.gather [hbm4b:s18+s3], $0x400, $0x38;
	[tilespmem:$0x10600] =	vst v63  }
0x126: {  	s28 =	spop (v2sf)  }
0x127: {  	p1 =	por p0, p0;
	s30 =	sadd.s32 $0xBC00, s17;
	s18 =	sadd.s32 s25, s28  }
0x128: {  	[tilespmem:s30], [sflag:$0x2] =	stream.linear.gather [hbm4b:s18+s3], $0x400, $0x38;
	[tilespmem:$0x10600] =	vst v63  }
.Ltmp8:
0x129: {  	s29 =	spop (v2sf);
	(pc) =	sbr.rel @p1 .LBB2_5-.Ltmp8, $4  }
0x12a: {  	s31 =	spop (v2sf)  }
0x12b: {  	s17 =	sadd.s32 $0xC000, s17;
	s18 =	sadd.s32 s29, s31  }
0x12c: {  	[tilespmem:s17], [sflag:$0x2] =	stream.linear.gather [hbm4b:s18+s3], $0x400, $0x38;
	[tilespmem:$0x10600] =	vst v63  }
0x12d: {  	p0 =	por $0x0, $0x0;
	s17 =	simm.s32 $0x1  }
.Ltmp9:
0x12e: {  	_ = 	snop;
	(pc) =	sbr.rel .LBB2_6-.Ltmp9, $1  }
0x12f: {  	_ =	sdelay $0x3  }
.LBB2_12:
0x130: {  	_ =	sfence.sel $0x180000  }
0x131: {  	[bflag:$0x0] =	sbarrier.arrive $0xFFFF  }
0x132: {  	p0 =	sne.s32 s2, $0x0;
	_ =	strace $0x9000004A  }
0x133: {  	s0 =	sadd.s32 @!p0 $0x100000, s0;
	[bflag:$0x2] =	sbarrier.arrive $0xFFFF  }
0x134: {  	[sflag:s0] =	ssyncadd.tile.s32 @!p0 $0x1;
	_ =	shalt  }
.Lfunc_end2:
_tile_overlayer_lowered:
.L_overlay_start_2:
0x135: {  	(tag) =	ssettag $0x2  }
0x136: {  	s0 =	rddreg [dreg:$0x0];
	s2 =	stileid.u32  }
0x137: {  	s1 =	rddreg [dreg:$0x1];
	p0 =	sne.s32 s2, $0x0  }
0x138: {  	s3 =	rddreg [dreg:$0x2];
	[bflag:$0x3] =	sbarrier.arrive $0xFFFF;
	s2 =	simm.s32 @!p0 $0x1C03  }
0x139: {  	[timem:s3], [sflag:s2] =	dma.local @!p0 [hbm:s0], s1  }
0x13a: {  	s0 =	simm.s32 @!p0 $0x3  }
0x13b: {  	_ =	swait.ge @!p0 [sflag:s0], s1  }
0x13c: {  	s1 =	ssub.s32 @!p0 $0x0, s1;
	[sflag:s0] =	ssyncset.done @!p0 $0x0  }
0x13d: {  	[sflag:s0] =	ssyncadd.s32 @!p0 s1  }
0x13e: {  	[bflag:$0x3] =	sbarrier.arrive $0xFFFF  }
0x13f: {  	_ =	shalt  }

// kernel: kernel.7.cloned.1.call-start
scs
__scs_entry_jumppad:
0x0: {  	(pc) =	sbr.rel $0x88, $3  }
0x1: {  	(tag) =	ssettag $0x0;
	lr =	simm.s32 $0x1  }
0x2: {  	[smem:$0x3F99] =	sst lr;
	_ =	strace $0xD0000000  }
0x3: {  	_ = 	snop  }
0x4: {  	_ = 	snop  }
0x5: {  	_ = 	snop  }
0x6: {  	_ = 	snop  }
0x7: {  	_ = 	snop  }
__scs_overlays_trampoline_lowered:
0x8: {  	[smem:$0x3FA8] =	sst s0  }
0x9: {  	[smem:$0x3FA9] =	sst s1  }
0xa: {  	[smem:$0x3FAA] =	sst s2  }
0xb: {  	[smem:$0x3FAB] =	sst s3  }
0xc: {  	[smem:$0x3FAC] =	sst s4  }
0xd: {  	[smem:$0x3FAD] =	sst s5  }
0xe: {  	[smem:$0x3FAE] =	sst s6  }
0xf: {  	[smem:$0x3FAF] =	sst s7  }
0x10: {  	[smem:$0x3FB0] =	sst s8  }
0x11: {  	[smem:$0x3FB1] =	sst s9;
	s0 =	simm.s32 @!p0 $0x0  }
0x12: {  	s1 =	sld [smem:$0x3F97];
	s0 =	simm.s32 @p0 $0x1  }
0x13: {  	[smem:$0x3FB2] =	sst s0;
	s0 =	simm.s32 @!p1 $0x0  }
0x14: {  	s2 =	sld [smem:$0x3F96];
	s0 =	simm.s32 @p1 $0x1  }
0x15: {  	[smem:$0x3FB3] =	sst s0;
	s0 =	simm.s32 @!p2 $0x0  }
0x16: {  	s3 =	sld [smem:$0x3FDB];
	s0 =	simm.s32 @p2 $0x1  }
0x17: {  	s4 =	simm.s32 $0x1BF5;
	[smem:$0x3FB5] =	sst s0  }
0x18: {  	s0 =	sld [smem:$0x3F98];
	_ =	swait.ge [sflag:s4], $0x0  }
0x19: {  	s7 =	sld [smem:$0x3F99]  }
0x1a: {  	s8 =	sadd.s32 $0xFFFFE003, lr  }
0x1b: {  	s9 =	sadd.s32 $0xFFFFFEF7, lr;
	s5 =	simm.s32 $0xFFFFFFFF;
	p2 =	slt.u32 s8, $0xFFFFF086  }
0x1c: {  	p1 =	slt.u32 s9, $0xF7A;
	s5 =	simm.s32 @!p2 $0x0  }
0x1d: {  	s5 =	simm.s32 @p1 $0x1;
	p0 =	seq.s32 s7, s2  }
0x1e: {  	s7 =	smul.u32 @!p0 $0xF7A, s2;
	p2 =	seq.s32 @!p0 s5, $0x0  }
0x1f: {  	s9 =	smul.u32 $0xF7A, s1;
	s8 =	simm.s32 @!p0 $0x1BF5;
	p2 =	por !p2, p0  }
0x20: {  	[sflag:s8] =	ssyncset.s32 @!p0 $0xFFFFF086;
	s6 =	sadd.s32 @!p0 s3, s7;
	s7 =	simm.s32 @!p0 $0x108  }
0x21: {  	s3 =	sadd.s32 s3, s9;
	s6 =	sadd.s32 @!p0 $0x88, s6;
	s7 =	simm.s32 @p2 $0x1082  }
0x22: {  	[simem:s7], [sflag:s8] =	dma.local @!p0 [hbm:s6], $0xF7A  }
0x23: {  	s9 =	sor.u32 $0xD0000000, s2;
	s6 =	simm.s32 $0x108;
	_ =	swait.ge @!p0 [sflag:s8], $0x0  }
0x24: {  	s3 =	sadd.s32 $0x88, s3;
	s6 =	simm.s32 @!p1 $0x1082;
	[sflag:s4] =	ssyncset.s32 $0xFFFFF086  }
0x25: {  	[simem:s6], [sflag:s4] =	dma.local [hbm:s3], $0xF7A  }
0x26: {  	[smem:$0x3F99] =	sst s1;
	(tag) =	ssettag s2;
	_ =	strace s9  }
0x27: {  	s1 =	sld [smem:$0x3FA9]  }
0x28: {  	s2 =	sld [smem:$0x3FAA]  }
0x29: {  	s4 =	sld [smem:$0x3FAC]  }
0x2a: {  	p0 =	seq.s32 s5, $0x0;
	s5 =	sld [smem:$0x3FAD]  }
0x2b: {  	s6 =	sld [smem:$0x3FAE]  }
0x2c: {  	s7 =	sld [smem:$0x3FAF]  }
0x2d: {  	s3 =	simm.s32 $0x108;
	s8 =	sld [smem:$0x3FB0]  }
0x2e: {  	s3 =	simm.s32 @!p0 $0x1082;
	s9 =	sld [smem:$0x3FB1]  }
0x2f: {  	lr =	sadd.s32 s0, s3;
	s0 =	sld [smem:$0x3FA8]  }
0x30: {  	s3 =	sld [smem:$0x3FAB]  }
0x31: {  	[smem:$0x3FB4] =	sst s10  }
0x32: {  	s10 =	sld [smem:$0x3FB2];
	_ =	sdelay $0x3  }
0x33: {  	p0 =	seq.s32 s10, $0x1;
	s10 =	sld [smem:$0x3FB4];
	_ =	sdelay $0x3  }
0x34: {  	[smem:$0x3FB4] =	sst s10  }
0x35: {  	s10 =	sld [smem:$0x3FB3];
	_ =	sdelay $0x3  }
0x36: {  	p1 =	seq.s32 s10, $0x1;
	s10 =	sld [smem:$0x3FB4];
	_ =	sdelay $0x3  }
0x37: {  	[smem:$0x3FB4] =	sst s10  }
0x38: {  	s10 =	sld [smem:$0x3FB5]  }
0x39: {  	_ = 	snop;
	(pc) =	sbr.ind lr, $3  }
0x3a: {  	_ = 	snop  }
0x3b: {  	_ = 	snop  }
0x3c: {  	p2 =	seq.s32 s10, $0x1;
	s10 =	sld [smem:$0x3FB4]  }
0x3d: {  	_ =	shalt  }
0x3e: {  	_ =	shalt  }
0x3f: {  	_ =	shalt  }
0x40: {  	_ =	shalt  }
0x41: {  	_ =	shalt  }
0x42: {  	_ =	shalt  }
0x43: {  	_ =	shalt  }
0x44: {  	_ =	shalt  }
0x45: {  	_ =	shalt  }
0x46: {  	_ =	shalt  }
0x47: {  	_ =	shalt  }
0x48: {  	_ =	shalt  }
0x49: {  	_ =	shalt  }
0x4a: {  	_ =	shalt  }
0x4b: {  	_ =	shalt  }
0x4c: {  	_ =	shalt  }
0x4d: {  	_ =	shalt  }
0x4e: {  	_ =	shalt  }
0x4f: {  	_ =	shalt  }
0x50: {  	_ =	shalt  }
0x51: {  	_ =	shalt  }
0x52: {  	_ =	shalt  }
0x53: {  	_ =	shalt  }
0x54: {  	_ =	shalt  }
0x55: {  	_ =	shalt  }
0x56: {  	_ =	shalt  }
0x57: {  	_ =	shalt  }
0x58: {  	_ =	shalt  }
0x59: {  	_ =	shalt  }
0x5a: {  	_ =	shalt  }
0x5b: {  	_ =	shalt  }
0x5c: {  	_ =	shalt  }
0x5d: {  	_ =	shalt  }
0x5e: {  	_ =	shalt  }
0x5f: {  	_ =	shalt  }
0x60: {  	_ =	shalt  }
0x61: {  	_ =	shalt  }
0x62: {  	_ =	shalt  }
0x63: {  	_ =	shalt  }
0x64: {  	_ =	shalt  }
0x65: {  	_ =	shalt  }
0x66: {  	_ =	shalt  }
0x67: {  	_ =	shalt  }
0x68: {  	_ =	shalt  }
0x69: {  	_ =	shalt  }
0x6a: {  	_ =	shalt  }
0x6b: {  	_ =	shalt  }
0x6c: {  	_ =	shalt  }
0x6d: {  	_ =	shalt  }
0x6e: {  	_ =	shalt  }
0x6f: {  	_ =	shalt  }
0x70: {  	_ =	shalt  }
0x71: {  	_ =	shalt  }
0x72: {  	_ =	shalt  }
0x73: {  	_ =	shalt  }
0x74: {  	_ =	shalt  }
0x75: {  	_ =	shalt  }
0x76: {  	_ =	shalt  }
0x77: {  	_ =	shalt  }
0x78: {  	_ =	shalt  }
0x79: {  	_ =	shalt  }
0x7a: {  	_ =	shalt  }
0x7b: {  	_ =	shalt  }
0x7c: {  	_ =	shalt  }
0x7d: {  	_ =	shalt  }
0x7e: {  	_ =	shalt  }
0x7f: {  	_ =	shalt  }
0x80: {  	_ =	shalt  }
0x81: {  	_ =	shalt  }
0x82: {  	_ =	shalt  }
0x83: {  	_ =	shalt  }
0x84: {  	_ =	shalt  }
0x85: {  	_ =	shalt  }
0x86: {  	_ =	shalt  }
0x87: {  	_ =	shalt  }
.Lfunc_end0:
.L_simem_size_0:
called_computation.1_lowered:
.L_overlay_start_0:
0x88: {  	s2 =	sld [smem:$0x3FD9]  }
0x89: {  	s3 =	sld [smem:$0x3FFE];
	_ =	sdelay $0x1  }
0x8a: {  	s1 =	srdreg.scid  }
0x8b: {  	s0 =	sand.u32 $0x1, s1  }
0x8c: {  	s17 =	sshll.u32 s0, $0xA;
	s2 =	sadd.s32 s3, s2  }
0x8d: {  	s2 =	sadd.s32 s2, s17  }
0x8e: {  	[smem:$0x3FC0] =	sst s2  }
0x8f: {  	_ = 	snop  }
0x90: {  	s2 =	sld [smem:$0x3FC9]  }
0x91: {  	s18 =	sld [smem:$0x3FC8]  }
0x92: {  	s4 =	sld [smem:$0x3FC5]  }
0x93: {  	s5 =	sld [smem:$0x3FC4];
	(tm) =	ssettm $0x1  }
0x94: {  	s6 =	sld [smem:$0x3FFB];
	_ =	sdelay $0x3  }
0x95: {  	_ =	strace s6  }
0x96: {  	s6 =	sld [smem:$0x3FFC];
	_ =	sdelay $0x3  }
0x97: {  	_ =	strace s6  }
0x98: {  	s6 =	sld [smem:$0x3FFD];
	_ =	sdelay $0x3  }
0x99: {  	_ =	strace s6  }
0x9a: {  	_ =	strace $0x8FFFFFFF  }
0x9b: {  	s19 =	sld [smem:$0x3FDB];
	_ =	sdelay $0x1  }
0x9c: {  	s7 =	simm.s32 $_scs_section_size  }
0x9d: {  	s8 =	simm.s32 $_size__tile_overlayer_lowered;
	s9 =	simm.s32 $_tile_overlayer_lowered  }
0x9e: {  	s22 =	simm.s32 $0x1BFF;
	s21 =	sshll.u32 s9, $0x1;
	s6 =	sadd.s32 s7, s19  }
0x9f: {  	s10 =	simm.s32 $0x0;
	s20 =	sshll.u32 s8, $0x1;
	s8 =	sadd.s32 s21, s6  }
0xa0: {  	[timem:s10], [sflag:s22] =	dma.local [hbm:s8], s20  }
0xa1: {  	_ =	swait.ge [sflag:s22], s20  }
0xa2: {  	s7 =	ssub.s32 $0x0, s20;
	[sflag:s22] =	ssyncset.done $0x0  }
0xa3: {  	[sflag:s22] =	ssyncadd.s32 s7;
	_ =	sdelay $0x1  }
0xa4: {  	s23 =	simm.s32 $0x1B8B  }
0xa5: {  	_ =	swait.ge [sflag:s23], $0x1  }
0xa6: {  	[sflag:s23] =	ssyncset.done $0x0  }
0xa7: {  	s25 =	simm.s32 $0x1B8E;
	s24 =	sld [smem:$0x3FFE];
	[sflag:s23] =	ssyncadd.s32 $0xFFFFFFFF  }
0xa8: {  	s26 =	simm.s32 $execute0_lowered;
	[smem:$0x3FD2] =	sst s25  }
0xa9: {  	s8 =	sshll.u32 s26, $0x1;
	_ =	strace $0x80000046;
	[dreg:$0x1] =	wrdreg $0xFFFFFFFF  }
0xaa: {  	s28 =	simm.s32 $_size_execute0_lowered;
	s6 =	sadd.s32 s6, s8;
	[dreg:$0x0] =	wrdreg $0x0  }
0xab: {  	s8 =	sshll.u32 s28, $0x1;
	[dreg:$0x2] =	wrdreg s6  }
0xac: {  	[dreg:$0x3] =	wrdreg s8  }
0xad: {  	[dreg:$0x4] =	wrdreg $0xC0  }
0xae: {  	_ =	task [dreg:s10], $0x5FFFF  }
0xaf: {  	[dreg:$0x1] =	wrdreg $0xFFFFFFFF  }
0xb0: {  	[dreg:$0x0] =	wrdreg $0x60  }
0xb1: {  	[dreg:$0x2] =	wrdreg s2  }
0xb2: {  	[dreg:$0x3] =	wrdreg s18  }
0xb3: {  	[dreg:$0x4] =	wrdreg s24  }
0xb4: {  	[dreg:$0x5] =	wrdreg s4  }
0xb5: {  	[dreg:$0x6] =	wrdreg s5  }
0xb6: {  	[dreg:$0x7] =	wrdreg $0xA  }
0xb7: {  	_ =	task.clear_ibuf [dreg:s10], $0x8FFFF;
	_ =	strace $0x90000046  }
0xb8: {  	s29 =	simm.s32 $0xA;
	_ =	strace $0x80000048  }
0xb9: {  	_ =	swait.ge [sflag:s29], $0x1  }
0xba: {  	[sflag:s29] =	ssyncadd.s32 $0xFFFFFFFF  }
0xbb: {  	_ =	strace $0x90000048  }
0xbc: {  	_ =	sfence  }
0xbd: {  	s30 =	sld [smem:$0x0];
	_ =	sdelay $0x2  }
0xbe: {  	s31 =	sshll.u32 s1, $0xD;
	s1 =	sshrl.u32 s1, $0x2  }
0xbf: {  	s3 =	sand.u32 $0x4000, s31;
	s1 =	sadd.s32 s1, s30  }
0xc0: {  	s0 =	sor.u32 s3, s0;
	s1 =	sshll.u32 s1, $0x11  }
0xc1: {  	s0 =	sor.u32 s1, s0  }
0xc2: {  	s0 =	sadd.s32 $0x8F2B, s0  }
0xc3: {  	[sflag:s0] =	ssyncadd.remote.s32 $0x1  }
0xc4: {  	_ =	sfence.sel $0xFFFF  }
0xc5: {  	[dreg:$0x0] =	wrdreg $0xFFFFFFFF;
	(pc) =	sbr.abs _section_cstart, $3  }
0xc6: {  	[dreg:$0x1] =	wrdreg $0xFFFFFFFF  }
0xc7: {  	_ =	task.clear_ibuf [dreg:s10], $0x2FFFF;
	_ =	strace $0x9FFFFFFF  }
0xc8: {  	(tm) =	ssettm $0x7FFFFFFF  }
0xc9: {  	_ =	shalt  }
tec
execute0_lowered:
.L_overlay_start_1:
0x0: {  	(tag) =	ssettag $0x1  }
0x1: {  	v17 =	vimm.s32 $0x14131211;
	v18 =	vimm.s32 $0x18171615  }
0x2: {  	v19 =	vimm.s32 $0x1C1B1A19;
	v21 =	vimm.s32 $0x19181716;
	vm0 =	vcmask $0x1F10  }
0x3: {  	v22 =	vimm.s32 $0x1D1C1B1A;
	v24 =	vimm.s32 $0x16151413;
	v26 =	vimm.s32 $0x1A191817  }
0x4: {  	v29 =	vimm.s32 $0x201001F;
	v30 =	vimm.s32 $0x3020100;
	v31 =	vimm.s32 $0x1F1E1D1C  }
0x5: {  	v32 =	vimm.s32 $0x17161514;
	v33 =	vimm.s32 $0x1B1A1918;
	v52 =	vimm.s32 $0x4030201  }
0x6: {  	v53 =	vimm.s32 $0x5040302;
	v38 =	vimm.s32 $0x6050403;
	v17 =	vunpack.c.0.s8.s32 v17  }
0x7: {  	v20 =	vunpack.c.0.s8.s32 v18;
	v19 =	vunpack.c.0.s8.s32 v19;
	v18 =	vimm.s32 $0x1F1E1D  }
0x8: {  	v21 =	vunpack.c.0.s8.s32 v21;
	v27 =	vunpack.c.0.s8.s32 v18;
	v18 =	vimm.s32 $0x15141312  }
0x9: {  	v22 =	vunpack.c.0.s8.s32 v22;
	v29 =	vunpack.c.0.s8.s32 v29;
	v18 =	vunpack.c.0.s8.s32 v18  }
0xa: {  	v30 =	vunpack.c.0.s8.s32 v30;
	v31 =	vunpack.c.0.s8.s32 v31;
	v32 =	vunpack.c.0.s8.s32 v32  }
0xb: {  	v33 =	vunpack.c.0.s8.s32 v33;
	v23 =	vsel vm0, v21, v18;
	v18 =	vimm.s32 $0x1001F1E  }
0xc: {  	v17 =	vsel vm0, v20, v17;
	v25 =	vsel vm0, v27, v19;
	v28 =	vunpack.c.0.s8.s32 v18  }
0xd: {  	v18 =	vunpack.c.0.s8.s32 v24;
	v24 =	vunpack.c.0.s8.s32 v26;
	v26 =	vimm.s32 $0x1E1D1C1B  }
0xe: {  	v37 =	vsel vm0, v19, v20;
	v16 =	vcombine.low v17, v25;
	v26 =	vunpack.c.0.s8.s32 v26  }
0xf: {  	v34 =	vsel vm0, v28, v22;
	v35 =	vsel vm0, v24, v18;
	v18 =	vsel vm0, v30, v31  }
0x10: {  	v30 =	vsel vm0, v33, v32;
	v32 =	vunpack.c.0.s8.s32 v53;
	v22 =	vsel vm0, v22, v21  }
0x11: {  	v36 =	vsel vm0, v29, v26;
	v17 =	vcombine.low v30, v18;
	v30 =	vunpack.c.0.s8.s32 v52  }
0x12: {  	v18 =	vcombine.low v23, v34;
	v23 =	vunpack.c.0.s8.s32 v38;
	v24 =	vsel vm0, v26, v24  }
0x13: {  	v26 =	vimm.s32 $0x76543210;
	v32 =	vsel vm0, v32, v28;
	v30 =	vsel vm0, v30, v27  }
0x14: {  	v26 =	vunpack.c.l.s4.s8 v26;
	v20 =	vcombine.low v37, v30;
	v30 =	vimm.s32 $0x87654321  }
0x15: {  	v54 =	vimm.s32 $0x98765432;
	v21 =	vcombine.low v22, v32;
	v30 =	vunpack.c.l.s4.s8 v30  }
0x16: {  	v23 =	vsel vm0, v23, v29;
	v32 =	vunpack.c.l.s4.s8 v54;
	v26 =	vunpack.c.0.s8.s32 v26  }
0x17: {  	v23 =	vcombine.low v24, v23;
	v24 =	vsel vm0, v31, v33;
	v30 =	vunpack.c.0.s8.s32 v30  }
0x18: {  	v22 =	vcombine.low v24, v26  }
0x19: {  	s8 =	rddreg [dreg:$0x0];
	v32 =	vunpack.c.0.s8.s32 v32;
	v26 =	vand.u32 $0xF, v30  }
0x1a: {  	s9 =	rddreg [dreg:$0x1];
	[tilespmem:$0x1FE90] =	vst v22;
	v22 =	vcombine.low v25, v26  }
0x1b: {  	s10 =	rddreg [dreg:$0x2];
	v26 =	vand.u32 $0xF, v32  }
0x1c: {  	v63 =	vlaneseq.u32;
	s0 =	rddreg [dreg:$0x3];
	[tilespmem:$0x1FEA0] =	vst v22;
	v22 =	vcombine.low v34, v26  }
0x1d: {  	s2 =	rddreg [dreg:$0x4];
	s3 =	simm.s32 $0x0;
	v0 =	vmul.u32 $0x20, v63  }
0x1e: {  	[smem:$0x7FF] =	sst s3;
	[tilespmem:$0x1FEB0] =	vst v22  }
0x1f: {  	s1 =	rddreg [dreg:$0x5];
	v1 =	vadd.s32 $0x1, v63;
	_ =	strace $0x80000047;
	[tilespmem:$0x1FEC0] =	vst v0  }
0x20: {  	v2 =	vadd.s32 $0x2, v63;
	[tilespmem:$0x1FED0] =	vst v1  }
0x21: {  	v55 =	vimm.s32 $0xA9876543;
	v56 =	vimm.s32 $0x32107654;
	v3 =	vadd.s32 $0x3, v63;
	[tilespmem:$0x1FEE0] =	vst v2  }
0x22: {  	v58 =	vimm.s32 $0x43218765;
	v59 =	vimm.s32 $0x54329876;
	v4 =	vadd.s32 $0x4, v63;
	[tilespmem:$0x1FEF0] =	vst v3  }
0x23: {  	v60 =	vimm.s32 $0x6543A987;
	vm15 =	vcmask $0x2F10;
	v5 =	vadd.s32 $0x5, v63;
	[tilespmem:$0x1FF00] =	vst v4  }
0x24: {  	vm1 =	vcmask $0x3F30;
	v6 =	vadd.s32 $0x6, v63;
	v7 =	vadd.s32 $0x7, v63;
	[tilespmem:$0x1FF10] =	vst v5  }
0x25: {  	v8 =	vadd.s32 $0x8, v63;
	v9 =	vadd.s32 $0x9, v63;
	v10 =	vadd.s32 $0xA, v63;
	[tilespmem:$0x1FF20] =	vst v6  }
0x26: {  	v11 =	vadd.s32 $0xB, v63;
	v13 =	vadd.s32 $0xD, v63;
	v33 =	vunpack.c.l.s4.s8 v55;
	[tilespmem:$0x1FF30] =	vst v7  }
0x27: {  	v14 =	vadd.s32 $0xE, v63;
	v19 =	vcombine.low v35, v36;
	v30 =	vunpack.c.l.s4.s8 v56;
	[tilespmem:$0x1FF40] =	vst v8  }
0x28: {  	v35 =	vunpack.c.l.s4.s8 v60;
	v57 =	vunpack.c.0.s8.s32 v33;
	v33 =	vunpack.c.l.s4.s8 v58;
	[tilespmem:$0x1FF50] =	vst v13  }
0x29: {  	s6 =	srdreg.scid;
	v12 =	vadd.s32 $0xC, v63;
	v30 =	vunpack.c.0.s8.s32 v30;
	v34 =	vunpack.c.l.s4.s8 v59;
	[tilespmem:$0x1FF60] =	vst v14  }
0x2a: {  	s4 =	stileid.u32;
	s15 =	simm.s32 $0x400;
	s16 =	simm.s32 $0x4400;
	v15 =	vadd.s32 $0xF, v63;
	v35 =	vunpack.c.0.s8.s32 v35;
	v33 =	vunpack.c.0.s8.s32 v33;
	[tilespmem:$0x1FF70] =	vst v10  }
0x2b: {  	s17 =	simm.s32 $0x8400;
	s18 =	simm.s32 $0x8600;
	s19 =	simm.s32 $0x8800;
	v32 =	vand.u32 $0xF, v57;
	v30 =	vand.u32 $0xF, v30;
	v34 =	vunpack.c.0.s8.s32 v34;
	[tilespmem:$0x1FF80] =	vst v11  }
0x2c: {  	s20 =	simm.s32 $0x1;
	s21 =	simm.s32 $0x8A00;
	s22 =	simm.s32 $0x0;
	v33 =	vand.u32 $0xF, v33;
	v30 =	vsel vm15, v30, v31;
	v31 =	vimm.s32 $0xB0A0908;
	[tilespmem:$0x1FF90] =	vst v12  }
0x2d: {  	s5 =	sadd.s32 $0x187600, s10;
	s6 =	sand.u32 $0x1, s6;
	s7 =	sshll.u32 s4, $0x7;
	v33 =	vsel vm15, v33, v27;
	v31 =	vunpack.c.0.s8.s32 v31;
	[tilespmem:$0x1FFA0] =	vst v16;
	v27 =	vand.u32 $0xF, v34  }
0x2e: {  	s11 =	sshll.u32 s6, $0x6;
	s12 =	ssub.s32 $0x2, s6;
	s6 =	sadd.s32 $0xC00, s10;
	[tilespmem:$0x1FFB0] =	vst v9;
	v34 =	vsel vm15, v27, v28;
	v27 =	vimm.s32 $0xC0B0A09;
	v28 =	vand.u32 $0xF, v35  }
0x2f: {  	s11 =	sor.u32 s11, s7;
	s13 =	sshrl.u32 s12, $0x1;
	s7 =	sadd.s32 $0x1C00, s10;
	[tilespmem:$0x1FFC0] =	vst v19;
	v35 =	vsel vm15, v28, v29;
	v28 =	vimm.s32 $0xD0C0B0A;
	v29 =	vimm.s32 $0xE0D0C0B  }
0x30: {  	s14 =	sadd.s32 s11, s10;
	s12 =	ssub.s32 s12, s13;
	s8 =	sadd.s32 s8, s11;
	[tilespmem:$0x1FFD0] =	vst v20;
	v61 =	vunpack.c.0.s8.s32 v27;
	v62 =	vunpack.c.0.s8.s32 v28;
	v39 =	vunpack.c.0.s8.s32 v29  }
0x31: {  	s9 =	sadd.s32 s9, s11;
	s13 =	simm.s32 $0x2;
	s10 =	sadd.s32 $0x4E00, s14;
	v26 =	vor.u32 $0x10, v63;
	v22 =	vcombine.low v36, v32;
	[tilespmem:$0x1FFE0] =	vst v17;
	v24 =	vsel vm1, v31, v30  }
0x32: {  	s11 =	sadd.s32 $0x5600, s14;
	s12 =	smax.u32 s12, $0x1;
	s14 =	simm.s32 $0x200;
	[tilespmem:$0x1FFF0] =	vst v26;
	v57 =	vsel vm1, v61, v33;
	v29 =	vsel vm1, v62, v34;
	v25 =	vsel vm1, v39, v35  }
.LBB2_1:
0x33: {  	[tilespmem:s3], [sflag:$0x2] =	stream.linear.gather [hbm4b:s8+s3], $0x200, $0x38;
	[tilespmem:$0x8C00] =	vst v63  }
0x34: {  	_ =	swait.ge [sflag:s13], $0x200  }
0x35: {  	[sflag:s13] =	ssyncset.done $0x0  }
0x36: {  	[sflag:s13] =	ssyncadd.s32 $0xFFFFFE00  }
0x37: {  	[tilespmem:s14], [sflag:$0x2] =	stream.linear.gather [hbm4b:s9+s3], $0x200, $0x38;
	[tilespmem:$0x8C00] =	vst v63  }
0x38: {  	_ =	swait.ge [sflag:s13], $0x200  }
0x39: {  	[sflag:s13] =	ssyncset.done $0x0  }
0x3a: {  	[sflag:s13] =	ssyncadd.s32 $0xFFFFFE00  }
0x3b: {  	[tilespmem:s15], [sflag:$0x1] =	stream.indirect.gather [hbm4b:s5+s14], $0x20, s3, s14, $0xb8;
	[tilespmem:$0x8C00] =	vst v63  }
0x3c: {  	_ = 	snop  }
0x3d: {  	[tilespmem:s16], [sflag:$0x1] =	stream.indirect.gather [hbm4b:s6+s14], $0x20, s14, s14, $0xb8;
	[tilespmem:$0x8C00] =	vst v63  }
0x3e: {  	_ = 	snop  }
0x3f: {  	[tilespmem:s17], [sflag:$0x1] =	stream.indirect.gather [hbm4b:s0+s14], $0x1, s3, s14, $0xb8;
	[tilespmem:$0x8C00] =	vst v63  }
0x40: {  	_ = 	snop  }
0x41: {  	[tilespmem:s18], [sflag:$0x1] =	stream.indirect.gather [hbm4b:s2+s14], $0x1, s14, s14, $0xb8;
	[tilespmem:$0x8C00] =	vst v63  }
0x42: {  	_ = 	snop  }
0x43: {  	[tilespmem:s19], [sflag:$0x1] =	stream.indirect.gather [hbm4b:s7+s14], $0x1, s3, s14, $0xb8;
	[tilespmem:$0x8C00] =	vst v63  }
0x44: {  	_ =	swait.ge [sflag:s20], $0x4000  }
0x45: {  	[sflag:s20] =	ssyncset.done $0x0  }
0x46: {  	[sflag:s20] =	ssyncadd.s32 $0xFFFFC000  }
0x47: {  	_ =	swait.ge [sflag:s20], $0x4000  }
0x48: {  	[sflag:s20] =	ssyncset.done $0x0  }
0x49: {  	[sflag:s20] =	ssyncadd.s32 $0xFFFFC000  }
0x4a: {  	_ =	swait.ge [sflag:s20], $0x200  }
0x4b: {  	[sflag:s20] =	ssyncset.done $0x0  }
0x4c: {  	[sflag:s20] =	ssyncadd.s32 $0xFFFFFE00  }
0x4d: {  	_ =	swait.ge [sflag:s20], $0x200  }
0x4e: {  	[sflag:s20] =	ssyncset.done $0x0  }
0x4f: {  	[sflag:s20] =	ssyncadd.s32 $0xFFFFFE00  }
0x50: {  	s23 =	simm.s32 $0xFFFFFFFE;
	_ =	swait.ge [sflag:s20], $0x200  }
0x51: {  	s24 =	simm.s32 $0x8410;
	s25 =	simm.s32 $0x8610;
	[sflag:s20] =	ssyncset.done $0x0  }
0x52: {  	s26 =	simm.s32 $0x8A10;
	s28 =	simm.s32 $0x10;
	[sflag:s20] =	ssyncadd.s32 $0xFFFFFE00  }
.LBB2_2:
0x53: {  	_ = 	snop  }
0x54: {  	s29 =	sadd.s32 $0xFFFFFFF0, s28  }
0x55: {  	v33 =	vmov s29  }
0x56: {  	v33 =	vshll.u32 v33, $0x5  }
0x57: {  	v33 =	vor.u32 v0, v33  }
0x58: {  	v36 =	vld [tilespmem:s24+$0xFFFFFFF0];
	v34 =	vor.u32 v63, v33  }
0x59: {  	v37 =	vld [tilespmem:s25+$0xFFFFFFF0]  }
0x5a: {  	v27 =	vmov v24;
	v24 =	vmov v22;
	v22 =	vld [tilespmem:$0x1FEA0];
	v35 =	vor.u32 v1, v33  }
0x5b: {  	v31 =	vmovc v21;
	v38 =	vor.u32 v2, v33;
	v62 =	vor.u32 v14, v33;
	v14 =	vor.u32 v21, v33;
	v21 =	vld [tilespmem:$0x1FE90]  }
0x5c: {  	v32 =	vmovc v23;
	v42 =	vor.u32 v4, v33;
	v4 =	vor.u32 v16, v33;
	v16 =	vor.u32 v23, v33;
	v23 =	vld [tilespmem:$0x1FEB0]  }
0x5d: {  	v39 =	vld.idx.msk [tilespmem:v34+s15+$0x0], $0xffff  }
0x5e: {  	v40 =	vor.u32 v3, v33;
	v34 =	vld.idx.msk [tilespmem:v34+s16+$0x0], $0xffff  }
0x5f: {  	v41 =	vld.idx.msk [tilespmem:v35+s15+$0x0], $0xffff  }
0x60: {  	v35 =	vld.idx.msk [tilespmem:v35+s16+$0x0], $0xffff  }
0x61: {  	v43 =	vld.idx.msk [tilespmem:v38+s15+$0x0], $0xffff  }
0x62: {  	v44 =	vor.u32 v5, v33;
	v38 =	vld.idx.msk [tilespmem:v38+s16+$0x0], $0xffff  }
0x63: {  	v45 =	vld.idx.msk [tilespmem:v40+s15+$0x0], $0xffff  }
0x64: {  	v46 =	vor.u32 v6, v33;
	v40 =	vld.idx.msk [tilespmem:v40+s16+$0x0], $0xffff  }
0x65: {  	v47 =	vld.idx.msk [tilespmem:v42+s15+$0x0], $0xffff  }
0x66: {  	v48 =	vor.u32 v7, v33;
	v42 =	vld.idx.msk [tilespmem:v42+s16+$0x0], $0xffff  }
0x67: {  	v49 =	vld.idx.msk [tilespmem:v44+s15+$0x0], $0xffff  }
0x68: {  	v50 =	vor.u32 v8, v33;
	v44 =	vld.idx.msk [tilespmem:v44+s16+$0x0], $0xffff  }
0x69: {  	v51 =	vld.idx.msk [tilespmem:v46+s15+$0x0], $0xffff  }
0x6a: {  	v52 =	vor.u32 v9, v33;
	v46 =	vld.idx.msk [tilespmem:v46+s16+$0x0], $0xffff  }
0x6b: {  	v53 =	vld.idx.msk [tilespmem:v48+s15+$0x0], $0xffff  }
0x6c: {  	v54 =	vor.u32 v10, v33;
	v48 =	vld.idx.msk [tilespmem:v48+s16+$0x0], $0xffff  }
0x6d: {  	v55 =	vld.idx.msk [tilespmem:v50+s15+$0x0], $0xffff  }
0x6e: {  	v56 =	vor.u32 v11, v33;
	v50 =	vld.idx.msk [tilespmem:v50+s16+$0x0], $0xffff  }
0x6f: {  	v28 =	vmov v25;
	v25 =	vmov v57;
	v57 =	vld.idx.msk [tilespmem:v52+s15+$0x0], $0xffff  }
0x70: {  	v58 =	vor.u32 v12, v33;
	v52 =	vld.idx.msk [tilespmem:v52+s16+$0x0], $0xffff  }
0x71: {  	v59 =	vld.idx.msk [tilespmem:v54+s15+$0x0], $0xffff  }
0x72: {  	v60 =	vor.u32 v13, v33;
	v54 =	vld.idx.msk [tilespmem:v54+s16+$0x0], $0xffff  }
0x73: {  	v61 =	vld.idx.msk [tilespmem:v56+s15+$0x0], $0xffff  }
0x74: {  	v56 =	vld.idx.msk [tilespmem:v56+s16+$0x0], $0xffff  }
0x75: {  	v63 =	vld.idx.msk [tilespmem:v58+s15+$0x0], $0xffff  }
0x76: {  	v0 =	vor.u32 v15, v33;
	v58 =	vld.idx.msk [tilespmem:v58+s16+$0x0], $0xffff  }
0x77: {  	v1 =	vld.idx.msk [tilespmem:v60+s15+$0x0], $0xffff  }
0x78: {  	v2 =	vor.u32 v26, v33;
	v60 =	vld.idx.msk [tilespmem:v60+s16+$0x0], $0xffff  }
0x79: {  	v3 =	vld.idx.msk [tilespmem:v62+s15+$0x0], $0xffff  }
0x7a: {  	v62 =	vld.idx.msk [tilespmem:v62+s16+$0x0], $0xffff  }
0x7b: {  	v5 =	vld.idx.msk [tilespmem:v0+s15+$0x0], $0xffff  }
0x7c: {  	v6 =	vor.u32 v18, v33;
	v0 =	vld.idx.msk [tilespmem:v0+s16+$0x0], $0xffff  }
0x7d: {  	v7 =	vld.idx.msk [tilespmem:v2+s15+$0x0], $0xffff  }
0x7e: {  	v8 =	vor.u32 v19, v33;
	v2 =	vld.idx.msk [tilespmem:v2+s16+$0x0], $0xffff  }
0x7f: {  	v9 =	vld.idx.msk [tilespmem:v4+s15+$0x0], $0xffff  }
0x80: {  	v10 =	vor.u32 v17, v33;
	v4 =	vld.idx.msk [tilespmem:v4+s16+$0x0], $0xffff  }
0x81: {  	v11 =	vld.idx.msk [tilespmem:v6+s15+$0x0], $0xffff  }
0x82: {  	v12 =	vor.u32 v20, v33;
	v6 =	vld.idx.msk [tilespmem:v6+s16+$0x0], $0xffff  }
0x83: {  	v13 =	vld.idx.msk [tilespmem:v8+s15+$0x0], $0xffff  }
0x84: {  	v8 =	vld.idx.msk [tilespmem:v8+s16+$0x0], $0xffff  }
0x85: {  	v26 =	vmov v15;
	v15 =	vld.idx.msk [tilespmem:v10+s15+$0x0], $0xffff  }
0x86: {  	v10 =	vld.idx.msk [tilespmem:v10+s16+$0x0], $0xffff  }
0x87: {  	v17 =	vld.idx.msk [tilespmem:v12+s15+$0x0], $0xffff  }
0x88: {  	v30 =	vmov v18;
	v12 =	vld.idx.msk [tilespmem:v12+s16+$0x0], $0xffff;
	v18 =	vor.u32 v21, v33  }
0x89: {  	v19 =	vld.idx.msk [tilespmem:v14+s15+$0x0], $0xffff  }
0x8a: {  	v20 =	vor.u32 v22, v33;
	v14 =	vld.idx.msk [tilespmem:v14+s16+$0x0], $0xffff  }
0x8b: {  	v34 =	vmul.f32 v34, v39;
	v39 =	vld.idx.msk [tilespmem:v16+s15+$0x0], $0xffff  }
0x8c: {  	v16 =	vld.idx.msk [tilespmem:v16+s16+$0x0], $0xffff  }
0x8d: {  	v45 =	vmul.f32 v40, v45;
	v40 =	vld.idx.msk [tilespmem:v18+s15+$0x0], $0xffff  }
0x8e: {  	v18 =	vld.idx.msk [tilespmem:v18+s16+$0x0], $0xffff  }
0x8f: {  	v35 =	vmul.f32 v35, v41;
	v41 =	vor.u32 v23, v33;
	v49 =	vmul.f32 v44, v49;
	v44 =	vld.idx.msk [tilespmem:v20+s15+$0x0], $0xffff  }
0x90: {  	v51 =	vmul.f32 v46, v51;
	v20 =	vld.idx.msk [tilespmem:v20+s16+$0x0], $0xffff;
	v52 =	vmul.f32 v52, v57  }
0x91: {  	v54 =	vmul.f32 v54, v59;
	v57 =	vor.u32 v29, v33;
	v59 =	vmul.f32 v58, v63;
	v58 =	vld [tilespmem:$0x1FFA0]  }
0x92: {  	v55 =	vmul.f32 v50, v55;
	v1 =	vmul.f32 v60, v1;
	v60 =	vld [tilespmem:$0x1FFC0]  }
0x93: {  	v3 =	vmul.f32 v62, v3;
	v62 =	vld [tilespmem:$0x1FFD0];
	v34 =	vadd.f32 v34, v36;
	v36 =	vmul.f32 v38, v43  }
0x94: {  	v35 =	vadd.f32 v35, v37;
	v37 =	vmul.f32 v42, v47;
	v42 =	vor.u32 v24, v33;
	v47 =	vld.idx.msk [tilespmem:v41+s15+$0x0], $0xffff  }
0x95: {  	v4 =	vmul.f32 v4, v9;
	v38 =	vadd.f32 $0.0e+00, v45;
	v36 =	vadd.f32 $0.0e+00, v36;
	v41 =	vld.idx.msk [tilespmem:v41+s16+$0x0], $0xffff  }
0x96: {  	v43 =	vmul.f32 v48, v53;
	v53 =	vor.u32 v25, v33;
	v35 =	vadd.f32 v49, v35;
	v9 =	vld.idx.msk [tilespmem:v57+s15+$0x0], $0xffff  }
0x97: {  	v56 =	vmul.f32 v56, v61;
	v34 =	vadd.f32 v37, v34;
	v36 =	vadd.f32 v51, v36;
	v51 =	vld [tilespmem:$0x1FF70]  }
0x98: {  	v0 =	vmul.f32 v0, v5;
	v38 =	vadd.f32 v43, v38;
	v35 =	vadd.f32 v52, v35;
	v52 =	vld [tilespmem:$0x1FF80]  }
0x99: {  	v45 =	vor.u32 v27, v33;
	v33 =	vor.u32 v28, v33;
	v34 =	vadd.f32 v55, v34;
	v55 =	vld.idx.msk [tilespmem:v42+s15+$0x0], $0xffff  }
0x9a: {  	v2 =	vmul.f32 v2, v7;
	v37 =	vadd.f32 v56, v38;
	v42 =	vld.idx.msk [tilespmem:v42+s16+$0x0], $0xffff;
	v36 =	vadd.f32 v54, v36  }
0x9b: {  	v6 =	vmul.f32 v6, v11;
	v5 =	vld.idx.msk [tilespmem:v53+s15+$0x0], $0xffff;
	v34 =	vadd.f32 v59, v34;
	v1 =	vadd.f32 v1, v35  }
0x9c: {  	v8 =	vmul.f32 v8, v13;
	v7 =	vld.idx.msk [tilespmem:v53+s16+$0x0], $0xffff;
	v0 =	vadd.f32 v0, v37;
	v3 =	vadd.f32 v3, v36  }
0x9d: {  	v2 =	vadd.f32 v2, v34;
	v1 =	vadd.f32 v4, v1;
	v4 =	vmul.f32 v10, v15;
	v10 =	vld.idx.msk [tilespmem:v57+s16+$0x0], $0xffff  }
0x9e: {  	v0 =	vadd.f32 v8, v0;
	v8 =	vld.idx.msk [tilespmem:v33+s15+$0x0], $0xffff;
	v3 =	vadd.f32 v6, v3;
	v6 =	vmul.f32 v12, v17  }
0x9f: {  	v2 =	vadd.f32 v4, v2;
	v4 =	vmul.f32 v14, v19;
	v12 =	vld.idx.msk [tilespmem:v33+s16+$0x0], $0xffff  }
0xa0: {  	v11 =	vmul.f32 v16, v39;
	v61 =	vld.idx.msk [tilespmem:v45+s15+$0x0], $0xffff;
	v1 =	vadd.f32 v6, v1;
	v6 =	vmul.f32 v18, v40  }
0xa1: {  	v45 =	vld.idx.msk [tilespmem:v45+s16+$0x0], $0xffff;
	v3 =	vadd.f32 v4, v3;
	v4 =	vmul.f32 v41, v47  }
0xa2: {  	v53 =	vld [tilespmem:$0x1FF90];
	v0 =	vadd.f32 v11, v0;
	v2 =	vadd.f32 v6, v2;
	v6 =	vmul.f32 v42, v55  }
0xa3: {  	v54 =	vld [tilespmem:$0x1FF50];
	v5 =	vmul.f32 v7, v5;
	v3 =	vadd.f32 v4, v3  }
0xa4: {  	v15 =	vld [tilespmem:$0x1FF30];
	v7 =	vmul.f32 v12, v8;
	v0 =	vadd.f32 v6, v0;
	v6 =	vmul.f32 v10, v9  }
0xa5: {  	v57 =	vld [tilespmem:$0x1FFF0]  }
0xa6: {  	v13 =	vmul.f32 v20, v44;
	v11 =	vld [tilespmem:$0x1FF10];
	v3 =	vadd.f32 v6, v3;
	v0 =	vadd.f32 v7, v0  }
0xa7: {  	v17 =	vld [tilespmem:$0x1FF40]  }
0xa8: {  	v1 =	vadd.f32 v13, v1;
	v4 =	vmul.f32 v45, v61;
	v0 =	vadd.f32 v0, v3;
	v3 =	vld [tilespmem:$0x1FEC0]  }
0xa9: {  	v19 =	vld [tilespmem:$0x1FFB0]  }
0xaa: {  	v13 =	vld [tilespmem:$0x1FF20];
	v2 =	vadd.f32 v4, v2;
	v1 =	vadd.f32 v5, v1  }
0xab: {  	v4 =	vmov s28;
	v5 =	vld [tilespmem:$0x1FEE0]  }
0xac: {  	v55 =	vld [tilespmem:$0x1FF60];
	v1 =	vadd.f32 v1, v2;
	v2 =	vshll.u32 v4, $0x5  }
0xad: {  	v63 =	vlaneseq.u32;
	v7 =	vld [tilespmem:$0x1FEF0];
	v2 =	vor.u32 v3, v2  }
0xae: {  	v61 =	vld [tilespmem:$0x1FFE0];
	v0 =	vadd.f32 v0, v1;
	v1 =	vor.u32 v63, v2  }
0xaf: {  	v9 =	vld [tilespmem:$0x1FF00]  }
0xb0: {  	[tilespmem:s26+$0xFFFFFFF0] =	vst v0;
	v0 =	vld [tilespmem:$0x1FED0];
	v5 =	vor.u32 v5, v2  }
0xb1: {  	v3 =	vld [tilespmem:s24+$0x0]  }
0xb2: {  	v4 =	vld [tilespmem:s25+$0x0];
	v7 =	vor.u32 v7, v2  }
0xb3: {  	v6 =	vld.idx.msk [tilespmem:v1+s15+$0x0], $0xffff  }
0xb4: {  	v9 =	vor.u32 v9, v2;
	v1 =	vld.idx.msk [tilespmem:v1+s16+$0x0], $0xffff  }
0xb5: {  	v10 =	vld.idx.msk [tilespmem:v5+s15+$0x0], $0xffff  }
0xb6: {  	v11 =	vor.u32 v11, v2;
	v5 =	vld.idx.msk [tilespmem:v5+s16+$0x0], $0xffff  }
0xb7: {  	v12 =	vld.idx.msk [tilespmem:v7+s15+$0x0], $0xffff  }
0xb8: {  	v13 =	vor.u32 v13, v2;
	v7 =	vld.idx.msk [tilespmem:v7+s16+$0x0], $0xffff  }
0xb9: {  	v14 =	vld.idx.msk [tilespmem:v9+s15+$0x0], $0xffff  }
0xba: {  	v15 =	vor.u32 v15, v2;
	v9 =	vld.idx.msk [tilespmem:v9+s16+$0x0], $0xffff  }
0xbb: {  	v16 =	vld.idx.msk [tilespmem:v11+s15+$0x0], $0xffff  }
0xbc: {  	v17 =	vor.u32 v17, v2;
	v11 =	vld.idx.msk [tilespmem:v11+s16+$0x0], $0xffff  }
0xbd: {  	v18 =	vld.idx.msk [tilespmem:v13+s15+$0x0], $0xffff  }
0xbe: {  	v19 =	vor.u32 v19, v2;
	v13 =	vld.idx.msk [tilespmem:v13+s16+$0x0], $0xffff  }
0xbf: {  	v20 =	vld.idx.msk [tilespmem:v15+s15+$0x0], $0xffff  }
0xc0: {  	v33 =	vor.u32 v51, v2;
	v15 =	vld.idx.msk [tilespmem:v15+s16+$0x0], $0xffff  }
0xc1: {  	v34 =	vld.idx.msk [tilespmem:v17+s15+$0x0], $0xffff  }
0xc2: {  	v35 =	vor.u32 v52, v2;
	v17 =	vld.idx.msk [tilespmem:v17+s16+$0x0], $0xffff  }
0xc3: {  	v36 =	vld.idx.msk [tilespmem:v19+s15+$0x0], $0xffff  }
0xc4: {  	v37 =	vor.u32 v53, v2;
	v19 =	vld.idx.msk [tilespmem:v19+s16+$0x0], $0xffff  }
0xc5: {  	v38 =	vld.idx.msk [tilespmem:v33+s15+$0x0], $0xffff  }
0xc6: {  	v39 =	vor.u32 v54, v2;
	v33 =	vld.idx.msk [tilespmem:v33+s16+$0x0], $0xffff  }
0xc7: {  	v40 =	vld.idx.msk [tilespmem:v35+s15+$0x0], $0xffff  }
0xc8: {  	v41 =	vor.u32 v55, v2;
	v35 =	vld.idx.msk [tilespmem:v35+s16+$0x0], $0xffff  }
0xc9: {  	v42 =	vld.idx.msk [tilespmem:v37+s15+$0x0], $0xffff  }
0xca: {  	v56 =	vor.u32 v26, v2;
	v37 =	vld.idx.msk [tilespmem:v37+s16+$0x0], $0xffff  }
0xcb: {  	v44 =	vld.idx.msk [tilespmem:v39+s15+$0x0], $0xffff  }
0xcc: {  	v45 =	vor.u32 v57, v2;
	v39 =	vld.idx.msk [tilespmem:v39+s16+$0x0], $0xffff  }
0xcd: {  	v46 =	vld.idx.msk [tilespmem:v41+s15+$0x0], $0xffff  }
0xce: {  	v47 =	vor.u32 v58, v2;
	v41 =	vld.idx.msk [tilespmem:v41+s16+$0x0], $0xffff  }
0xcf: {  	v48 =	vld.idx.msk [tilespmem:v56+s15+$0x0], $0xffff  }
0xd0: {  	v59 =	vor.u32 v30, v2;
	v43 =	vld.idx.msk [tilespmem:v56+s16+$0x0], $0xffff  }
0xd1: {  	v50 =	vld.idx.msk [tilespmem:v45+s15+$0x0], $0xffff  }
0xd2: {  	v51 =	vor.u32 v60, v2;
	v45 =	vld.idx.msk [tilespmem:v45+s16+$0x0], $0xffff  }
0xd3: {  	v52 =	vld.idx.msk [tilespmem:v47+s15+$0x0], $0xffff  }
0xd4: {  	v53 =	vor.u32 v61, v2;
	v47 =	vld.idx.msk [tilespmem:v47+s16+$0x0], $0xffff  }
0xd5: {  	v54 =	vld.idx.msk [tilespmem:v59+s15+$0x0], $0xffff  }
0xd6: {  	v55 =	vor.u32 v62, v2;
	v49 =	vld.idx.msk [tilespmem:v59+s16+$0x0], $0xffff  }
0xd7: {  	v0 =	vor.u32 v0, v2;
	v56 =	vld.idx.msk [tilespmem:v51+s15+$0x0], $0xffff  }
0xd8: {  	v51 =	vld.idx.msk [tilespmem:v51+s16+$0x0], $0xffff  }
0xd9: {  	v58 =	vld.idx.msk [tilespmem:v53+s15+$0x0], $0xffff  }
0xda: {  	v57 =	vor.u32 v31, v2;
	v53 =	vld.idx.msk [tilespmem:v53+s16+$0x0], $0xffff  }
0xdb: {  	v60 =	vld.idx.msk [tilespmem:v55+s15+$0x0], $0xffff  }
0xdc: {  	v59 =	vor.u32 v32, v2;
	v8 =	vld.idx.msk [tilespmem:v0+s15+$0x0], $0xffff  }
0xdd: {  	v0 =	vld.idx.msk [tilespmem:v0+s16+$0x0], $0xffff  }
0xde: {  	v61 =	vor.u32 v21, v2;
	v55 =	vld.idx.msk [tilespmem:v55+s16+$0x0], $0xffff  }
0xdf: {  	v62 =	vld.idx.msk [tilespmem:v57+s15+$0x0], $0xffff;
	v1 =	vmul.f32 v1, v6  }
0xe0: {  	v6 =	vld.idx.msk [tilespmem:v57+s16+$0x0], $0xffff;
	v57 =	vor.u32 v22, v2  }
0xe1: {  	v1 =	vadd.f32 v1, v3;
	v3 =	vld.idx.msk [tilespmem:v59+s16+$0x0], $0xffff  }
0xe2: {  	v0 =	vmul.f32 v0, v8;
	v8 =	vld.idx.msk [tilespmem:v59+s15+$0x0], $0xffff;
	v59 =	vor.u32 v23, v2  }
0xe3: {  	v5 =	vmul.f32 v5, v10;
	v10 =	vld.idx.msk [tilespmem:v61+s16+$0x0], $0xffff;
	v15 =	vmul.f32 v15, v20;
	v20 =	vor.u32 v29, v2  }
0xe4: {  	v0 =	vadd.f32 v0, v4;
	v4 =	vmul.f32 v9, v14;
	v9 =	vmul.f32 v11, v16;
	v11 =	vld.idx.msk [tilespmem:v61+s15+$0x0], $0xffff  }
0xe5: {  	v7 =	vmul.f32 v7, v12;
	v12 =	vld.idx.msk [tilespmem:v57+s16+$0x0], $0xffff  }
0xe6: {  	v14 =	vor.u32 v24, v2;
	v1 =	vadd.f32 v4, v1;
	v4 =	vld.idx.msk [tilespmem:v57+s15+$0x0], $0xffff  }
0xe7: {  	v16 =	vmul.f32 v17, v34;
	v17 =	vld.idx.msk [tilespmem:v59+s15+$0x0], $0xffff  }
0xe8: {  	v0 =	vadd.f32 v9, v0;
	v9 =	vmul.f32 v13, v18;
	v18 =	vld.idx.msk [tilespmem:v59+s16+$0x0], $0xffff  }
0xe9: {  	v7 =	vadd.f32 $0.0e+00, v7;
	v59 =	vld.idx.msk [tilespmem:v20+s15+$0x0], $0xffff  }
0xea: {  	v5 =	vadd.f32 $0.0e+00, v5;
	v13 =	vor.u32 v27, v2;
	v20 =	vld.idx.msk [tilespmem:v20+s16+$0x0], $0xffff  }
0xeb: {  	v7 =	vadd.f32 v15, v7;
	v15 =	vmul.f32 v33, v38;
	v1 =	vadd.f32 v16, v1;
	v16 =	vld.idx.msk [tilespmem:v14+s15+$0x0], $0xffff  }
0xec: {  	v57 =	vmov v25;
	v5 =	vadd.f32 v9, v5;
	v9 =	vmul.f32 v19, v36;
	v14 =	vld.idx.msk [tilespmem:v14+s16+$0x0], $0xffff  }
0xed: {  	v3 =	vmul.f32 v3, v8;
	v19 =	vor.u32 v57, v2;
	v8 =	vmul.f32 v10, v11;
	v11 =	vld [tilespmem:$0x1FF80]  }
0xee: {  	v2 =	vor.u32 v28, v2;
	v10 =	vld [tilespmem:$0x1FF70];
	v0 =	vadd.f32 v9, v0;
	v9 =	vmul.f32 v35, v40  }
0xef: {  	v5 =	vadd.f32 v15, v5;
	v15 =	vmul.f32 v37, v42;
	v42 =	vmul.f32 v39, v44;
	v44 =	vld.idx.msk [tilespmem:v13+s15+$0x0], $0xffff  }
0xf0: {  	v13 =	vld.idx.msk [tilespmem:v13+s16+$0x0], $0xffff;
	v7 =	vadd.f32 v9, v7;
	v9 =	vmul.f32 v41, v46  }
0xf1: {  	v4 =	vmul.f32 v12, v4;
	v12 =	vld [tilespmem:$0x1FF90];
	v1 =	vadd.f32 v15, v1;
	v15 =	vmul.f32 v43, v48  }
0xf2: {  	v52 =	vmul.f32 v47, v52;
	v48 =	vld.idx.msk [tilespmem:v19+s15+$0x0], $0xffff;
	v5 =	vadd.f32 v9, v5;
	v9 =	vmul.f32 v45, v50  }
0xf3: {  	v56 =	vmul.f32 v51, v56;
	v19 =	vld.idx.msk [tilespmem:v19+s16+$0x0], $0xffff;
	v7 =	vadd.f32 v15, v7;
	v15 =	vmul.f32 v49, v54  }
0xf4: {  	v6 =	vmul.f32 v6, v62;
	v61 =	vld.idx.msk [tilespmem:v2+s15+$0x0], $0xffff;
	v1 =	vadd.f32 v9, v1;
	v9 =	vmul.f32 v53, v58  }
0xf5: {  	v0 =	vadd.f32 v42, v0;
	v2 =	vld.idx.msk [tilespmem:v2+s16+$0x0], $0xffff;
	v5 =	vadd.f32 v15, v5;
	v15 =	vmul.f32 v55, v60  }
0xf6: {  	v7 =	vadd.f32 v56, v7;
	v1 =	vadd.f32 v9, v1;
	v9 =	vld [tilespmem:$0x1FFB0]  }
0xf7: {  	v0 =	vadd.f32 v52, v0;
	v5 =	vadd.f32 v6, v5;
	v6 =	vmul.f32 v18, v17;
	v17 =	vld [tilespmem:$0x1FFE0]  }
0xf8: {  	v3 =	vadd.f32 v3, v7;
	v7 =	vmul.f32 v19, v48;
	v19 =	vld [tilespmem:$0x1FFC0]  }
0xf9: {  	v0 =	vadd.f32 v15, v0;
	v15 =	vmov v26;
	v26 =	vld [tilespmem:$0x1FFF0]  }
0xfa: {  	v1 =	vadd.f32 v8, v1;
	v8 =	vld [tilespmem:$0x1FF40]  }
0xfb: {  	v0 =	vadd.f32 v4, v0;
	v4 =	vmul.f32 v14, v16;
	v16 =	vld [tilespmem:$0x1FFA0]  }
0xfc: {  	v14 =	vld [tilespmem:$0x1FF60]  }
0xfd: {  	v5 =	vadd.f32 v6, v5;
	v6 =	vmul.f32 v13, v44;
	v13 =	vld [tilespmem:$0x1FF50]  }
0xfe: {  	v2 =	vmul.f32 v2, v61;
	v3 =	vadd.f32 v4, v3;
	v4 =	vmul.f32 v20, v59;
	v20 =	vld [tilespmem:$0x1FFD0]  }
0xff: {  	v1 =	vadd.f32 v6, v1;
	v6 =	vld [tilespmem:$0x1FF20];
	v0 =	vadd.f32 v7, v0  }
0x100: {  	s23 =	sadd.s32 $0x2, s23;
	v7 =	vld [tilespmem:$0x1FF30];
	v4 =	vadd.f32 v4, v5;
	v2 =	vadd.f32 v2, v3  }
0x101: {  	p0 =	slt.u32 s23, $0x1E;
	v5 =	vld [tilespmem:$0x1FF10]  }
.Ltmp0:
0x102: {  	v3 =	vld [tilespmem:$0x1FEF0];
	v0 =	vadd.f32 v0, v1;
	v1 =	vadd.f32 v2, v4;
	(pc) =	sbr.rel @p0 .LBB2_2-.Ltmp0, $4  }
0x103: {  	v4 =	vld [tilespmem:$0x1FF00]  }
0x104: {  	v2 =	vld [tilespmem:$0x1FEE0];
	v0 =	vadd.f32 v1, v0  }
0x105: {  	s28 =	sadd.s32 $0x20, s28;
	v21 =	vmov v31;
	v1 =	vld [tilespmem:$0x1FED0]  }
0x106: {  	s24 =	sadd.s32 $0x20, s24;
	s25 =	sadd.s32 $0x20, s25;
	v22 =	vmovc v24;
	v23 =	vmovc v32;
	v24 =	vmov v27;
	v25 =	vmov v28;
	v18 =	vmov v30;
	[tilespmem:s26+$0x0] =	vst v0;
	v0 =	vld [tilespmem:$0x1FEC0];
	s26 =	sadd.s32 $0x20, s26  }
0x107: {  	[hbm4b:s10+s3] =	stream.linear.scatter [tilespmem:s21], [sflag:$0x2], $0x200, $0x38;
	[tilespmem:$0x8C00] =	vst v63  }
0x108: {  	s22 =	sadd.s32 $0x1, s22;
	_ =	swait.ge [sflag:s13], $0x200  }
0x109: {  	p0 =	sne.s32 s22, s12;
	[sflag:s13] =	ssyncset.done $0x0  }
.Ltmp1:
0x10a: {  	[sflag:s13] =	ssyncadd.s32 $0xFFFFFE00;
	(pc) =	sbr.rel @p0 .LBB2_1-.Ltmp1, $4  }
0x10b: {  	[hbm4b:s11+s3] =	stream.linear.scatter [tilespmem:s19], [sflag:$0x2], $0x200, $0x38;
	[tilespmem:$0x8C00] =	vst v63  }
0x10c: {  	_ =	swait.ge [sflag:s13], $0x200  }
0x10d: {  	[sflag:s13] =	ssyncset.done $0x0  }
0x10e: {  	[sflag:s13] =	ssyncadd.s32 $0xFFFFFE00  }
0x10f: {  	_ =	sfence.sel $0x180000  }
0x110: {  	[bflag:$0x0] =	sbarrier.arrive $0xFFFF  }
0x111: {  	p0 =	sne.s32 s4, $0x0;
	_ =	strace $0x90000047  }
0x112: {  	s0 =	sadd.s32 @!p0 $0x100000, s1;
	[bflag:$0x2] =	sbarrier.arrive $0xFFFF  }
0x113: {  	[sflag:s0] =	ssyncadd.tile.s32 @!p0 $0x1;
	_ =	shalt  }
.Lfunc_end2:
_tile_overlayer_lowered:
.L_overlay_start_2:
0x114: {  	(tag) =	ssettag $0x2  }
0x115: {  	s0 =	rddreg [dreg:$0x0];
	s2 =	stileid.u32  }
0x116: {  	s1 =	rddreg [dreg:$0x1];
	p0 =	sne.s32 s2, $0x0  }
0x117: {  	s3 =	rddreg [dreg:$0x2];
	[bflag:$0x3] =	sbarrier.arrive $0xFFFF;
	s2 =	simm.s32 @!p0 $0x1C02  }
0x118: {  	[timem:s3], [sflag:s2] =	dma.local @!p0 [hbm:s0], s1  }
0x119: {  	s0 =	simm.s32 @!p0 $0x2  }
0x11a: {  	_ =	swait.ge @!p0 [sflag:s0], s1  }
0x11b: {  	s1 =	ssub.s32 @!p0 $0x0, s1;
	[sflag:s0] =	ssyncset.done @!p0 $0x0  }
0x11c: {  	[sflag:s0] =	ssyncadd.s32 @!p0 s1  }
0x11d: {  	[bflag:$0x3] =	sbarrier.arrive $0xFFFF  }
0x11e: {  	_ =	shalt  }

</sc_bundles>
